<compile_context>
chip_gen: v7x
topology: tpu7x:2x2x1
jax: 0.10.2.dev20260603
libtpu: 0.0.44.dev20260713+nightly
codegen_flags: <defaults>
</compile_context>

<pallas_src>
import functools

import jax
import jax.numpy as jnp
from jax import lax
from jax.experimental import pallas as pl
from jax.experimental.pallas import tpu as pltpu
from jax.experimental.pallas import tpu_sc as plsc

_NUM_CORES = 2
_NUM_SUBCORES = 16
_NUM_WORKERS = _NUM_CORES * _NUM_SUBCORES
_CHUNK = 128
_NBUF = 4
_BR = 1024
_DW = 16


def _round_up(a, b):
    return (a + b - 1) // b * b


@functools.cache
def _make_deg_kernel(e_pad, n_pad):
    epw = e_pad // _NUM_WORKERS
    n_chunks = epw // _CHUNK
    stripe = n_pad // _NUM_SUBCORES
    groups = n_chunks // 8
    mesh = plsc.VectorSubcoreMesh(core_axis_name="c", subcore_axis_name="s")

    @functools.partial(
        pl.kernel,
        out_type=jax.ShapeDtypeStruct((_NUM_CORES, n_pad, _DW), jnp.float32),
        mesh=mesh,
        scratch_types=[
            pltpu.VMEM((n_chunks, _CHUNK), jnp.int32),
            pltpu.VMEM((_CHUNK, _DW), jnp.float32),
            pltpu.VMEM_SHARED((n_pad, _DW), jnp.float32),
            pltpu.SemaphoreType.DMA,
        ],
        compiler_params=pltpu.CompilerParams(use_tc_tiling_on_sc=False),
    )
    def deg_kernel(dst_hbm, ones_hbm, zeros_hbm, out_hbm,
                   didx_v, ones_v, acc_sh, sem):
        cid = lax.axis_index("c")
        sid = lax.axis_index("s")
        wid = sid * _NUM_CORES + cid
        lo = sid * stripe
        pltpu.sync_copy(zeros_hbm, acc_sh.at[pl.ds(lo, stripe)])
        pltpu.sync_copy(ones_hbm, ones_v)
        pltpu.sync_copy(dst_hbm.at[pl.ds(wid * n_chunks, n_chunks)], didx_v)
        plsc.subcore_barrier()

        def body(gr, carry):
            for b in range(8):
                g = gr * 8 + b
                pltpu.async_copy(ones_v, acc_sh.at[didx_v.at[g]], sem,
                                 add=True)
            for b in range(8):
                g = gr * 8 + b
                pltpu.make_async_copy(ones_v, acc_sh.at[didx_v.at[g]],
                                      sem).wait()
            return carry

        lax.fori_loop(0, groups, body, 0)
        plsc.subcore_barrier()
        pltpu.sync_copy(acc_sh.at[pl.ds(lo, stripe)],
                        out_hbm.at[cid, pl.ds(lo, stripe)])

    return deg_kernel


@functools.cache
def _make_scatter_kernel(e_pad, n_pad, hf, nbuf=_NBUF):
    eps = e_pad // _NUM_SUBCORES
    n_chunks = eps // _CHUNK
    n_groups = n_chunks // nbuf
    stripe = n_pad // _NUM_SUBCORES
    mesh = plsc.VectorSubcoreMesh(core_axis_name="c", subcore_axis_name="s")

    @functools.partial(
        pl.kernel,
        out_type=jax.ShapeDtypeStruct((_NUM_CORES, n_pad, hf), jnp.float32),
        mesh=mesh,
        scratch_types=[
            pltpu.VMEM((n_chunks, _CHUNK), jnp.int32),
            pltpu.VMEM((n_chunks, _CHUNK), jnp.int32),
            pltpu.VMEM((nbuf, _CHUNK, hf), jnp.float32),
            pltpu.VMEM_SHARED((n_pad, hf), jnp.float32),
        ]
        + [pltpu.SemaphoreType.DMA] * (2 * nbuf),
        compiler_params=pltpu.CompilerParams(use_tc_tiling_on_sc=False),
    )
    def scatter_kernel(g_hbm, src2_hbm, dst_hbm, zeros_hbm, out_hbm,
                       sidx_v, didx_v, rows_v, acc_sh, *sems):
        gsem = sems[:nbuf]
        ssem = sems[nbuf:]
        cid = lax.axis_index("c")
        sid = lax.axis_index("s")
        lo = sid * stripe
        pltpu.sync_copy(zeros_hbm, acc_sh.at[pl.ds(lo, stripe)])
        pltpu.sync_copy(src2_hbm.at[cid, pl.ds(sid * n_chunks, n_chunks)],
                        sidx_v)
        pltpu.sync_copy(dst_hbm.at[pl.ds(sid * n_chunks, n_chunks)], didx_v)
        plsc.subcore_barrier()

        for b in range(nbuf):
            pltpu.async_copy(g_hbm.at[sidx_v.at[b]], rows_v.at[b], gsem[b])

        def body(gr, carry):
            for b in range(nbuf):
                g = gr * nbuf + b
                pltpu.make_async_copy(g_hbm.at[sidx_v.at[g]], rows_v.at[b],
                                      gsem[b]).wait()
                pltpu.async_copy(rows_v.at[b], acc_sh.at[didx_v.at[g]],
                                 ssem[b], add=True)
            for b in range(nbuf):
                g = (gr + 1) * nbuf + b

                @pl.when(g < n_chunks)
                def _():
                    pltpu.make_async_copy(rows_v.at[b],
                                          acc_sh.at[didx_v.at[g - nbuf]],
                                          ssem[b]).wait()
                    pltpu.async_copy(g_hbm.at[sidx_v.at[g]], rows_v.at[b],
                                     gsem[b])
            return carry

        lax.fori_loop(0, n_groups, body, 0)
        last = (n_groups - 1) * nbuf
        for b in range(nbuf):
            pltpu.make_async_copy(rows_v.at[b],
                                  acc_sh.at[didx_v.at[last + b]],
                                  ssem[b]).wait()
        plsc.subcore_barrier()
        pltpu.sync_copy(acc_sh.at[pl.ds(lo, stripe)],
                        out_hbm.at[cid, pl.ds(lo, stripe)])

    return scatter_kernel


def _tc_layer1(x_pad, W1, degparts):
    n_pad, nf = x_pad.shape
    nh = W1.shape[1]

    def body(x_ref, w_ref, dp_ref, g1_ref):
        deg = dp_ref[0, :, 0] + dp_ref[1, :, 0] + 1.0
        dis = lax.rsqrt(deg)
        z1 = jnp.dot(x_ref[...], w_ref[...], preferred_element_type=jnp.float32)
        g1_ref[...] = z1 * dis[:, None]

    return pl.pallas_call(
        body,
        grid=(n_pad // _BR,),
        in_specs=[
            pl.BlockSpec((_BR, nf), lambda i: (i, 0)),
            pl.BlockSpec((nf, nh), lambda i: (0, 0)),
            pl.BlockSpec((_NUM_CORES, _BR, _DW), lambda i: (0, i, 0)),
        ],
        out_specs=pl.BlockSpec((_BR, nh), lambda i: (i, 0)),
        out_shape=jax.ShapeDtypeStruct((n_pad, nh), jnp.float32),
    )(x_pad, W1, degparts)


def _tc_layer2(s1, g1, degparts, b1, W2, n_real):
    _, n_pad, hf1 = s1.shape
    nh = 2 * hf1
    nc = W2.shape[1]

    def body(sp_ref, g1_ref, dp_ref, b1_ref, w2_ref, g2_ref):
        i = pl.program_id(0)
        deg = dp_ref[0, :, 0] + dp_ref[1, :, 0] + 1.0
        dis = lax.rsqrt(deg)
        s = jnp.concatenate([sp_ref[0], sp_ref[1]], axis=1) + g1_ref[...]
        h = jnp.maximum(s * dis[:, None] + b1_ref[...], 0.0)
        z2 = jnp.dot(h, w2_ref[...], preferred_element_type=jnp.float32)
        g2 = z2 * dis[:, None]
        rows = i * _BR + lax.broadcasted_iota(jnp.int32, (_BR, nc), 0)
        g2 = jnp.where(rows < n_real, g2, 0.0)
        g2_ref[0] = g2[:, :nc // 2]
        g2_ref[1] = g2[:, nc // 2:]

    return pl.pallas_call(
        body,
        grid=(n_pad // _BR,),
        in_specs=[
            pl.BlockSpec((_NUM_CORES, _BR, hf1), lambda i: (0, i, 0)),
            pl.BlockSpec((_BR, nh), lambda i: (i, 0)),
            pl.BlockSpec((_NUM_CORES, _BR, _DW), lambda i: (0, i, 0)),
            pl.BlockSpec((1, nh), lambda i: (0, 0)),
            pl.BlockSpec((nh, nc), lambda i: (0, 0)),
        ],
        out_specs=pl.BlockSpec((_NUM_CORES, _BR, nc // 2), lambda i: (0, i, 0)),
        out_shape=jax.ShapeDtypeStruct((_NUM_CORES, n_pad, nc // 2), jnp.float32),
    )(s1, g1, degparts, b1, W2)


def _tc_out(s2, g2, degparts, b2, n_real):
    _, n_pad, hf2 = s2.shape
    nc = 2 * hf2

    def body(sp_ref, g2_ref, dp_ref, b2_ref, o_ref):
        deg = dp_ref[0, :, 0] + dp_ref[1, :, 0] + 1.0
        dis = lax.rsqrt(deg)
        s = jnp.concatenate(
            [sp_ref[0] + g2_ref[0], sp_ref[1] + g2_ref[1]], axis=1)
        o = s * dis[:, None] + b2_ref[...]
        m = jnp.max(o, axis=1, keepdims=True)
        xs = o - m
        lse = jnp.log(jnp.sum(jnp.exp(xs), axis=1, keepdims=True))
        o_ref[...] = xs - lse

    return pl.pallas_call(
        body,
        grid=(n_pad // _BR,),
        in_specs=[
            pl.BlockSpec((_NUM_CORES, _BR, hf2), lambda i: (0, i, 0)),
            pl.BlockSpec((_NUM_CORES, _BR, hf2), lambda i: (0, i, 0)),
            pl.BlockSpec((_NUM_CORES, _BR, _DW), lambda i: (0, i, 0)),
            pl.BlockSpec((1, nc), lambda i: (0, 0)),
        ],
        out_specs=pl.BlockSpec((_BR, nc), lambda i: (i, 0)),
        out_shape=jax.ShapeDtypeStruct((n_real, nc), jnp.float32),
    )(s2, g2, degparts, b2)


@jax.jit
def kernel(x, edge_index, W1, b1, W2, b2):
    n, nf = x.shape
    e = edge_index.shape[1]
    nh = W1.shape[1]
    nc = W2.shape[1]

    e_pad = _round_up(e, _NUM_WORKERS * _CHUNK * 8)
    n_pad = _round_up(n + 1, _BR)

    src = edge_index[0]
    dst = edge_index[1]
    pad = e_pad - e
    spread = n + jax.lax.rem(jnp.arange(pad, dtype=jnp.int32),
                             jnp.int32(n_pad - n))
    srcp = jnp.concatenate([src, spread]).reshape(-1, _CHUNK)
    dstp = jnp.concatenate([dst, spread]).reshape(-1, _CHUNK)
    src2a = jnp.stack([2 * srcp, 2 * srcp + 1])
    src2b = jnp.stack([srcp, srcp + n_pad])
    x_pad = jnp.pad(x, ((0, n_pad - n), (0, 0)))

    ones_dw = jnp.ones((_CHUNK, _DW), jnp.float32)
    zeros_dw = jnp.zeros((n_pad // _NUM_SUBCORES, _DW), jnp.float32)
    degparts = _make_deg_kernel(e_pad, n_pad)(dstp, ones_dw, zeros_dw)

    g1 = _tc_layer1(x_pad, W1, degparts)
    zeros1 = jnp.zeros((n_pad // _NUM_SUBCORES, nh // 2), jnp.float32)
    s1 = _make_scatter_kernel(e_pad, n_pad, nh // 2)(
        g1.reshape(2 * n_pad, nh // 2), src2a, dstp, zeros1)

    g2 = _tc_layer2(s1, g1, degparts, b1.reshape(1, nh), W2, n)
    zeros2 = jnp.zeros((n_pad // _NUM_SUBCORES, nc // 2), jnp.float32)
    s2 = _make_scatter_kernel(e_pad, n_pad, nc // 2, nbuf=8)(
        g2.reshape(2 * n_pad, nc // 2), src2b, dstp, zeros2)

    return _tc_out(s2, g2, degparts, b2.reshape(1, nc), n)

# --- scband reference (transcript-rebuilt; emitter-appended) ---
"""Pipeline reference for scband-gcn-57380763075158 (READ-ONLY COPY).

The authoritative reference and input builder live on the scoring server;
editing this copy changes nothing except your own understanding.
"""

import jax, jax.numpy as jnp
import numpy as np

N = 10000
E = 320000
NF = 128
NH = 128
NC = 64


def setup_inputs(seed: int = 0) -> dict:
    key = jax.random.key(seed)
    k1, k2, k3, k4 = jax.random.split(key, 4)
    x = jax.random.normal(k1, (N, NF), dtype=jnp.float32)
    # int32 used so module runs on default (non-x64) jax; semantics identical for N<2^31
    edge_index = jax.random.randint(k2, (2, E), 0, N, dtype=jnp.int32)
    W1 = jax.random.normal(k3, (NF, NH), dtype=jnp.float32) * 0.05
    b1 = jnp.zeros((NH,), dtype=jnp.float32)
    W2 = jax.random.normal(k4, (NH, NC), dtype=jnp.float32) * 0.05
    b2 = jnp.zeros((NC,), dtype=jnp.float32)
    return {"x": x, "edge_index": edge_index, "W1": W1, "b1": b1, "W2": W2, "b2": b2}


def gcn_conv(x, src, dst, W, b, n):
    # PyG GCNConv: linear (no bias) -> add self loops -> sym-normalized scatter-add -> +bias
    h = x @ W
    loop = jnp.arange(n, dtype=src.dtype)
    s = jnp.concatenate([src, loop])
    d = jnp.concatenate([dst, loop])
    ew = jnp.ones((s.shape[0],), dtype=x.dtype)
    deg = jnp.zeros((n,), dtype=x.dtype).at[d].add(ew)
    deg_inv_sqrt = jnp.where(deg > 0, 1.0 / jnp.sqrt(deg), 0.0)
    norm = deg_inv_sqrt[s] * ew * deg_inv_sqrt[d]
    msg = h[s] * norm[:, None]
    out = jnp.zeros((n, W.shape[1]), dtype=x.dtype).at[d].add(msg)
    return out + b


def reference(x, edge_index, W1, b1, W2, b2):
    src, dst = edge_index[0], edge_index[1]
    # layer 1: conv -> relu (dropout is identity in eval)
    h = jax.nn.relu(gcn_conv(x, src, dst, W1, b1, N))
    # output layer
    o = gcn_conv(h, src, dst, W2, b2, N)
    return jax.nn.log_softmax(o, axis=1)

if __name__ == "__main__":
    import jax
    _d = setup_inputs()
    print(jax.jit(kernel)(*tuple(_d.values())))

</pallas_src>

<mosaic_0001>
#map = affine_map<(d0, d1) -> (0, 0)>
#map1 = affine_map<(d0, d1) -> (0, 0, 0)>
module attributes {stable_mosaic.version = 14 : i64} {
  func.func @scatter_kernel(%arg0: i32, %arg1: i32, %arg2: memref<20480x64xf32, #tpu.memory_space<hbm>>, %arg3: memref<2x2560x128xi32, #tpu.memory_space<hbm>>, %arg4: memref<2560x128xi32, #tpu.memory_space<hbm>>, %arg5: memref<640x64xf32, #tpu.memory_space<hbm>>, %arg6: memref<2x10240x64xf32, #tpu.memory_space<hbm>>, %arg7: memref<160x128xi32, #tpu.memory_space<vmem>>, %arg8: memref<160x128xi32, #tpu.memory_space<vmem>>, %arg9: memref<4x128x64xf32, #tpu.memory_space<vmem>>, %arg10: memref<10240x64xf32, #tpu.memory_space<vmem_shared>>, %arg11: memref<!tpu.dma_semaphore, #tpu.memory_space<semaphore_mem>>, %arg12: memref<!tpu.dma_semaphore, #tpu.memory_space<semaphore_mem>>, %arg13: memref<!tpu.dma_semaphore, #tpu.memory_space<semaphore_mem>>, %arg14: memref<!tpu.dma_semaphore, #tpu.memory_space<semaphore_mem>>, %arg15: memref<!tpu.dma_semaphore, #tpu.memory_space<semaphore_mem>>, %arg16: memref<!tpu.dma_semaphore, #tpu.memory_space<semaphore_mem>>, %arg17: memref<!tpu.dma_semaphore, #tpu.memory_space<semaphore_mem>>, %arg18: memref<!tpu.dma_semaphore, #tpu.memory_space<semaphore_mem>>) attributes {dimension_semantics = [#tpu.dimension_semantics<core_parallel>, #tpu.dimension_semantics<subcore_parallel>], iteration_bounds = array<i64: 2, 16>, scalar_prefetch = 0 : i64, scratch_operands = 12 : i64, tpu.core_type = #tpu.core_type<sc_vector_subcore>, window_params = [{transform_indices = #map}, {transform_indices = #map1}, {transform_indices = #map}, {transform_indices = #map}, {transform_indices = #map1}]} {
    %mul3A = arith.constant 640 : i32
    %mul3A_0 = arith.muli %arg1, %mul3A : i32
    "tpu.region"() ({
      %run_scoped3A = tpu.sem_alloc : memref<!tpu.dma_semaphore, #tpu.memory_space<semaphore_mem>>
      %dma_start3A_105 = arith.constant 0 : i32
      %dma_start3A_106 = tpu.memref_slice %arg10[%mul3A_0, %dma_start3A_105] : memref<10240x64xf32, #tpu.memory_space<vmem_shared>> -> memref<640x64xf32, #tpu.memory_space<vmem_shared>>
      tpu.enqueue_dma source(%arg5 : memref<640x64xf32, #tpu.memory_space<hbm>>) target(%dma_start3A_106 : memref<640x64xf32, #tpu.memory_space<vmem_shared>>) target_semaphore(%run_scoped3A : memref<!tpu.dma_semaphore, #tpu.memory_space<semaphore_mem>>)
      %dma_wait3A_107 = arith.constant 0 : i32
      %dma_wait3A_108 = tpu.memref_slice %arg10[%mul3A_0, %dma_wait3A_107] : memref<10240x64xf32, #tpu.memory_space<vmem_shared>> -> memref<640x64xf32, #tpu.memory_space<vmem_shared>>
      tpu.wait_dma2 semaphore(%run_scoped3A : memref<!tpu.dma_semaphore, #tpu.memory_space<semaphore_mem>>) src(%arg5 : memref<640x64xf32, #tpu.memory_space<hbm>>) dst(%dma_wait3A_108 : memref<640x64xf32, #tpu.memory_space<vmem_shared>>)
      tpu.yield
    }) : () -> ()
    %mul3A_1 = arith.constant 160 : i32
    %mul3A_2 = arith.muli %arg1, %mul3A_1 : i32
    "tpu.region"() ({
      %run_scoped3A = tpu.sem_alloc : memref<!tpu.dma_semaphore, #tpu.memory_space<semaphore_mem>>
      %dma_start3A_105 = arith.constant 0 : i32
      %dma_start3A_106 = tpu.memref_slice %arg3[%arg0, %mul3A_2, %dma_start3A_105] : memref<2x2560x128xi32, #tpu.memory_space<hbm>> -> memref<1x160x128xi32, #tpu.memory_space<hbm>>
      %dma_start3A_107 = tpu.memref_squeeze %dma_start3A_106 : memref<1x160x128xi32, #tpu.memory_space<hbm>> -> memref<160x128xi32, #tpu.memory_space<hbm>>
      %dma_start3A_108 = arith.constant 0 : i32
      %dma_start3A_109 = tpu.memref_slice %arg3[%arg0, %mul3A_2, %dma_start3A_108] : memref<2x2560x128xi32, #tpu.memory_space<hbm>> -> memref<1x160x128xi32, #tpu.memory_space<hbm>>
      %dma_start3A_110 = tpu.memref_squeeze %dma_start3A_109 : memref<1x160x128xi32, #tpu.memory_space<hbm>> -> memref<160x128xi32, #tpu.memory_space<hbm>>
      tpu.enqueue_dma source(%dma_start3A_110 : memref<160x128xi32, #tpu.memory_space<hbm>>) target(%arg7 : memref<160x128xi32, #tpu.memory_space<vmem>>) target_semaphore(%run_scoped3A : memref<!tpu.dma_semaphore, #tpu.memory_space<semaphore_mem>>)
      %dma_wait3A_111 = arith.constant 0 : i32
      %dma_wait3A_112 = tpu.memref_slice %arg3[%arg0, %mul3A_2, %dma_wait3A_111] : memref<2x2560x128xi32, #tpu.memory_space<hbm>> -> memref<1x160x128xi32, #tpu.memory_space<hbm>>
      %dma_wait3A_113 = tpu.memref_squeeze %dma_wait3A_112 : memref<1x160x128xi32, #tpu.memory_space<hbm>> -> memref<160x128xi32, #tpu.memory_space<hbm>>
      %dma_wait3A_114 = arith.constant 0 : i32
      %dma_wait3A_115 = tpu.memref_slice %arg3[%arg0, %mul3A_2, %dma_wait3A_114] : memref<2x2560x128xi32, #tpu.memory_space<hbm>> -> memref<1x160x128xi32, #tpu.memory_space<hbm>>
      %dma_wait3A_116 = tpu.memref_squeeze %dma_wait3A_115 : memref<1x160x128xi32, #tpu.memory_space<hbm>> -> memref<160x128xi32, #tpu.memory_space<hbm>>
      tpu.wait_dma2 semaphore(%run_scoped3A : memref<!tpu.dma_semaphore, #tpu.memory_space<semaphore_mem>>) src(%dma_wait3A_116 : memref<160x128xi32, #tpu.memory_space<hbm>>) dst(%arg7 : memref<160x128xi32, #tpu.memory_space<vmem>>)
      tpu.yield
    }) : () -> ()
    %mul3A_3 = arith.constant 160 : i32
    %mul3A_4 = arith.muli %arg1, %mul3A_3 : i32
    "tpu.region"() ({
      %run_scoped3A = tpu.sem_alloc : memref<!tpu.dma_semaphore, #tpu.memory_space<semaphore_mem>>
      %dma_start3A_105 = arith.constant 0 : i32
      %dma_start3A_106 = tpu.memref_slice %arg4[%mul3A_4, %dma_start3A_105] : memref<2560x128xi32, #tpu.memory_space<hbm>> -> memref<160x128xi32, #tpu.memory_space<hbm>>
      %dma_start3A_107 = arith.constant 0 : i32
      %dma_start3A_108 = tpu.memref_slice %arg4[%mul3A_4, %dma_start3A_107] : memref<2560x128xi32, #tpu.memory_space<hbm>> -> memref<160x128xi32, #tpu.memory_space<hbm>>
      tpu.enqueue_dma source(%dma_start3A_108 : memref<160x128xi32, #tpu.memory_space<hbm>>) target(%arg8 : memref<160x128xi32, #tpu.memory_space<vmem>>) target_semaphore(%run_scoped3A : memref<!tpu.dma_semaphore, #tpu.memory_space<semaphore_mem>>)
      %dma_wait3A_109 = arith.constant 0 : i32
      %dma_wait3A_110 = tpu.memref_slice %arg4[%mul3A_4, %dma_wait3A_109] : memref<2560x128xi32, #tpu.memory_space<hbm>> -> memref<160x128xi32, #tpu.memory_space<hbm>>
      %dma_wait3A_111 = arith.constant 0 : i32
      %dma_wait3A_112 = tpu.memref_slice %arg4[%mul3A_4, %dma_wait3A_111] : memref<2560x128xi32, #tpu.memory_space<hbm>> -> memref<160x128xi32, #tpu.memory_space<hbm>>
      tpu.wait_dma2 semaphore(%run_scoped3A : memref<!tpu.dma_semaphore, #tpu.memory_space<semaphore_mem>>) src(%dma_wait3A_112 : memref<160x128xi32, #tpu.memory_space<hbm>>) dst(%arg8 : memref<160x128xi32, #tpu.memory_space<vmem>>)
      tpu.yield
    }) : () -> ()
    %barrier3A = arith.constant 0 : index
    tpu.barrier barrier_id(%barrier3A)
    %dma_start3A = arith.constant 0 : i32
    %dma_start3A_5 = arith.constant 0 : i32
    %dma_start3A_6 = arith.constant 0 : i32
    %dma_start3A_7 = arith.constant 0 : i32
    %dma_start3A_8 = tpu.memref_slice %arg9[%dma_start3A_5, %dma_start3A_6, %dma_start3A_7] : memref<4x128x64xf32, #tpu.memory_space<vmem>> -> memref<1x128x64xf32, #tpu.memory_space<vmem>>
    %dma_start3A_9 = tpu.memref_squeeze %dma_start3A_8 : memref<1x128x64xf32, #tpu.memory_space<vmem>> -> memref<128x64xf32, #tpu.memory_space<vmem>>
    %dma_start3A_10 = arith.constant 0 : i32
    %dma_start3A_11 = tpu.memref_slice %arg7[%dma_start3A, %dma_start3A_10] : memref<160x128xi32, #tpu.memory_space<vmem>> -> memref<1x128xi32, #tpu.memory_space<vmem>>
    %dma_start3A_12 = tpu.memref_squeeze %dma_start3A_11 : memref<1x128xi32, #tpu.memory_space<vmem>> -> memref<128xi32, #tpu.memory_space<vmem>>
    %dma_start3A_13 = arith.constant 0 : i32
    %dma_start3A_14 = arith.constant 0 : i32
    %dma_start3A_15 = tpu.memref_slice %arg2[%dma_start3A_13, %dma_start3A_14] : memref<20480x64xf32, #tpu.memory_space<hbm>> -> memref<20480x64xf32, #tpu.memory_space<hbm>>
    tpu.enqueue_indirect_dma source(%dma_start3A_15 : memref<20480x64xf32, #tpu.memory_space<hbm>>) target(%dma_start3A_9 : memref<128x64xf32, #tpu.memory_space<vmem>>) offsets(%dma_start3A_12 : memref<128xi32, #tpu.memory_space<vmem>>) semaphore(%arg11 : memref<!tpu.dma_semaphore, #tpu.memory_space<semaphore_mem>>)
    %dma_start3A_16 = arith.constant 1 : i32
    %dma_start3A_17 = arith.constant 1 : i32
    %dma_start3A_18 = arith.constant 0 : i32
    %dma_start3A_19 = arith.constant 0 : i32
    %dma_start3A_20 = tpu.memref_slice %arg9[%dma_start3A_17, %dma_start3A_18, %dma_start3A_19] : memref<4x128x64xf32, #tpu.memory_space<vmem>> -> memref<1x128x64xf32, #tpu.memory_space<vmem>>
    %dma_start3A_21 = tpu.memref_squeeze %dma_start3A_20 : memref<1x128x64xf32, #tpu.memory_space<vmem>> -> memref<128x64xf32, #tpu.memory_space<vmem>>
    %dma_start3A_22 = arith.constant 0 : i32
    %dma_start3A_23 = tpu.memref_slice %arg7[%dma_start3A_16, %dma_start3A_22] : memref<160x128xi32, #tpu.memory_space<vmem>> -> memref<1x128xi32, #tpu.memory_space<vmem>>
    %dma_start3A_24 = tpu.memref_squeeze %dma_start3A_23 : memref<1x128xi32, #tpu.memory_space<vmem>> -> memref<128xi32, #tpu.memory_space<vmem>>
    %dma_start3A_25 = arith.constant 0 : i32
    %dma_start3A_26 = arith.constant 0 : i32
    %dma_start3A_27 = tpu.memref_slice %arg2[%dma_start3A_25, %dma_start3A_26] : memref<20480x64xf32, #tpu.memory_space<hbm>> -> memref<20480x64xf32, #tpu.memory_space<hbm>>
    tpu.enqueue_indirect_dma source(%dma_start3A_27 : memref<20480x64xf32, #tpu.memory_space<hbm>>) target(%dma_start3A_21 : memref<128x64xf32, #tpu.memory_space<vmem>>) offsets(%dma_start3A_24 : memref<128xi32, #tpu.memory_space<vmem>>) semaphore(%arg12 : memref<!tpu.dma_semaphore, #tpu.memory_space<semaphore_mem>>)
    %dma_start3A_28 = arith.constant 2 : i32
    %dma_start3A_29 = arith.constant 2 : i32
    %dma_start3A_30 = arith.constant 0 : i32
    %dma_start3A_31 = arith.constant 0 : i32
    %dma_start3A_32 = tpu.memref_slice %arg9[%dma_start3A_29, %dma_start3A_30, %dma_start3A_31] : memref<4x128x64xf32, #tpu.memory_space<vmem>> -> memref<1x128x64xf32, #tpu.memory_space<vmem>>
    %dma_start3A_33 = tpu.memref_squeeze %dma_start3A_32 : memref<1x128x64xf32, #tpu.memory_space<vmem>> -> memref<128x64xf32, #tpu.memory_space<vmem>>
    %dma_start3A_34 = arith.constant 0 : i32
    %dma_start3A_35 = tpu.memref_slice %arg7[%dma_start3A_28, %dma_start3A_34] : memref<160x128xi32, #tpu.memory_space<vmem>> -> memref<1x128xi32, #tpu.memory_space<vmem>>
    %dma_start3A_36 = tpu.memref_squeeze %dma_start3A_35 : memref<1x128xi32, #tpu.memory_space<vmem>> -> memref<128xi32, #tpu.memory_space<vmem>>
    %dma_start3A_37 = arith.constant 0 : i32
    %dma_start3A_38 = arith.constant 0 : i32
    %dma_start3A_39 = tpu.memref_slice %arg2[%dma_start3A_37, %dma_start3A_38] : memref<20480x64xf32, #tpu.memory_space<hbm>> -> memref<20480x64xf32, #tpu.memory_space<hbm>>
    tpu.enqueue_indirect_dma source(%dma_start3A_39 : memref<20480x64xf32, #tpu.memory_space<hbm>>) target(%dma_start3A_33 : memref<128x64xf32, #tpu.memory_space<vmem>>) offsets(%dma_start3A_36 : memref<128xi32, #tpu.memory_space<vmem>>) semaphore(%arg13 : memref<!tpu.dma_semaphore, #tpu.memory_space<semaphore_mem>>)
    %dma_start3A_40 = arith.constant 3 : i32
    %dma_start3A_41 = arith.constant 3 : i32
    %dma_start3A_42 = arith.constant 0 : i32
    %dma_start3A_43 = arith.constant 0 : i32
    %dma_start3A_44 = tpu.memref_slice %arg9[%dma_start3A_41, %dma_start3A_42, %dma_start3A_43] : memref<4x128x64xf32, #tpu.memory_space<vmem>> -> memref<1x128x64xf32, #tpu.memory_space<vmem>>
    %dma_start3A_45 = tpu.memref_squeeze %dma_start3A_44 : memref<1x128x64xf32, #tpu.memory_space<vmem>> -> memref<128x64xf32, #tpu.memory_space<vmem>>
    %dma_start3A_46 = arith.constant 0 : i32
    %dma_start3A_47 = tpu.memref_slice %arg7[%dma_start3A_40, %dma_start3A_46] : memref<160x128xi32, #tpu.memory_space<vmem>> -> memref<1x128xi32, #tpu.memory_space<vmem>>
    %dma_start3A_48 = tpu.memref_squeeze %dma_start3A_47 : memref<1x128xi32, #tpu.memory_space<vmem>> -> memref<128xi32, #tpu.memory_space<vmem>>
    %dma_start3A_49 = arith.constant 0 : i32
    %dma_start3A_50 = arith.constant 0 : i32
    %dma_start3A_51 = tpu.memref_slice %arg2[%dma_start3A_49, %dma_start3A_50] : memref<20480x64xf32, #tpu.memory_space<hbm>> -> memref<20480x64xf32, #tpu.memory_space<hbm>>
    tpu.enqueue_indirect_dma source(%dma_start3A_51 : memref<20480x64xf32, #tpu.memory_space<hbm>>) target(%dma_start3A_45 : memref<128x64xf32, #tpu.memory_space<vmem>>) offsets(%dma_start3A_48 : memref<128xi32, #tpu.memory_space<vmem>>) semaphore(%arg14 : memref<!tpu.dma_semaphore, #tpu.memory_space<semaphore_mem>>)
    %scan3A = arith.constant 0 : i32
    %scan3A_52 = arith.constant 0 : i32
    %scan3A_53 = arith.constant 40 : i32
    %scan3A_54 = arith.addi %scan3A_52, %scan3A_53 : i32
    %scan3A_55 = arith.constant 1 : i32
    scf.for %scan3A_105 = %scan3A_52 to %scan3A_54 step %scan3A_55  : i32 {
      %mul3A_106 = arith.constant 4 : i32
      %mul3A_107 = arith.muli %scan3A_105, %mul3A_106 : i32
      %add3A = arith.constant 0 : i32
      %add3A_108 = arith.addi %mul3A_107, %add3A : i32
      %dma_wait3A_109 = arith.constant 0 : i32
      %dma_wait3A_110 = arith.constant 0 : i32
      %dma_wait3A_111 = arith.constant 0 : i32
      %dma_wait3A_112 = tpu.memref_slice %arg9[%dma_wait3A_109, %dma_wait3A_110, %dma_wait3A_111] : memref<4x128x64xf32, #tpu.memory_space<vmem>> -> memref<1x128x64xf32, #tpu.memory_space<vmem>>
      %dma_wait3A_113 = tpu.memref_squeeze %dma_wait3A_112 : memref<1x128x64xf32, #tpu.memory_space<vmem>> -> memref<128x64xf32, #tpu.memory_space<vmem>>
      %dma_wait3A_114 = arith.constant 0 : i32
      %dma_wait3A_115 = tpu.memref_slice %arg7[%add3A_108, %dma_wait3A_114] : memref<160x128xi32, #tpu.memory_space<vmem>> -> memref<1x128xi32, #tpu.memory_space<vmem>>
      %dma_wait3A_116 = tpu.memref_squeeze %dma_wait3A_115 : memref<1x128xi32, #tpu.memory_space<vmem>> -> memref<128xi32, #tpu.memory_space<vmem>>
      %dma_wait3A_117 = arith.constant 0 : i32
      %dma_wait3A_118 = arith.constant 0 : i32
      %dma_wait3A_119 = tpu.memref_slice %arg2[%dma_wait3A_117, %dma_wait3A_118] : memref<20480x64xf32, #tpu.memory_space<hbm>> -> memref<20480x64xf32, #tpu.memory_space<hbm>>
      tpu.wait_indirect_dma semaphore(%arg11 : memref<!tpu.dma_semaphore, #tpu.memory_space<semaphore_mem>>) src(%dma_wait3A_119 : memref<20480x64xf32, #tpu.memory_space<hbm>>) dst(%dma_wait3A_113 : memref<128x64xf32, #tpu.memory_space<vmem>>)
      %dma_start3A_120 = arith.constant 0 : i32
      %dma_start3A_121 = arith.constant 0 : i32
      %dma_start3A_122 = arith.constant 0 : i32
      %dma_start3A_123 = tpu.memref_slice %arg9[%dma_start3A_120, %dma_start3A_121, %dma_start3A_122] : memref<4x128x64xf32, #tpu.memory_space<vmem>> -> memref<1x128x64xf32, #tpu.memory_space<vmem>>
      %dma_start3A_124 = tpu.memref_squeeze %dma_start3A_123 : memref<1x128x64xf32, #tpu.memory_space<vmem>> -> memref<128x64xf32, #tpu.memory_space<vmem>>
      %dma_start3A_125 = arith.constant 0 : i32
      %dma_start3A_126 = tpu.memref_slice %arg8[%add3A_108, %dma_start3A_125] : memref<160x128xi32, #tpu.memory_space<vmem>> -> memref<1x128xi32, #tpu.memory_space<vmem>>
      %dma_start3A_127 = tpu.memref_squeeze %dma_start3A_126 : memref<1x128xi32, #tpu.memory_space<vmem>> -> memref<128xi32, #tpu.memory_space<vmem>>
      %dma_start3A_128 = arith.constant 0 : i32
      %dma_start3A_129 = arith.constant 0 : i32
      %dma_start3A_130 = tpu.memref_slice %arg10[%dma_start3A_128, %dma_start3A_129] : memref<10240x64xf32, #tpu.memory_space<vmem_shared>> -> memref<10240x64xf32, #tpu.memory_space<vmem_shared>>
      tpu.enqueue_indirect_dma source(%dma_start3A_124 : memref<128x64xf32, #tpu.memory_space<vmem>>) target(%dma_start3A_130 : memref<10240x64xf32, #tpu.memory_space<vmem_shared>>) offsets(%dma_start3A_127 : memref<128xi32, #tpu.memory_space<vmem>>) semaphore(%arg15 : memref<!tpu.dma_semaphore, #tpu.memory_space<semaphore_mem>>) {add = true}
      %mul3A_131 = arith.constant 4 : i32
      %mul3A_132 = arith.muli %scan3A_105, %mul3A_131 : i32
      %add3A_133 = arith.constant 1 : i32
      %add3A_134 = arith.addi %mul3A_132, %add3A_133 : i32
      %dma_wait3A_135 = arith.constant 1 : i32
      %dma_wait3A_136 = arith.constant 0 : i32
      %dma_wait3A_137 = arith.constant 0 : i32
      %dma_wait3A_138 = tpu.memref_slice %arg9[%dma_wait3A_135, %dma_wait3A_136, %dma_wait3A_137] : memref<4x128x64xf32, #tpu.memory_space<vmem>> -> memref<1x128x64xf32, #tpu.memory_space<vmem>>
      %dma_wait3A_139 = tpu.memref_squeeze %dma_wait3A_138 : memref<1x128x64xf32, #tpu.memory_space<vmem>> -> memref<128x64xf32, #tpu.memory_space<vmem>>
      %dma_wait3A_140 = arith.constant 0 : i32
      %dma_wait3A_141 = tpu.memref_slice %arg7[%add3A_134, %dma_wait3A_140] : memref<160x128xi32, #tpu.memory_space<vmem>> -> memref<1x128xi32, #tpu.memory_space<vmem>>
      %dma_wait3A_142 = tpu.memref_squeeze %dma_wait3A_141 : memref<1x128xi32, #tpu.memory_space<vmem>> -> memref<128xi32, #tpu.memory_space<vmem>>
      %dma_wait3A_143 = arith.constant 0 : i32
      %dma_wait3A_144 = arith.constant 0 : i32
      %dma_wait3A_145 = tpu.memref_slice %arg2[%dma_wait3A_143, %dma_wait3A_144] : memref<20480x64xf32, #tpu.memory_space<hbm>> -> memref<20480x64xf32, #tpu.memory_space<hbm>>
      tpu.wait_indirect_dma semaphore(%arg12 : memref<!tpu.dma_semaphore, #tpu.memory_space<semaphore_mem>>) src(%dma_wait3A_145 : memref<20480x64xf32, #tpu.memory_space<hbm>>) dst(%dma_wait3A_139 : memref<128x64xf32, #tpu.memory_space<vmem>>)
      %dma_start3A_146 = arith.constant 1 : i32
      %dma_start3A_147 = arith.constant 0 : i32
      %dma_start3A_148 = arith.constant 0 : i32
      %dma_start3A_149 = tpu.memref_slice %arg9[%dma_start3A_146, %dma_start3A_147, %dma_start3A_148] : memref<4x128x64xf32, #tpu.memory_space<vmem>> -> memref<1x128x64xf32, #tpu.memory_space<vmem>>
      %dma_start3A_150 = tpu.memref_squeeze %dma_start3A_149 : memref<1x128x64xf32, #tpu.memory_space<vmem>> -> memref<128x64xf32, #tpu.memory_space<vmem>>
      %dma_start3A_151 = arith.constant 0 : i32
      %dma_start3A_152 = tpu.memref_slice %arg8[%add3A_134, %dma_start3A_151] : memref<160x128xi32, #tpu.memory_space<vmem>> -> memref<1x128xi32, #tpu.memory_space<vmem>>
      %dma_start3A_153 = tpu.memref_squeeze %dma_start3A_152 : memref<1x128xi32, #tpu.memory_space<vmem>> -> memref<128xi32, #tpu.memory_space<vmem>>
      %dma_start3A_154 = arith.constant 0 : i32
      %dma_start3A_155 = arith.constant 0 : i32
      %dma_start3A_156 = tpu.memref_slice %arg10[%dma_start3A_154, %dma_start3A_155] : memref<10240x64xf32, #tpu.memory_space<vmem_shared>> -> memref<10240x64xf32, #tpu.memory_space<vmem_shared>>
      tpu.enqueue_indirect_dma source(%dma_start3A_150 : memref<128x64xf32, #tpu.memory_space<vmem>>) target(%dma_start3A_156 : memref<10240x64xf32, #tpu.memory_space<vmem_shared>>) offsets(%dma_start3A_153 : memref<128xi32, #tpu.memory_space<vmem>>) semaphore(%arg16 : memref<!tpu.dma_semaphore, #tpu.memory_space<semaphore_mem>>) {add = true}
      %mul3A_157 = arith.constant 4 : i32
      %mul3A_158 = arith.muli %scan3A_105, %mul3A_157 : i32
      %add3A_159 = arith.constant 2 : i32
      %add3A_160 = arith.addi %mul3A_158, %add3A_159 : i32
      %dma_wait3A_161 = arith.constant 2 : i32
      %dma_wait3A_162 = arith.constant 0 : i32
      %dma_wait3A_163 = arith.constant 0 : i32
      %dma_wait3A_164 = tpu.memref_slice %arg9[%dma_wait3A_161, %dma_wait3A_162, %dma_wait3A_163] : memref<4x128x64xf32, #tpu.memory_space<vmem>> -> memref<1x128x64xf32, #tpu.memory_space<vmem>>
      %dma_wait3A_165 = tpu.memref_squeeze %dma_wait3A_164 : memref<1x128x64xf32, #tpu.memory_space<vmem>> -> memref<128x64xf32, #tpu.memory_space<vmem>>
      %dma_wait3A_166 = arith.constant 0 : i32
      %dma_wait3A_167 = tpu.memref_slice %arg7[%add3A_160, %dma_wait3A_166] : memref<160x128xi32, #tpu.memory_space<vmem>> -> memref<1x128xi32, #tpu.memory_space<vmem>>
      %dma_wait3A_168 = tpu.memref_squeeze %dma_wait3A_167 : memref<1x128xi32, #tpu.memory_space<vmem>> -> memref<128xi32, #tpu.memory_space<vmem>>
      %dma_wait3A_169 = arith.constant 0 : i32
      %dma_wait3A_170 = arith.constant 0 : i32
      %dma_wait3A_171 = tpu.memref_slice %arg2[%dma_wait3A_169, %dma_wait3A_170] : memref<20480x64xf32, #tpu.memory_space<hbm>> -> memref<20480x64xf32, #tpu.memory_space<hbm>>
      tpu.wait_indirect_dma semaphore(%arg13 : memref<!tpu.dma_semaphore, #tpu.memory_space<semaphore_mem>>) src(%dma_wait3A_171 : memref<20480x64xf32, #tpu.memory_space<hbm>>) dst(%dma_wait3A_165 : memref<128x64xf32, #tpu.memory_space<vmem>>)
      %dma_start3A_172 = arith.constant 2 : i32
      %dma_start3A_173 = arith.constant 0 : i32
      %dma_start3A_174 = arith.constant 0 : i32
      %dma_start3A_175 = tpu.memref_slice %arg9[%dma_start3A_172, %dma_start3A_173, %dma_start3A_174] : memref<4x128x64xf32, #tpu.memory_space<vmem>> -> memref<1x128x64xf32, #tpu.memory_space<vmem>>
      %dma_start3A_176 = tpu.memref_squeeze %dma_start3A_175 : memref<1x128x64xf32, #tpu.memory_space<vmem>> -> memref<128x64xf32, #tpu.memory_space<vmem>>
      %dma_start3A_177 = arith.constant 0 : i32
      %dma_start3A_178 = tpu.memref_slice %arg8[%add3A_160, %dma_start3A_177] : memref<160x128xi32, #tpu.memory_space<vmem>> -> memref<1x128xi32, #tpu.memory_space<vmem>>
      %dma_start3A_179 = tpu.memref_squeeze %dma_start3A_178 : memref<1x128xi32, #tpu.memory_space<vmem>> -> memref<128xi32, #tpu.memory_space<vmem>>
      %dma_start3A_180 = arith.constant 0 : i32
      %dma_start3A_181 = arith.constant 0 : i32
      %dma_start3A_182 = tpu.memref_slice %arg10[%dma_start3A_180, %dma_start3A_181] : memref<10240x64xf32, #tpu.memory_space<vmem_shared>> -> memref<10240x64xf32, #tpu.memory_space<vmem_shared>>
      tpu.enqueue_indirect_dma source(%dma_start3A_176 : memref<128x64xf32, #tpu.memory_space<vmem>>) target(%dma_start3A_182 : memref<10240x64xf32, #tpu.memory_space<vmem_shared>>) offsets(%dma_start3A_179 : memref<128xi32, #tpu.memory_space<vmem>>) semaphore(%arg17 : memref<!tpu.dma_semaphore, #tpu.memory_space<semaphore_mem>>) {add = true}
      %mul3A_183 = arith.constant 4 : i32
      %mul3A_184 = arith.muli %scan3A_105, %mul3A_183 : i32
      %add3A_185 = arith.constant 3 : i32
      %add3A_186 = arith.addi %mul3A_184, %add3A_185 : i32
      %dma_wait3A_187 = arith.constant 3 : i32
      %dma_wait3A_188 = arith.constant 0 : i32
      %dma_wait3A_189 = arith.constant 0 : i32
      %dma_wait3A_190 = tpu.memref_slice %arg9[%dma_wait3A_187, %dma_wait3A_188, %dma_wait3A_189] : memref<4x128x64xf32, #tpu.memory_space<vmem>> -> memref<1x128x64xf32, #tpu.memory_space<vmem>>
      %dma_wait3A_191 = tpu.memref_squeeze %dma_wait3A_190 : memref<1x128x64xf32, #tpu.memory_space<vmem>> -> memref<128x64xf32, #tpu.memory_space<vmem>>
      %dma_wait3A_192 = arith.constant 0 : i32
      %dma_wait3A_193 = tpu.memref_slice %arg7[%add3A_186, %dma_wait3A_192] : memref<160x128xi32, #tpu.memory_space<vmem>> -> memref<1x128xi32, #tpu.memory_space<vmem>>
      %dma_wait3A_194 = tpu.memref_squeeze %dma_wait3A_193 : memref<1x128xi32, #tpu.memory_space<vmem>> -> memref<128xi32, #tpu.memory_space<vmem>>
      %dma_wait3A_195 = arith.constant 0 : i32
      %dma_wait3A_196 = arith.constant 0 : i32
      %dma_wait3A_197 = tpu.memref_slice %arg2[%dma_wait3A_195, %dma_wait3A_196] : memref<20480x64xf32, #tpu.memory_space<hbm>> -> memref<20480x64xf32, #tpu.memory_space<hbm>>
      tpu.wait_indirect_dma semaphore(%arg14 : memref<!tpu.dma_semaphore, #tpu.memory_space<semaphore_mem>>) src(%dma_wait3A_197 : memref<20480x64xf32, #tpu.memory_space<hbm>>) dst(%dma_wait3A_191 : memref<128x64xf32, #tpu.memory_space<vmem>>)
      %dma_start3A_198 = arith.constant 3 : i32
      %dma_start3A_199 = arith.constant 0 : i32
      %dma_start3A_200 = arith.constant 0 : i32
      %dma_start3A_201 = tpu.memref_slice %arg9[%dma_start3A_198, %dma_start3A_199, %dma_start3A_200] : memref<4x128x64xf32, #tpu.memory_space<vmem>> -> memref<1x128x64xf32, #tpu.memory_space<vmem>>
      %dma_start3A_202 = tpu.memref_squeeze %dma_start3A_201 : memref<1x128x64xf32, #tpu.memory_space<vmem>> -> memref<128x64xf32, #tpu.memory_space<vmem>>
      %dma_start3A_203 = arith.constant 0 : i32
      %dma_start3A_204 = tpu.memref_slice %arg8[%add3A_186, %dma_start3A_203] : memref<160x128xi32, #tpu.memory_space<vmem>> -> memref<1x128xi32, #tpu.memory_space<vmem>>
      %dma_start3A_205 = tpu.memref_squeeze %dma_start3A_204 : memref<1x128xi32, #tpu.memory_space<vmem>> -> memref<128xi32, #tpu.memory_space<vmem>>
      %dma_start3A_206 = arith.constant 0 : i32
      %dma_start3A_207 = arith.constant 0 : i32
      %dma_start3A_208 = tpu.memref_slice %arg10[%dma_start3A_206, %dma_start3A_207] : memref<10240x64xf32, #tpu.memory_space<vmem_shared>> -> memref<10240x64xf32, #tpu.memory_space<vmem_shared>>
      tpu.enqueue_indirect_dma source(%dma_start3A_202 : memref<128x64xf32, #tpu.memory_space<vmem>>) target(%dma_start3A_208 : memref<10240x64xf32, #tpu.memory_space<vmem_shared>>) offsets(%dma_start3A_205 : memref<128xi32, #tpu.memory_space<vmem>>) semaphore(%arg18 : memref<!tpu.dma_semaphore, #tpu.memory_space<semaphore_mem>>) {add = true}
      %add3A_209 = arith.constant 1 : i32
      %add3A_210 = arith.addi %scan3A_105, %add3A_209 : i32
      %mul3A_211 = arith.constant 4 : i32
      %mul3A_212 = arith.muli %add3A_210, %mul3A_211 : i32
      %add3A_213 = arith.constant 0 : i32
      %add3A_214 = arith.addi %mul3A_212, %add3A_213 : i32
      %lt3A = arith.constant 160 : i32
      %lt3A_215 = arith.cmpi slt, %add3A_214, %lt3A : i32
      %convert_element_type3A = arith.extui %lt3A_215 : i1 to i32
      %cond3A = arith.constant 0 : i32
      %cond3A_216 = arith.cmpi ne, %convert_element_type3A, %cond3A : i32
      scf.if %cond3A_216 {
        %sub3A = arith.constant 4 : i32
        %sub3A_250 = arith.subi %add3A_214, %sub3A : i32
        %dma_wait3A_251 = arith.constant 0 : i32
        %dma_wait3A_252 = arith.constant 0 : i32
        %dma_wait3A_253 = arith.constant 0 : i32
        %dma_wait3A_254 = tpu.memref_slice %arg9[%dma_wait3A_251, %dma_wait3A_252, %dma_wait3A_253] : memref<4x128x64xf32, #tpu.memory_space<vmem>> -> memref<1x128x64xf32, #tpu.memory_space<vmem>>
        %dma_wait3A_255 = tpu.memref_squeeze %dma_wait3A_254 : memref<1x128x64xf32, #tpu.memory_space<vmem>> -> memref<128x64xf32, #tpu.memory_space<vmem>>
        %dma_wait3A_256 = arith.constant 0 : i32
        %dma_wait3A_257 = tpu.memref_slice %arg8[%sub3A_250, %dma_wait3A_256] : memref<160x128xi32, #tpu.memory_space<vmem>> -> memref<1x128xi32, #tpu.memory_space<vmem>>
        %dma_wait3A_258 = tpu.memref_squeeze %dma_wait3A_257 : memref<1x128xi32, #tpu.memory_space<vmem>> -> memref<128xi32, #tpu.memory_space<vmem>>
        %dma_wait3A_259 = arith.constant 0 : i32
        %dma_wait3A_260 = arith.constant 0 : i32
        %dma_wait3A_261 = tpu.memref_slice %arg10[%dma_wait3A_259, %dma_wait3A_260] : memref<10240x64xf32, #tpu.memory_space<vmem_shared>> -> memref<10240x64xf32, #tpu.memory_space<vmem_shared>>
        tpu.wait_indirect_dma semaphore(%arg15 : memref<!tpu.dma_semaphore, #tpu.memory_space<semaphore_mem>>) src(%dma_wait3A_255 : memref<128x64xf32, #tpu.memory_space<vmem>>) dst(%dma_wait3A_261 : memref<10240x64xf32, #tpu.memory_space<vmem_shared>>)
        %dma_start3A_262 = arith.constant 0 : i32
        %dma_start3A_263 = arith.constant 0 : i32
        %dma_start3A_264 = arith.constant 0 : i32
        %dma_start3A_265 = tpu.memref_slice %arg9[%dma_start3A_262, %dma_start3A_263, %dma_start3A_264] : memref<4x128x64xf32, #tpu.memory_space<vmem>> -> memref<1x128x64xf32, #tpu.memory_space<vmem>>
        %dma_start3A_266 = tpu.memref_squeeze %dma_start3A_265 : memref<1x128x64xf32, #tpu.memory_space<vmem>> -> memref<128x64xf32, #tpu.memory_space<vmem>>
        %dma_start3A_267 = arith.constant 0 : i32
        %dma_start3A_268 = tpu.memref_slice %arg7[%add3A_214, %dma_start3A_267] : memref<160x128xi32, #tpu.memory_space<vmem>> -> memref<1x128xi32, #tpu.memory_space<vmem>>
        %dma_start3A_269 = tpu.memref_squeeze %dma_start3A_268 : memref<1x128xi32, #tpu.memory_space<vmem>> -> memref<128xi32, #tpu.memory_space<vmem>>
        %dma_start3A_270 = arith.constant 0 : i32
        %dma_start3A_271 = arith.constant 0 : i32
        %dma_start3A_272 = tpu.memref_slice %arg2[%dma_start3A_270, %dma_start3A_271] : memref<20480x64xf32, #tpu.memory_space<hbm>> -> memref<20480x64xf32, #tpu.memory_space<hbm>>
        tpu.enqueue_indirect_dma source(%dma_start3A_272 : memref<20480x64xf32, #tpu.memory_space<hbm>>) target(%dma_start3A_266 : memref<128x64xf32, #tpu.memory_space<vmem>>) offsets(%dma_start3A_269 : memref<128xi32, #tpu.memory_space<vmem>>) semaphore(%arg11 : memref<!tpu.dma_semaphore, #tpu.memory_space<semaphore_mem>>)
      } else {
      }
      %add3A_217 = arith.constant 1 : i32
      %add3A_218 = arith.addi %scan3A_105, %add3A_217 : i32
      %mul3A_219 = arith.constant 4 : i32
      %mul3A_220 = arith.muli %add3A_218, %mul3A_219 : i32
      %add3A_221 = arith.constant 1 : i32
      %add3A_222 = arith.addi %mul3A_220, %add3A_221 : i32
      %lt3A_223 = arith.constant 160 : i32
      %lt3A_224 = arith.cmpi slt, %add3A_222, %lt3A_223 : i32
      %convert_element_type3A_225 = arith.extui %lt3A_224 : i1 to i32
      %cond3A_226 = arith.constant 0 : i32
      %cond3A_227 = arith.cmpi ne, %convert_element_type3A_225, %cond3A_226 : i32
      scf.if %cond3A_227 {
        %sub3A = arith.constant 4 : i32
        %sub3A_250 = arith.subi %add3A_222, %sub3A : i32
        %dma_wait3A_251 = arith.constant 1 : i32
        %dma_wait3A_252 = arith.constant 0 : i32
        %dma_wait3A_253 = arith.constant 0 : i32
        %dma_wait3A_254 = tpu.memref_slice %arg9[%dma_wait3A_251, %dma_wait3A_252, %dma_wait3A_253] : memref<4x128x64xf32, #tpu.memory_space<vmem>> -> memref<1x128x64xf32, #tpu.memory_space<vmem>>
        %dma_wait3A_255 = tpu.memref_squeeze %dma_wait3A_254 : memref<1x128x64xf32, #tpu.memory_space<vmem>> -> memref<128x64xf32, #tpu.memory_space<vmem>>
        %dma_wait3A_256 = arith.constant 0 : i32
        %dma_wait3A_257 = tpu.memref_slice %arg8[%sub3A_250, %dma_wait3A_256] : memref<160x128xi32, #tpu.memory_space<vmem>> -> memref<1x128xi32, #tpu.memory_space<vmem>>
        %dma_wait3A_258 = tpu.memref_squeeze %dma_wait3A_257 : memref<1x128xi32, #tpu.memory_space<vmem>> -> memref<128xi32, #tpu.memory_space<vmem>>
        %dma_wait3A_259 = arith.constant 0 : i32
        %dma_wait3A_260 = arith.constant 0 : i32
        %dma_wait3A_261 = tpu.memref_slice %arg10[%dma_wait3A_259, %dma_wait3A_260] : memref<10240x64xf32, #tpu.memory_space<vmem_shared>> -> memref<10240x64xf32, #tpu.memory_space<vmem_shared>>
        tpu.wait_indirect_dma semaphore(%arg16 : memref<!tpu.dma_semaphore, #tpu.memory_space<semaphore_mem>>) src(%dma_wait3A_255 : memref<128x64xf32, #tpu.memory_space<vmem>>) dst(%dma_wait3A_261 : memref<10240x64xf32, #tpu.memory_space<vmem_shared>>)
        %dma_start3A_262 = arith.constant 1 : i32
        %dma_start3A_263 = arith.constant 0 : i32
        %dma_start3A_264 = arith.constant 0 : i32
        %dma_start3A_265 = tpu.memref_slice %arg9[%dma_start3A_262, %dma_start3A_263, %dma_start3A_264] : memref<4x128x64xf32, #tpu.memory_space<vmem>> -> memref<1x128x64xf32, #tpu.memory_space<vmem>>
        %dma_start3A_266 = tpu.memref_squeeze %dma_start3A_265 : memref<1x128x64xf32, #tpu.memory_space<vmem>> -> memref<128x64xf32, #tpu.memory_space<vmem>>
        %dma_start3A_267 = arith.constant 0 : i32
        %dma_start3A_268 = tpu.memref_slice %arg7[%add3A_222, %dma_start3A_267] : memref<160x128xi32, #tpu.memory_space<vmem>> -> memref<1x128xi32, #tpu.memory_space<vmem>>
        %dma_start3A_269 = tpu.memref_squeeze %dma_start3A_268 : memref<1x128xi32, #tpu.memory_space<vmem>> -> memref<128xi32, #tpu.memory_space<vmem>>
        %dma_start3A_270 = arith.constant 0 : i32
        %dma_start3A_271 = arith.constant 0 : i32
        %dma_start3A_272 = tpu.memref_slice %arg2[%dma_start3A_270, %dma_start3A_271] : memref<20480x64xf32, #tpu.memory_space<hbm>> -> memref<20480x64xf32, #tpu.memory_space<hbm>>
        tpu.enqueue_indirect_dma source(%dma_start3A_272 : memref<20480x64xf32, #tpu.memory_space<hbm>>) target(%dma_start3A_266 : memref<128x64xf32, #tpu.memory_space<vmem>>) offsets(%dma_start3A_269 : memref<128xi32, #tpu.memory_space<vmem>>) semaphore(%arg12 : memref<!tpu.dma_semaphore, #tpu.memory_space<semaphore_mem>>)
      } else {
      }
      %add3A_228 = arith.constant 1 : i32
      %add3A_229 = arith.addi %scan3A_105, %add3A_228 : i32
      %mul3A_230 = arith.constant 4 : i32
      %mul3A_231 = arith.muli %add3A_229, %mul3A_230 : i32
      %add3A_232 = arith.constant 2 : i32
      %add3A_233 = arith.addi %mul3A_231, %add3A_232 : i32
      %lt3A_234 = arith.constant 160 : i32
      %lt3A_235 = arith.cmpi slt, %add3A_233, %lt3A_234 : i32
      %convert_element_type3A_236 = arith.extui %lt3A_235 : i1 to i32
      %cond3A_237 = arith.constant 0 : i32
      %cond3A_238 = arith.cmpi ne, %convert_element_type3A_236, %cond3A_237 : i32
      scf.if %cond3A_238 {
        %sub3A = arith.constant 4 : i32
        %sub3A_250 = arith.subi %add3A_233, %sub3A : i32
        %dma_wait3A_251 = arith.constant 2 : i32
        %dma_wait3A_252 = arith.constant 0 : i32
        %dma_wait3A_253 = arith.constant 0 : i32
        %dma_wait3A_254 = tpu.memref_slice %arg9[%dma_wait3A_251, %dma_wait3A_252, %dma_wait3A_253] : memref<4x128x64xf32, #tpu.memory_space<vmem>> -> memref<1x128x64xf32, #tpu.memory_space<vmem>>
        %dma_wait3A_255 = tpu.memref_squeeze %dma_wait3A_254 : memref<1x128x64xf32, #tpu.memory_space<vmem>> -> memref<128x64xf32, #tpu.memory_space<vmem>>
        %dma_wait3A_256 = arith.constant 0 : i32
        %dma_wait3A_257 = tpu.memref_slice %arg8[%sub3A_250, %dma_wait3A_256] : memref<160x128xi32, #tpu.memory_space<vmem>> -> memref<1x128xi32, #tpu.memory_space<vmem>>
        %dma_wait3A_258 = tpu.memref_squeeze %dma_wait3A_257 : memref<1x128xi32, #tpu.memory_space<vmem>> -> memref<128xi32, #tpu.memory_space<vmem>>
        %dma_wait3A_259 = arith.constant 0 : i32
        %dma_wait3A_260 = arith.constant 0 : i32
        %dma_wait3A_261 = tpu.memref_slice %arg10[%dma_wait3A_259, %dma_wait3A_260] : memref<10240x64xf32, #tpu.memory_space<vmem_shared>> -> memref<10240x64xf32, #tpu.memory_space<vmem_shared>>
        tpu.wait_indirect_dma semaphore(%arg17 : memref<!tpu.dma_semaphore, #tpu.memory_space<semaphore_mem>>) src(%dma_wait3A_255 : memref<128x64xf32, #tpu.memory_space<vmem>>) dst(%dma_wait3A_261 : memref<10240x64xf32, #tpu.memory_space<vmem_shared>>)
        %dma_start3A_262 = arith.constant 2 : i32
        %dma_start3A_263 = arith.constant 0 : i32
        %dma_start3A_264 = arith.constant 0 : i32
        %dma_start3A_265 = tpu.memref_slice %arg9[%dma_start3A_262, %dma_start3A_263, %dma_start3A_264] : memref<4x128x64xf32, #tpu.memory_space<vmem>> -> memref<1x128x64xf32, #tpu.memory_space<vmem>>
        %dma_start3A_266 = tpu.memref_squeeze %dma_start3A_265 : memref<1x128x64xf32, #tpu.memory_space<vmem>> -> memref<128x64xf32, #tpu.memory_space<vmem>>
        %dma_start3A_267 = arith.constant 0 : i32
        %dma_start3A_268 = tpu.memref_slice %arg7[%add3A_233, %dma_start3A_267] : memref<160x128xi32, #tpu.memory_space<vmem>> -> memref<1x128xi32, #tpu.memory_space<vmem>>
        %dma_start3A_269 = tpu.memref_squeeze %dma_start3A_268 : memref<1x128xi32, #tpu.memory_space<vmem>> -> memref<128xi32, #tpu.memory_space<vmem>>
        %dma_start3A_270 = arith.constant 0 : i32
        %dma_start3A_271 = arith.constant 0 : i32
        %dma_start3A_272 = tpu.memref_slice %arg2[%dma_start3A_270, %dma_start3A_271] : memref<20480x64xf32, #tpu.memory_space<hbm>> -> memref<20480x64xf32, #tpu.memory_space<hbm>>
        tpu.enqueue_indirect_dma source(%dma_start3A_272 : memref<20480x64xf32, #tpu.memory_space<hbm>>) target(%dma_start3A_266 : memref<128x64xf32, #tpu.memory_space<vmem>>) offsets(%dma_start3A_269 : memref<128xi32, #tpu.memory_space<vmem>>) semaphore(%arg13 : memref<!tpu.dma_semaphore, #tpu.memory_space<semaphore_mem>>)
      } else {
      }
      %add3A_239 = arith.constant 1 : i32
      %add3A_240 = arith.addi %scan3A_105, %add3A_239 : i32
      %mul3A_241 = arith.constant 4 : i32
      %mul3A_242 = arith.muli %add3A_240, %mul3A_241 : i32
      %add3A_243 = arith.constant 3 : i32
      %add3A_244 = arith.addi %mul3A_242, %add3A_243 : i32
      %lt3A_245 = arith.constant 160 : i32
      %lt3A_246 = arith.cmpi slt, %add3A_244, %lt3A_245 : i32
      %convert_element_type3A_247 = arith.extui %lt3A_246 : i1 to i32
      %cond3A_248 = arith.constant 0 : i32
      %cond3A_249 = arith.cmpi ne, %convert_element_type3A_247, %cond3A_248 : i32
      scf.if %cond3A_249 {
        %sub3A = arith.constant 4 : i32
        %sub3A_250 = arith.subi %add3A_244, %sub3A : i32
        %dma_wait3A_251 = arith.constant 3 : i32
        %dma_wait3A_252 = arith.constant 0 : i32
        %dma_wait3A_253 = arith.constant 0 : i32
        %dma_wait3A_254 = tpu.memref_slice %arg9[%dma_wait3A_251, %dma_wait3A_252, %dma_wait3A_253] : memref<4x128x64xf32, #tpu.memory_space<vmem>> -> memref<1x128x64xf32, #tpu.memory_space<vmem>>
        %dma_wait3A_255 = tpu.memref_squeeze %dma_wait3A_254 : memref<1x128x64xf32, #tpu.memory_space<vmem>> -> memref<128x64xf32, #tpu.memory_space<vmem>>
        %dma_wait3A_256 = arith.constant 0 : i32
        %dma_wait3A_257 = tpu.memref_slice %arg8[%sub3A_250, %dma_wait3A_256] : memref<160x128xi32, #tpu.memory_space<vmem>> -> memref<1x128xi32, #tpu.memory_space<vmem>>
        %dma_wait3A_258 = tpu.memref_squeeze %dma_wait3A_257 : memref<1x128xi32, #tpu.memory_space<vmem>> -> memref<128xi32, #tpu.memory_space<vmem>>
        %dma_wait3A_259 = arith.constant 0 : i32
        %dma_wait3A_260 = arith.constant 0 : i32
        %dma_wait3A_261 = tpu.memref_slice %arg10[%dma_wait3A_259, %dma_wait3A_260] : memref<10240x64xf32, #tpu.memory_space<vmem_shared>> -> memref<10240x64xf32, #tpu.memory_space<vmem_shared>>
        tpu.wait_indirect_dma semaphore(%arg18 : memref<!tpu.dma_semaphore, #tpu.memory_space<semaphore_mem>>) src(%dma_wait3A_255 : memref<128x64xf32, #tpu.memory_space<vmem>>) dst(%dma_wait3A_261 : memref<10240x64xf32, #tpu.memory_space<vmem_shared>>)
        %dma_start3A_262 = arith.constant 3 : i32
        %dma_start3A_263 = arith.constant 0 : i32
        %dma_start3A_264 = arith.constant 0 : i32
        %dma_start3A_265 = tpu.memref_slice %arg9[%dma_start3A_262, %dma_start3A_263, %dma_start3A_264] : memref<4x128x64xf32, #tpu.memory_space<vmem>> -> memref<1x128x64xf32, #tpu.memory_space<vmem>>
        %dma_start3A_266 = tpu.memref_squeeze %dma_start3A_265 : memref<1x128x64xf32, #tpu.memory_space<vmem>> -> memref<128x64xf32, #tpu.memory_space<vmem>>
        %dma_start3A_267 = arith.constant 0 : i32
        %dma_start3A_268 = tpu.memref_slice %arg7[%add3A_244, %dma_start3A_267] : memref<160x128xi32, #tpu.memory_space<vmem>> -> memref<1x128xi32, #tpu.memory_space<vmem>>
        %dma_start3A_269 = tpu.memref_squeeze %dma_start3A_268 : memref<1x128xi32, #tpu.memory_space<vmem>> -> memref<128xi32, #tpu.memory_space<vmem>>
        %dma_start3A_270 = arith.constant 0 : i32
        %dma_start3A_271 = arith.constant 0 : i32
        %dma_start3A_272 = tpu.memref_slice %arg2[%dma_start3A_270, %dma_start3A_271] : memref<20480x64xf32, #tpu.memory_space<hbm>> -> memref<20480x64xf32, #tpu.memory_space<hbm>>
        tpu.enqueue_indirect_dma source(%dma_start3A_272 : memref<20480x64xf32, #tpu.memory_space<hbm>>) target(%dma_start3A_266 : memref<128x64xf32, #tpu.memory_space<vmem>>) offsets(%dma_start3A_269 : memref<128xi32, #tpu.memory_space<vmem>>) semaphore(%arg14 : memref<!tpu.dma_semaphore, #tpu.memory_space<semaphore_mem>>)
      } else {
      }
    }
    %scan3A_56 = arith.constant 40 : i32
    %dma_wait3A = arith.constant 0 : i32
    %dma_wait3A_57 = arith.constant 156 : i32
    %dma_wait3A_58 = arith.constant 0 : i32
    %dma_wait3A_59 = arith.constant 0 : i32
    %dma_wait3A_60 = tpu.memref_slice %arg9[%dma_wait3A, %dma_wait3A_58, %dma_wait3A_59] : memref<4x128x64xf32, #tpu.memory_space<vmem>> -> memref<1x128x64xf32, #tpu.memory_space<vmem>>
    %dma_wait3A_61 = tpu.memref_squeeze %dma_wait3A_60 : memref<1x128x64xf32, #tpu.memory_space<vmem>> -> memref<128x64xf32, #tpu.memory_space<vmem>>
    %dma_wait3A_62 = arith.constant 0 : i32
    %dma_wait3A_63 = tpu.memref_slice %arg8[%dma_wait3A_57, %dma_wait3A_62] : memref<160x128xi32, #tpu.memory_space<vmem>> -> memref<1x128xi32, #tpu.memory_space<vmem>>
    %dma_wait3A_64 = tpu.memref_squeeze %dma_wait3A_63 : memref<1x128xi32, #tpu.memory_space<vmem>> -> memref<128xi32, #tpu.memory_space<vmem>>
    %dma_wait3A_65 = arith.constant 0 : i32
    %dma_wait3A_66 = arith.constant 0 : i32
    %dma_wait3A_67 = tpu.memref_slice %arg10[%dma_wait3A_65, %dma_wait3A_66] : memref<10240x64xf32, #tpu.memory_space<vmem_shared>> -> memref<10240x64xf32, #tpu.memory_space<vmem_shared>>
    tpu.wait_indirect_dma semaphore(%arg15 : memref<!tpu.dma_semaphore, #tpu.memory_space<semaphore_mem>>) src(%dma_wait3A_61 : memref<128x64xf32, #tpu.memory_space<vmem>>) dst(%dma_wait3A_67 : memref<10240x64xf32, #tpu.memory_space<vmem_shared>>)
    %dma_wait3A_68 = arith.constant 1 : i32
    %dma_wait3A_69 = arith.constant 157 : i32
    %dma_wait3A_70 = arith.constant 0 : i32
    %dma_wait3A_71 = arith.constant 0 : i32
    %dma_wait3A_72 = tpu.memref_slice %arg9[%dma_wait3A_68, %dma_wait3A_70, %dma_wait3A_71] : memref<4x128x64xf32, #tpu.memory_space<vmem>> -> memref<1x128x64xf32, #tpu.memory_space<vmem>>
    %dma_wait3A_73 = tpu.memref_squeeze %dma_wait3A_72 : memref<1x128x64xf32, #tpu.memory_space<vmem>> -> memref<128x64xf32, #tpu.memory_space<vmem>>
    %dma_wait3A_74 = arith.constant 0 : i32
    %dma_wait3A_75 = tpu.memref_slice %arg8[%dma_wait3A_69, %dma_wait3A_74] : memref<160x128xi32, #tpu.memory_space<vmem>> -> memref<1x128xi32, #tpu.memory_space<vmem>>
    %dma_wait3A_76 = tpu.memref_squeeze %dma_wait3A_75 : memref<1x128xi32, #tpu.memory_space<vmem>> -> memref<128xi32, #tpu.memory_space<vmem>>
    %dma_wait3A_77 = arith.constant 0 : i32
    %dma_wait3A_78 = arith.constant 0 : i32
    %dma_wait3A_79 = tpu.memref_slice %arg10[%dma_wait3A_77, %dma_wait3A_78] : memref<10240x64xf32, #tpu.memory_space<vmem_shared>> -> memref<10240x64xf32, #tpu.memory_space<vmem_shared>>
    tpu.wait_indirect_dma semaphore(%arg16 : memref<!tpu.dma_semaphore, #tpu.memory_space<semaphore_mem>>) src(%dma_wait3A_73 : memref<128x64xf32, #tpu.memory_space<vmem>>) dst(%dma_wait3A_79 : memref<10240x64xf32, #tpu.memory_space<vmem_shared>>)
    %dma_wait3A_80 = arith.constant 2 : i32
    %dma_wait3A_81 = arith.constant 158 : i32
    %dma_wait3A_82 = arith.constant 0 : i32
    %dma_wait3A_83 = arith.constant 0 : i32
    %dma_wait3A_84 = tpu.memref_slice %arg9[%dma_wait3A_80, %dma_wait3A_82, %dma_wait3A_83] : memref<4x128x64xf32, #tpu.memory_space<vmem>> -> memref<1x128x64xf32, #tpu.memory_space<vmem>>
    %dma_wait3A_85 = tpu.memref_squeeze %dma_wait3A_84 : memref<1x128x64xf32, #tpu.memory_space<vmem>> -> memref<128x64xf32, #tpu.memory_space<vmem>>
    %dma_wait3A_86 = arith.constant 0 : i32
    %dma_wait3A_87 = tpu.memref_slice %arg8[%dma_wait3A_81, %dma_wait3A_86] : memref<160x128xi32, #tpu.memory_space<vmem>> -> memref<1x128xi32, #tpu.memory_space<vmem>>
    %dma_wait3A_88 = tpu.memref_squeeze %dma_wait3A_87 : memref<1x128xi32, #tpu.memory_space<vmem>> -> memref<128xi32, #tpu.memory_space<vmem>>
    %dma_wait3A_89 = arith.constant 0 : i32
    %dma_wait3A_90 = arith.constant 0 : i32
    %dma_wait3A_91 = tpu.memref_slice %arg10[%dma_wait3A_89, %dma_wait3A_90] : memref<10240x64xf32, #tpu.memory_space<vmem_shared>> -> memref<10240x64xf32, #tpu.memory_space<vmem_shared>>
    tpu.wait_indirect_dma semaphore(%arg17 : memref<!tpu.dma_semaphore, #tpu.memory_space<semaphore_mem>>) src(%dma_wait3A_85 : memref<128x64xf32, #tpu.memory_space<vmem>>) dst(%dma_wait3A_91 : memref<10240x64xf32, #tpu.memory_space<vmem_shared>>)
    %dma_wait3A_92 = arith.constant 3 : i32
    %dma_wait3A_93 = arith.constant 159 : i32
    %dma_wait3A_94 = arith.constant 0 : i32
    %dma_wait3A_95 = arith.constant 0 : i32
    %dma_wait3A_96 = tpu.memref_slice %arg9[%dma_wait3A_92, %dma_wait3A_94, %dma_wait3A_95] : memref<4x128x64xf32, #tpu.memory_space<vmem>> -> memref<1x128x64xf32, #tpu.memory_space<vmem>>
    %dma_wait3A_97 = tpu.memref_squeeze %dma_wait3A_96 : memref<1x128x64xf32, #tpu.memory_space<vmem>> -> memref<128x64xf32, #tpu.memory_space<vmem>>
    %dma_wait3A_98 = arith.constant 0 : i32
    %dma_wait3A_99 = tpu.memref_slice %arg8[%dma_wait3A_93, %dma_wait3A_98] : memref<160x128xi32, #tpu.memory_space<vmem>> -> memref<1x128xi32, #tpu.memory_space<vmem>>
    %dma_wait3A_100 = tpu.memref_squeeze %dma_wait3A_99 : memref<1x128xi32, #tpu.memory_space<vmem>> -> memref<128xi32, #tpu.memory_space<vmem>>
    %dma_wait3A_101 = arith.constant 0 : i32
    %dma_wait3A_102 = arith.constant 0 : i32
    %dma_wait3A_103 = tpu.memref_slice %arg10[%dma_wait3A_101, %dma_wait3A_102] : memref<10240x64xf32, #tpu.memory_space<vmem_shared>> -> memref<10240x64xf32, #tpu.memory_space<vmem_shared>>
    tpu.wait_indirect_dma semaphore(%arg18 : memref<!tpu.dma_semaphore, #tpu.memory_space<semaphore_mem>>) src(%dma_wait3A_97 : memref<128x64xf32, #tpu.memory_space<vmem>>) dst(%dma_wait3A_103 : memref<10240x64xf32, #tpu.memory_space<vmem_shared>>)
    %barrier3A_104 = arith.constant 0 : index
    tpu.barrier barrier_id(%barrier3A_104)
    "tpu.region"() ({
      %run_scoped3A = tpu.sem_alloc : memref<!tpu.dma_semaphore, #tpu.memory_space<semaphore_mem>>
      %dma_start3A_105 = arith.constant 0 : i32
      %dma_start3A_106 = tpu.memref_slice %arg6[%arg0, %mul3A_0, %dma_start3A_105] : memref<2x10240x64xf32, #tpu.memory_space<hbm>> -> memref<1x640x64xf32, #tpu.memory_space<hbm>>
      %dma_start3A_107 = tpu.memref_squeeze %dma_start3A_106 : memref<1x640x64xf32, #tpu.memory_space<hbm>> -> memref<640x64xf32, #tpu.memory_space<hbm>>
      %dma_start3A_108 = arith.constant 0 : i32
      %dma_start3A_109 = tpu.memref_slice %arg10[%mul3A_0, %dma_start3A_108] : memref<10240x64xf32, #tpu.memory_space<vmem_shared>> -> memref<640x64xf32, #tpu.memory_space<vmem_shared>>
      tpu.enqueue_dma source(%dma_start3A_109 : memref<640x64xf32, #tpu.memory_space<vmem_shared>>) target(%dma_start3A_107 : memref<640x64xf32, #tpu.memory_space<hbm>>) target_semaphore(%run_scoped3A : memref<!tpu.dma_semaphore, #tpu.memory_space<semaphore_mem>>)
      %dma_wait3A_110 = arith.constant 0 : i32
      %dma_wait3A_111 = tpu.memref_slice %arg6[%arg0, %mul3A_0, %dma_wait3A_110] : memref<2x10240x64xf32, #tpu.memory_space<hbm>> -> memref<1x640x64xf32, #tpu.memory_space<hbm>>
      %dma_wait3A_112 = tpu.memref_squeeze %dma_wait3A_111 : memref<1x640x64xf32, #tpu.memory_space<hbm>> -> memref<640x64xf32, #tpu.memory_space<hbm>>
      %dma_wait3A_113 = arith.constant 0 : i32
      %dma_wait3A_114 = tpu.memref_slice %arg10[%mul3A_0, %dma_wait3A_113] : memref<10240x64xf32, #tpu.memory_space<vmem_shared>> -> memref<640x64xf32, #tpu.memory_space<vmem_shared>>
      tpu.wait_dma2 semaphore(%run_scoped3A : memref<!tpu.dma_semaphore, #tpu.memory_space<semaphore_mem>>) src(%dma_wait3A_114 : memref<640x64xf32, #tpu.memory_space<vmem_shared>>) dst(%dma_wait3A_112 : memref<640x64xf32, #tpu.memory_space<hbm>>)
      tpu.yield
    }) : () -> ()
    return
  }
}

#map = affine_map<(d0, d1) -> (0, 0)>
#map1 = affine_map<(d0, d1) -> (0, 0, 0)>
module attributes {stable_mosaic.version = 14 : i64} {
  func.func @deg_kernel(%arg0: i32, %arg1: i32, %arg2: memref<2560x128xi32, #tpu.memory_space<hbm>>, %arg3: memref<128x16xf32, #tpu.memory_space<hbm>>, %arg4: memref<640x16xf32, #tpu.memory_space<hbm>>, %arg5: memref<2x10240x16xf32, #tpu.memory_space<hbm>>, %arg6: memref<80x128xi32, #tpu.memory_space<vmem>>, %arg7: memref<128x16xf32, #tpu.memory_space<vmem>>, %arg8: memref<10240x16xf32, #tpu.memory_space<vmem_shared>>, %arg9: memref<!tpu.dma_semaphore, #tpu.memory_space<semaphore_mem>>) attributes {dimension_semantics = [#tpu.dimension_semantics<core_parallel>, #tpu.dimension_semantics<subcore_parallel>], iteration_bounds = array<i64: 2, 16>, scalar_prefetch = 0 : i64, scratch_operands = 4 : i64, tpu.core_type = #tpu.core_type<sc_vector_subcore>, window_params = [{transform_indices = #map}, {transform_indices = #map}, {transform_indices = #map}, {transform_indices = #map1}]} {
    %mul3A = arith.constant 2 : i32
    %mul3A_0 = arith.muli %arg1, %mul3A : i32
    %add3A = arith.addi %mul3A_0, %arg0 : i32
    %mul3A_1 = arith.constant 640 : i32
    %mul3A_2 = arith.muli %arg1, %mul3A_1 : i32
    "tpu.region"() ({
      %run_scoped3A = tpu.sem_alloc : memref<!tpu.dma_semaphore, #tpu.memory_space<semaphore_mem>>
      %dma_start3A = arith.constant 0 : i32
      %dma_start3A_11 = tpu.memref_slice %arg8[%mul3A_2, %dma_start3A] : memref<10240x16xf32, #tpu.memory_space<vmem_shared>> -> memref<640x16xf32, #tpu.memory_space<vmem_shared>>
      tpu.enqueue_dma source(%arg4 : memref<640x16xf32, #tpu.memory_space<hbm>>) target(%dma_start3A_11 : memref<640x16xf32, #tpu.memory_space<vmem_shared>>) target_semaphore(%run_scoped3A : memref<!tpu.dma_semaphore, #tpu.memory_space<semaphore_mem>>)
      %dma_wait3A = arith.constant 0 : i32
      %dma_wait3A_12 = tpu.memref_slice %arg8[%mul3A_2, %dma_wait3A] : memref<10240x16xf32, #tpu.memory_space<vmem_shared>> -> memref<640x16xf32, #tpu.memory_space<vmem_shared>>
      tpu.wait_dma2 semaphore(%run_scoped3A : memref<!tpu.dma_semaphore, #tpu.memory_space<semaphore_mem>>) src(%arg4 : memref<640x16xf32, #tpu.memory_space<hbm>>) dst(%dma_wait3A_12 : memref<640x16xf32, #tpu.memory_space<vmem_shared>>)
      tpu.yield
    }) : () -> ()
    "tpu.region"() ({
      %run_scoped3A = tpu.sem_alloc : memref<!tpu.dma_semaphore, #tpu.memory_space<semaphore_mem>>
      tpu.enqueue_dma source(%arg3 : memref<128x16xf32, #tpu.memory_space<hbm>>) target(%arg7 : memref<128x16xf32, #tpu.memory_space<vmem>>) target_semaphore(%run_scoped3A : memref<!tpu.dma_semaphore, #tpu.memory_space<semaphore_mem>>)
      tpu.wait_dma2 semaphore(%run_scoped3A : memref<!tpu.dma_semaphore, #tpu.memory_space<semaphore_mem>>) src(%arg3 : memref<128x16xf32, #tpu.memory_space<hbm>>) dst(%arg7 : memref<128x16xf32, #tpu.memory_space<vmem>>)
      tpu.yield
    }) : () -> ()
    %mul3A_3 = arith.constant 80 : i32
    %mul3A_4 = arith.muli %add3A, %mul3A_3 : i32
    "tpu.region"() ({
      %run_scoped3A = tpu.sem_alloc : memref<!tpu.dma_semaphore, #tpu.memory_space<semaphore_mem>>
      %dma_start3A = arith.constant 0 : i32
      %dma_start3A_11 = tpu.memref_slice %arg2[%mul3A_4, %dma_start3A] : memref<2560x128xi32, #tpu.memory_space<hbm>> -> memref<80x128xi32, #tpu.memory_space<hbm>>
      %dma_start3A_12 = arith.constant 0 : i32
      %dma_start3A_13 = tpu.memref_slice %arg2[%mul3A_4, %dma_start3A_12] : memref<2560x128xi32, #tpu.memory_space<hbm>> -> memref<80x128xi32, #tpu.memory_space<hbm>>
      tpu.enqueue_dma source(%dma_start3A_13 : memref<80x128xi32, #tpu.memory_space<hbm>>) target(%arg6 : memref<80x128xi32, #tpu.memory_space<vmem>>) target_semaphore(%run_scoped3A : memref<!tpu.dma_semaphore, #tpu.memory_space<semaphore_mem>>)
      %dma_wait3A = arith.constant 0 : i32
      %dma_wait3A_14 = tpu.memref_slice %arg2[%mul3A_4, %dma_wait3A] : memref<2560x128xi32, #tpu.memory_space<hbm>> -> memref<80x128xi32, #tpu.memory_space<hbm>>
      %dma_wait3A_15 = arith.constant 0 : i32
      %dma_wait3A_16 = tpu.memref_slice %arg2[%mul3A_4, %dma_wait3A_15] : memref<2560x128xi32, #tpu.memory_space<hbm>> -> memref<80x128xi32, #tpu.memory_space<hbm>>
      tpu.wait_dma2 semaphore(%run_scoped3A : memref<!tpu.dma_semaphore, #tpu.memory_space<semaphore_mem>>) src(%dma_wait3A_16 : memref<80x128xi32, #tpu.memory_space<hbm>>) dst(%arg6 : memref<80x128xi32, #tpu.memory_space<vmem>>)
      tpu.yield
    }) : () -> ()
    %barrier3A = arith.constant 0 : index
    tpu.barrier barrier_id(%barrier3A)
    %scan3A = arith.constant 0 : i32
    %scan3A_5 = arith.constant 0 : i32
    %scan3A_6 = arith.constant 10 : i32
    %scan3A_7 = arith.addi %scan3A_5, %scan3A_6 : i32
    %scan3A_8 = arith.constant 1 : i32
    scf.for %scan3A_11 = %scan3A_5 to %scan3A_7 step %scan3A_8  : i32 {
      %mul3A_12 = arith.constant 8 : i32
      %mul3A_13 = arith.muli %scan3A_11, %mul3A_12 : i32
      %add3A_14 = arith.constant 0 : i32
      %add3A_15 = arith.addi %mul3A_13, %add3A_14 : i32
      %dma_start3A = arith.constant 0 : i32
      %dma_start3A_16 = tpu.memref_slice %arg6[%add3A_15, %dma_start3A] : memref<80x128xi32, #tpu.memory_space<vmem>> -> memref<1x128xi32, #tpu.memory_space<vmem>>
      %dma_start3A_17 = tpu.memref_squeeze %dma_start3A_16 : memref<1x128xi32, #tpu.memory_space<vmem>> -> memref<128xi32, #tpu.memory_space<vmem>>
      %dma_start3A_18 = arith.constant 0 : i32
      %dma_start3A_19 = arith.constant 0 : i32
      %dma_start3A_20 = tpu.memref_slice %arg8[%dma_start3A_18, %dma_start3A_19] : memref<10240x16xf32, #tpu.memory_space<vmem_shared>> -> memref<10240x16xf32, #tpu.memory_space<vmem_shared>>
      tpu.enqueue_indirect_dma source(%arg7 : memref<128x16xf32, #tpu.memory_space<vmem>>) target(%dma_start3A_20 : memref<10240x16xf32, #tpu.memory_space<vmem_shared>>) offsets(%dma_start3A_17 : memref<128xi32, #tpu.memory_space<vmem>>) semaphore(%arg9 : memref<!tpu.dma_semaphore, #tpu.memory_space<semaphore_mem>>) {add = true}
      %mul3A_21 = arith.constant 8 : i32
      %mul3A_22 = arith.muli %scan3A_11, %mul3A_21 : i32
      %add3A_23 = arith.constant 1 : i32
      %add3A_24 = arith.addi %mul3A_22, %add3A_23 : i32
      %dma_start3A_25 = arith.constant 0 : i32
      %dma_start3A_26 = tpu.memref_slice %arg6[%add3A_24, %dma_start3A_25] : memref<80x128xi32, #tpu.memory_space<vmem>> -> memref<1x128xi32, #tpu.memory_space<vmem>>
      %dma_start3A_27 = tpu.memref_squeeze %dma_start3A_26 : memref<1x128xi32, #tpu.memory_space<vmem>> -> memref<128xi32, #tpu.memory_space<vmem>>
      %dma_start3A_28 = arith.constant 0 : i32
      %dma_start3A_29 = arith.constant 0 : i32
      %dma_start3A_30 = tpu.memref_slice %arg8[%dma_start3A_28, %dma_start3A_29] : memref<10240x16xf32, #tpu.memory_space<vmem_shared>> -> memref<10240x16xf32, #tpu.memory_space<vmem_shared>>
      tpu.enqueue_indirect_dma source(%arg7 : memref<128x16xf32, #tpu.memory_space<vmem>>) target(%dma_start3A_30 : memref<10240x16xf32, #tpu.memory_space<vmem_shared>>) offsets(%dma_start3A_27 : memref<128xi32, #tpu.memory_space<vmem>>) semaphore(%arg9 : memref<!tpu.dma_semaphore, #tpu.memory_space<semaphore_mem>>) {add = true}
      %mul3A_31 = arith.constant 8 : i32
      %mul3A_32 = arith.muli %scan3A_11, %mul3A_31 : i32
      %add3A_33 = arith.constant 2 : i32
      %add3A_34 = arith.addi %mul3A_32, %add3A_33 : i32
      %dma_start3A_35 = arith.constant 0 : i32
      %dma_start3A_36 = tpu.memref_slice %arg6[%add3A_34, %dma_start3A_35] : memref<80x128xi32, #tpu.memory_space<vmem>> -> memref<1x128xi32, #tpu.memory_space<vmem>>
      %dma_start3A_37 = tpu.memref_squeeze %dma_start3A_36 : memref<1x128xi32, #tpu.memory_space<vmem>> -> memref<128xi32, #tpu.memory_space<vmem>>
      %dma_start3A_38 = arith.constant 0 : i32
      %dma_start3A_39 = arith.constant 0 : i32
      %dma_start3A_40 = tpu.memref_slice %arg8[%dma_start3A_38, %dma_start3A_39] : memref<10240x16xf32, #tpu.memory_space<vmem_shared>> -> memref<10240x16xf32, #tpu.memory_space<vmem_shared>>
      tpu.enqueue_indirect_dma source(%arg7 : memref<128x16xf32, #tpu.memory_space<vmem>>) target(%dma_start3A_40 : memref<10240x16xf32, #tpu.memory_space<vmem_shared>>) offsets(%dma_start3A_37 : memref<128xi32, #tpu.memory_space<vmem>>) semaphore(%arg9 : memref<!tpu.dma_semaphore, #tpu.memory_space<semaphore_mem>>) {add = true}
      %mul3A_41 = arith.constant 8 : i32
      %mul3A_42 = arith.muli %scan3A_11, %mul3A_41 : i32
      %add3A_43 = arith.constant 3 : i32
      %add3A_44 = arith.addi %mul3A_42, %add3A_43 : i32
      %dma_start3A_45 = arith.constant 0 : i32
      %dma_start3A_46 = tpu.memref_slice %arg6[%add3A_44, %dma_start3A_45] : memref<80x128xi32, #tpu.memory_space<vmem>> -> memref<1x128xi32, #tpu.memory_space<vmem>>
      %dma_start3A_47 = tpu.memref_squeeze %dma_start3A_46 : memref<1x128xi32, #tpu.memory_space<vmem>> -> memref<128xi32, #tpu.memory_space<vmem>>
      %dma_start3A_48 = arith.constant 0 : i32
      %dma_start3A_49 = arith.constant 0 : i32
      %dma_start3A_50 = tpu.memref_slice %arg8[%dma_start3A_48, %dma_start3A_49] : memref<10240x16xf32, #tpu.memory_space<vmem_shared>> -> memref<10240x16xf32, #tpu.memory_space<vmem_shared>>
      tpu.enqueue_indirect_dma source(%arg7 : memref<128x16xf32, #tpu.memory_space<vmem>>) target(%dma_start3A_50 : memref<10240x16xf32, #tpu.memory_space<vmem_shared>>) offsets(%dma_start3A_47 : memref<128xi32, #tpu.memory_space<vmem>>) semaphore(%arg9 : memref<!tpu.dma_semaphore, #tpu.memory_space<semaphore_mem>>) {add = true}
      %mul3A_51 = arith.constant 8 : i32
      %mul3A_52 = arith.muli %scan3A_11, %mul3A_51 : i32
      %add3A_53 = arith.constant 4 : i32
      %add3A_54 = arith.addi %mul3A_52, %add3A_53 : i32
      %dma_start3A_55 = arith.constant 0 : i32
      %dma_start3A_56 = tpu.memref_slice %arg6[%add3A_54, %dma_start3A_55] : memref<80x128xi32, #tpu.memory_space<vmem>> -> memref<1x128xi32, #tpu.memory_space<vmem>>
      %dma_start3A_57 = tpu.memref_squeeze %dma_start3A_56 : memref<1x128xi32, #tpu.memory_space<vmem>> -> memref<128xi32, #tpu.memory_space<vmem>>
      %dma_start3A_58 = arith.constant 0 : i32
      %dma_start3A_59 = arith.constant 0 : i32
      %dma_start3A_60 = tpu.memref_slice %arg8[%dma_start3A_58, %dma_start3A_59] : memref<10240x16xf32, #tpu.memory_space<vmem_shared>> -> memref<10240x16xf32, #tpu.memory_space<vmem_shared>>
      tpu.enqueue_indirect_dma source(%arg7 : memref<128x16xf32, #tpu.memory_space<vmem>>) target(%dma_start3A_60 : memref<10240x16xf32, #tpu.memory_space<vmem_shared>>) offsets(%dma_start3A_57 : memref<128xi32, #tpu.memory_space<vmem>>) semaphore(%arg9 : memref<!tpu.dma_semaphore, #tpu.memory_space<semaphore_mem>>) {add = true}
      %mul3A_61 = arith.constant 8 : i32
      %mul3A_62 = arith.muli %scan3A_11, %mul3A_61 : i32
      %add3A_63 = arith.constant 5 : i32
      %add3A_64 = arith.addi %mul3A_62, %add3A_63 : i32
      %dma_start3A_65 = arith.constant 0 : i32
      %dma_start3A_66 = tpu.memref_slice %arg6[%add3A_64, %dma_start3A_65] : memref<80x128xi32, #tpu.memory_space<vmem>> -> memref<1x128xi32, #tpu.memory_space<vmem>>
      %dma_start3A_67 = tpu.memref_squeeze %dma_start3A_66 : memref<1x128xi32, #tpu.memory_space<vmem>> -> memref<128xi32, #tpu.memory_space<vmem>>
      %dma_start3A_68 = arith.constant 0 : i32
      %dma_start3A_69 = arith.constant 0 : i32
      %dma_start3A_70 = tpu.memref_slice %arg8[%dma_start3A_68, %dma_start3A_69] : memref<10240x16xf32, #tpu.memory_space<vmem_shared>> -> memref<10240x16xf32, #tpu.memory_space<vmem_shared>>
      tpu.enqueue_indirect_dma source(%arg7 : memref<128x16xf32, #tpu.memory_space<vmem>>) target(%dma_start3A_70 : memref<10240x16xf32, #tpu.memory_space<vmem_shared>>) offsets(%dma_start3A_67 : memref<128xi32, #tpu.memory_space<vmem>>) semaphore(%arg9 : memref<!tpu.dma_semaphore, #tpu.memory_space<semaphore_mem>>) {add = true}
      %mul3A_71 = arith.constant 8 : i32
      %mul3A_72 = arith.muli %scan3A_11, %mul3A_71 : i32
      %add3A_73 = arith.constant 6 : i32
      %add3A_74 = arith.addi %mul3A_72, %add3A_73 : i32
      %dma_start3A_75 = arith.constant 0 : i32
      %dma_start3A_76 = tpu.memref_slice %arg6[%add3A_74, %dma_start3A_75] : memref<80x128xi32, #tpu.memory_space<vmem>> -> memref<1x128xi32, #tpu.memory_space<vmem>>
      %dma_start3A_77 = tpu.memref_squeeze %dma_start3A_76 : memref<1x128xi32, #tpu.memory_space<vmem>> -> memref<128xi32, #tpu.memory_space<vmem>>
      %dma_start3A_78 = arith.constant 0 : i32
      %dma_start3A_79 = arith.constant 0 : i32
      %dma_start3A_80 = tpu.memref_slice %arg8[%dma_start3A_78, %dma_start3A_79] : memref<10240x16xf32, #tpu.memory_space<vmem_shared>> -> memref<10240x16xf32, #tpu.memory_space<vmem_shared>>
      tpu.enqueue_indirect_dma source(%arg7 : memref<128x16xf32, #tpu.memory_space<vmem>>) target(%dma_start3A_80 : memref<10240x16xf32, #tpu.memory_space<vmem_shared>>) offsets(%dma_start3A_77 : memref<128xi32, #tpu.memory_space<vmem>>) semaphore(%arg9 : memref<!tpu.dma_semaphore, #tpu.memory_space<semaphore_mem>>) {add = true}
      %mul3A_81 = arith.constant 8 : i32
      %mul3A_82 = arith.muli %scan3A_11, %mul3A_81 : i32
      %add3A_83 = arith.constant 7 : i32
      %add3A_84 = arith.addi %mul3A_82, %add3A_83 : i32
      %dma_start3A_85 = arith.constant 0 : i32
      %dma_start3A_86 = tpu.memref_slice %arg6[%add3A_84, %dma_start3A_85] : memref<80x128xi32, #tpu.memory_space<vmem>> -> memref<1x128xi32, #tpu.memory_space<vmem>>
      %dma_start3A_87 = tpu.memref_squeeze %dma_start3A_86 : memref<1x128xi32, #tpu.memory_space<vmem>> -> memref<128xi32, #tpu.memory_space<vmem>>
      %dma_start3A_88 = arith.constant 0 : i32
      %dma_start3A_89 = arith.constant 0 : i32
      %dma_start3A_90 = tpu.memref_slice %arg8[%dma_start3A_88, %dma_start3A_89] : memref<10240x16xf32, #tpu.memory_space<vmem_shared>> -> memref<10240x16xf32, #tpu.memory_space<vmem_shared>>
      tpu.enqueue_indirect_dma source(%arg7 : memref<128x16xf32, #tpu.memory_space<vmem>>) target(%dma_start3A_90 : memref<10240x16xf32, #tpu.memory_space<vmem_shared>>) offsets(%dma_start3A_87 : memref<128xi32, #tpu.memory_space<vmem>>) semaphore(%arg9 : memref<!tpu.dma_semaphore, #tpu.memory_space<semaphore_mem>>) {add = true}
      %mul3A_91 = arith.constant 8 : i32
      %mul3A_92 = arith.muli %scan3A_11, %mul3A_91 : i32
      %add3A_93 = arith.constant 0 : i32
      %add3A_94 = arith.addi %mul3A_92, %add3A_93 : i32
      %dma_wait3A = arith.constant 0 : i32
      %dma_wait3A_95 = tpu.memref_slice %arg6[%add3A_94, %dma_wait3A] : memref<80x128xi32, #tpu.memory_space<vmem>> -> memref<1x128xi32, #tpu.memory_space<vmem>>
      %dma_wait3A_96 = tpu.memref_squeeze %dma_wait3A_95 : memref<1x128xi32, #tpu.memory_space<vmem>> -> memref<128xi32, #tpu.memory_space<vmem>>
      %dma_wait3A_97 = arith.constant 0 : i32
      %dma_wait3A_98 = arith.constant 0 : i32
      %dma_wait3A_99 = tpu.memref_slice %arg8[%dma_wait3A_97, %dma_wait3A_98] : memref<10240x16xf32, #tpu.memory_space<vmem_shared>> -> memref<10240x16xf32, #tpu.memory_space<vmem_shared>>
      tpu.wait_indirect_dma semaphore(%arg9 : memref<!tpu.dma_semaphore, #tpu.memory_space<semaphore_mem>>) src(%arg7 : memref<128x16xf32, #tpu.memory_space<vmem>>) dst(%dma_wait3A_99 : memref<10240x16xf32, #tpu.memory_space<vmem_shared>>)
      %mul3A_100 = arith.constant 8 : i32
      %mul3A_101 = arith.muli %scan3A_11, %mul3A_100 : i32
      %add3A_102 = arith.constant 1 : i32
      %add3A_103 = arith.addi %mul3A_101, %add3A_102 : i32
      %dma_wait3A_104 = arith.constant 0 : i32
      %dma_wait3A_105 = tpu.memref_slice %arg6[%add3A_103, %dma_wait3A_104] : memref<80x128xi32, #tpu.memory_space<vmem>> -> memref<1x128xi32, #tpu.memory_space<vmem>>
      %dma_wait3A_106 = tpu.memref_squeeze %dma_wait3A_105 : memref<1x128xi32, #tpu.memory_space<vmem>> -> memref<128xi32, #tpu.memory_space<vmem>>
      %dma_wait3A_107 = arith.constant 0 : i32
      %dma_wait3A_108 = arith.constant 0 : i32
      %dma_wait3A_109 = tpu.memref_slice %arg8[%dma_wait3A_107, %dma_wait3A_108] : memref<10240x16xf32, #tpu.memory_space<vmem_shared>> -> memref<10240x16xf32, #tpu.memory_space<vmem_shared>>
      tpu.wait_indirect_dma semaphore(%arg9 : memref<!tpu.dma_semaphore, #tpu.memory_space<semaphore_mem>>) src(%arg7 : memref<128x16xf32, #tpu.memory_space<vmem>>) dst(%dma_wait3A_109 : memref<10240x16xf32, #tpu.memory_space<vmem_shared>>)
      %mul3A_110 = arith.constant 8 : i32
      %mul3A_111 = arith.muli %scan3A_11, %mul3A_110 : i32
      %add3A_112 = arith.constant 2 : i32
      %add3A_113 = arith.addi %mul3A_111, %add3A_112 : i32
      %dma_wait3A_114 = arith.constant 0 : i32
      %dma_wait3A_115 = tpu.memref_slice %arg6[%add3A_113, %dma_wait3A_114] : memref<80x128xi32, #tpu.memory_space<vmem>> -> memref<1x128xi32, #tpu.memory_space<vmem>>
      %dma_wait3A_116 = tpu.memref_squeeze %dma_wait3A_115 : memref<1x128xi32, #tpu.memory_space<vmem>> -> memref<128xi32, #tpu.memory_space<vmem>>
      %dma_wait3A_117 = arith.constant 0 : i32
      %dma_wait3A_118 = arith.constant 0 : i32
      %dma_wait3A_119 = tpu.memref_slice %arg8[%dma_wait3A_117, %dma_wait3A_118] : memref<10240x16xf32, #tpu.memory_space<vmem_shared>> -> memref<10240x16xf32, #tpu.memory_space<vmem_shared>>
      tpu.wait_indirect_dma semaphore(%arg9 : memref<!tpu.dma_semaphore, #tpu.memory_space<semaphore_mem>>) src(%arg7 : memref<128x16xf32, #tpu.memory_space<vmem>>) dst(%dma_wait3A_119 : memref<10240x16xf32, #tpu.memory_space<vmem_shared>>)
      %mul3A_120 = arith.constant 8 : i32
      %mul3A_121 = arith.muli %scan3A_11, %mul3A_120 : i32
      %add3A_122 = arith.constant 3 : i32
      %add3A_123 = arith.addi %mul3A_121, %add3A_122 : i32
      %dma_wait3A_124 = arith.constant 0 : i32
      %dma_wait3A_125 = tpu.memref_slice %arg6[%add3A_123, %dma_wait3A_124] : memref<80x128xi32, #tpu.memory_space<vmem>> -> memref<1x128xi32, #tpu.memory_space<vmem>>
      %dma_wait3A_126 = tpu.memref_squeeze %dma_wait3A_125 : memref<1x128xi32, #tpu.memory_space<vmem>> -> memref<128xi32, #tpu.memory_space<vmem>>
      %dma_wait3A_127 = arith.constant 0 : i32
      %dma_wait3A_128 = arith.constant 0 : i32
      %dma_wait3A_129 = tpu.memref_slice %arg8[%dma_wait3A_127, %dma_wait3A_128] : memref<10240x16xf32, #tpu.memory_space<vmem_shared>> -> memref<10240x16xf32, #tpu.memory_space<vmem_shared>>
      tpu.wait_indirect_dma semaphore(%arg9 : memref<!tpu.dma_semaphore, #tpu.memory_space<semaphore_mem>>) src(%arg7 : memref<128x16xf32, #tpu.memory_space<vmem>>) dst(%dma_wait3A_129 : memref<10240x16xf32, #tpu.memory_space<vmem_shared>>)
      %mul3A_130 = arith.constant 8 : i32
      %mul3A_131 = arith.muli %scan3A_11, %mul3A_130 : i32
      %add3A_132 = arith.constant 4 : i32
      %add3A_133 = arith.addi %mul3A_131, %add3A_132 : i32
      %dma_wait3A_134 = arith.constant 0 : i32
      %dma_wait3A_135 = tpu.memref_slice %arg6[%add3A_133, %dma_wait3A_134] : memref<80x128xi32, #tpu.memory_space<vmem>> -> memref<1x128xi32, #tpu.memory_space<vmem>>
      %dma_wait3A_136 = tpu.memref_squeeze %dma_wait3A_135 : memref<1x128xi32, #tpu.memory_space<vmem>> -> memref<128xi32, #tpu.memory_space<vmem>>
      %dma_wait3A_137 = arith.constant 0 : i32
      %dma_wait3A_138 = arith.constant 0 : i32
      %dma_wait3A_139 = tpu.memref_slice %arg8[%dma_wait3A_137, %dma_wait3A_138] : memref<10240x16xf32, #tpu.memory_space<vmem_shared>> -> memref<10240x16xf32, #tpu.memory_space<vmem_shared>>
      tpu.wait_indirect_dma semaphore(%arg9 : memref<!tpu.dma_semaphore, #tpu.memory_space<semaphore_mem>>) src(%arg7 : memref<128x16xf32, #tpu.memory_space<vmem>>) dst(%dma_wait3A_139 : memref<10240x16xf32, #tpu.memory_space<vmem_shared>>)
      %mul3A_140 = arith.constant 8 : i32
      %mul3A_141 = arith.muli %scan3A_11, %mul3A_140 : i32
      %add3A_142 = arith.constant 5 : i32
      %add3A_143 = arith.addi %mul3A_141, %add3A_142 : i32
      %dma_wait3A_144 = arith.constant 0 : i32
      %dma_wait3A_145 = tpu.memref_slice %arg6[%add3A_143, %dma_wait3A_144] : memref<80x128xi32, #tpu.memory_space<vmem>> -> memref<1x128xi32, #tpu.memory_space<vmem>>
      %dma_wait3A_146 = tpu.memref_squeeze %dma_wait3A_145 : memref<1x128xi32, #tpu.memory_space<vmem>> -> memref<128xi32, #tpu.memory_space<vmem>>
      %dma_wait3A_147 = arith.constant 0 : i32
      %dma_wait3A_148 = arith.constant 0 : i32
      %dma_wait3A_149 = tpu.memref_slice %arg8[%dma_wait3A_147, %dma_wait3A_148] : memref<10240x16xf32, #tpu.memory_space<vmem_shared>> -> memref<10240x16xf32, #tpu.memory_space<vmem_shared>>
      tpu.wait_indirect_dma semaphore(%arg9 : memref<!tpu.dma_semaphore, #tpu.memory_space<semaphore_mem>>) src(%arg7 : memref<128x16xf32, #tpu.memory_space<vmem>>) dst(%dma_wait3A_149 : memref<10240x16xf32, #tpu.memory_space<vmem_shared>>)
      %mul3A_150 = arith.constant 8 : i32
      %mul3A_151 = arith.muli %scan3A_11, %mul3A_150 : i32
      %add3A_152 = arith.constant 6 : i32
      %add3A_153 = arith.addi %mul3A_151, %add3A_152 : i32
      %dma_wait3A_154 = arith.constant 0 : i32
      %dma_wait3A_155 = tpu.memref_slice %arg6[%add3A_153, %dma_wait3A_154] : memref<80x128xi32, #tpu.memory_space<vmem>> -> memref<1x128xi32, #tpu.memory_space<vmem>>
      %dma_wait3A_156 = tpu.memref_squeeze %dma_wait3A_155 : memref<1x128xi32, #tpu.memory_space<vmem>> -> memref<128xi32, #tpu.memory_space<vmem>>
      %dma_wait3A_157 = arith.constant 0 : i32
      %dma_wait3A_158 = arith.constant 0 : i32
      %dma_wait3A_159 = tpu.memref_slice %arg8[%dma_wait3A_157, %dma_wait3A_158] : memref<10240x16xf32, #tpu.memory_space<vmem_shared>> -> memref<10240x16xf32, #tpu.memory_space<vmem_shared>>
      tpu.wait_indirect_dma semaphore(%arg9 : memref<!tpu.dma_semaphore, #tpu.memory_space<semaphore_mem>>) src(%arg7 : memref<128x16xf32, #tpu.memory_space<vmem>>) dst(%dma_wait3A_159 : memref<10240x16xf32, #tpu.memory_space<vmem_shared>>)
      %mul3A_160 = arith.constant 8 : i32
      %mul3A_161 = arith.muli %scan3A_11, %mul3A_160 : i32
      %add3A_162 = arith.constant 7 : i32
      %add3A_163 = arith.addi %mul3A_161, %add3A_162 : i32
      %dma_wait3A_164 = arith.constant 0 : i32
      %dma_wait3A_165 = tpu.memref_slice %arg6[%add3A_163, %dma_wait3A_164] : memref<80x128xi32, #tpu.memory_space<vmem>> -> memref<1x128xi32, #tpu.memory_space<vmem>>
      %dma_wait3A_166 = tpu.memref_squeeze %dma_wait3A_165 : memref<1x128xi32, #tpu.memory_space<vmem>> -> memref<128xi32, #tpu.memory_space<vmem>>
      %dma_wait3A_167 = arith.constant 0 : i32
      %dma_wait3A_168 = arith.constant 0 : i32
      %dma_wait3A_169 = tpu.memref_slice %arg8[%dma_wait3A_167, %dma_wait3A_168] : memref<10240x16xf32, #tpu.memory_space<vmem_shared>> -> memref<10240x16xf32, #tpu.memory_space<vmem_shared>>
      tpu.wait_indirect_dma semaphore(%arg9 : memref<!tpu.dma_semaphore, #tpu.memory_space<semaphore_mem>>) src(%arg7 : memref<128x16xf32, #tpu.memory_space<vmem>>) dst(%dma_wait3A_169 : memref<10240x16xf32, #tpu.memory_space<vmem_shared>>)
    }
    %scan3A_9 = arith.constant 10 : i32
    %barrier3A_10 = arith.constant 0 : index
    tpu.barrier barrier_id(%barrier3A_10)
    "tpu.region"() ({
      %run_scoped3A = tpu.sem_alloc : memref<!tpu.dma_semaphore, #tpu.memory_space<semaphore_mem>>
      %dma_start3A = arith.constant 0 : i32
      %dma_start3A_11 = tpu.memref_slice %arg5[%arg0, %mul3A_2, %dma_start3A] : memref<2x10240x16xf32, #tpu.memory_space<hbm>> -> memref<1x640x16xf32, #tpu.memory_space<hbm>>
      %dma_start3A_12 = tpu.memref_squeeze %dma_start3A_11 : memref<1x640x16xf32, #tpu.memory_space<hbm>> -> memref<640x16xf32, #tpu.memory_space<hbm>>
      %dma_start3A_13 = arith.constant 0 : i32
      %dma_start3A_14 = tpu.memref_slice %arg8[%mul3A_2, %dma_start3A_13] : memref<10240x16xf32, #tpu.memory_space<vmem_shared>> -> memref<640x16xf32, #tpu.memory_space<vmem_shared>>
      tpu.enqueue_dma source(%dma_start3A_14 : memref<640x16xf32, #tpu.memory_space<vmem_shared>>) target(%dma_start3A_12 : memref<640x16xf32, #tpu.memory_space<hbm>>) target_semaphore(%run_scoped3A : memref<!tpu.dma_semaphore, #tpu.memory_space<semaphore_mem>>)
      %dma_wait3A = arith.constant 0 : i32
      %dma_wait3A_15 = tpu.memref_slice %arg5[%arg0, %mul3A_2, %dma_wait3A] : memref<2x10240x16xf32, #tpu.memory_space<hbm>> -> memref<1x640x16xf32, #tpu.memory_space<hbm>>
      %dma_wait3A_16 = tpu.memref_squeeze %dma_wait3A_15 : memref<1x640x16xf32, #tpu.memory_space<hbm>> -> memref<640x16xf32, #tpu.memory_space<hbm>>
      %dma_wait3A_17 = arith.constant 0 : i32
      %dma_wait3A_18 = tpu.memref_slice %arg8[%mul3A_2, %dma_wait3A_17] : memref<10240x16xf32, #tpu.memory_space<vmem_shared>> -> memref<640x16xf32, #tpu.memory_space<vmem_shared>>
      tpu.wait_dma2 semaphore(%run_scoped3A : memref<!tpu.dma_semaphore, #tpu.memory_space<semaphore_mem>>) src(%dma_wait3A_18 : memref<640x16xf32, #tpu.memory_space<vmem_shared>>) dst(%dma_wait3A_16 : memref<640x16xf32, #tpu.memory_space<hbm>>)
      tpu.yield
    }) : () -> ()
    return
  }
}

#map = affine_map<(d0, d1) -> (0, 0)>
#map1 = affine_map<(d0, d1) -> (0, 0, 0)>
module attributes {stable_mosaic.version = 14 : i64} {
  func.func @scatter_kernel(%arg0: i32, %arg1: i32, %arg2: memref<20480x32xf32, #tpu.memory_space<hbm>>, %arg3: memref<2x2560x128xi32, #tpu.memory_space<hbm>>, %arg4: memref<2560x128xi32, #tpu.memory_space<hbm>>, %arg5: memref<640x32xf32, #tpu.memory_space<hbm>>, %arg6: memref<2x10240x32xf32, #tpu.memory_space<hbm>>, %arg7: memref<160x128xi32, #tpu.memory_space<vmem>>, %arg8: memref<160x128xi32, #tpu.memory_space<vmem>>, %arg9: memref<8x128x32xf32, #tpu.memory_space<vmem>>, %arg10: memref<10240x32xf32, #tpu.memory_space<vmem_shared>>, %arg11: memref<!tpu.dma_semaphore, #tpu.memory_space<semaphore_mem>>, %arg12: memref<!tpu.dma_semaphore, #tpu.memory_space<semaphore_mem>>, %arg13: memref<!tpu.dma_semaphore, #tpu.memory_space<semaphore_mem>>, %arg14: memref<!tpu.dma_semaphore, #tpu.memory_space<semaphore_mem>>, %arg15: memref<!tpu.dma_semaphore, #tpu.memory_space<semaphore_mem>>, %arg16: memref<!tpu.dma_semaphore, #tpu.memory_space<semaphore_mem>>, %arg17: memref<!tpu.dma_semaphore, #tpu.memory_space<semaphore_mem>>, %arg18: memref<!tpu.dma_semaphore, #tpu.memory_space<semaphore_mem>>, %arg19: memref<!tpu.dma_semaphore, #tpu.memory_space<semaphore_mem>>, %arg20: memref<!tpu.dma_semaphore, #tpu.memory_space<semaphore_mem>>, %arg21: memref<!tpu.dma_semaphore, #tpu.memory_space<semaphore_mem>>, %arg22: memref<!tpu.dma_semaphore, #tpu.memory_space<semaphore_mem>>, %arg23: memref<!tpu.dma_semaphore, #tpu.memory_space<semaphore_mem>>, %arg24: memref<!tpu.dma_semaphore, #tpu.memory_space<semaphore_mem>>, %arg25: memref<!tpu.dma_semaphore, #tpu.memory_space<semaphore_mem>>, %arg26: memref<!tpu.dma_semaphore, #tpu.memory_space<semaphore_mem>>) attributes {dimension_semantics = [#tpu.dimension_semantics<core_parallel>, #tpu.dimension_semantics<subcore_parallel>], iteration_bounds = array<i64: 2, 16>, scalar_prefetch = 0 : i64, scratch_operands = 20 : i64, tpu.core_type = #tpu.core_type<sc_vector_subcore>, window_params = [{transform_indices = #map}, {transform_indices = #map1}, {transform_indices = #map}, {transform_indices = #map}, {transform_indices = #map1}]} {
    %mul3A = arith.constant 640 : i32
    %mul3A_0 = arith.muli %arg1, %mul3A : i32
    "tpu.region"() ({
      %run_scoped3A = tpu.sem_alloc : memref<!tpu.dma_semaphore, #tpu.memory_space<semaphore_mem>>
      %dma_start3A_201 = arith.constant 0 : i32
      %dma_start3A_202 = tpu.memref_slice %arg10[%mul3A_0, %dma_start3A_201] : memref<10240x32xf32, #tpu.memory_space<vmem_shared>> -> memref<640x32xf32, #tpu.memory_space<vmem_shared>>
      tpu.enqueue_dma source(%arg5 : memref<640x32xf32, #tpu.memory_space<hbm>>) target(%dma_start3A_202 : memref<640x32xf32, #tpu.memory_space<vmem_shared>>) target_semaphore(%run_scoped3A : memref<!tpu.dma_semaphore, #tpu.memory_space<semaphore_mem>>)
      %dma_wait3A_203 = arith.constant 0 : i32
      %dma_wait3A_204 = tpu.memref_slice %arg10[%mul3A_0, %dma_wait3A_203] : memref<10240x32xf32, #tpu.memory_space<vmem_shared>> -> memref<640x32xf32, #tpu.memory_space<vmem_shared>>
      tpu.wait_dma2 semaphore(%run_scoped3A : memref<!tpu.dma_semaphore, #tpu.memory_space<semaphore_mem>>) src(%arg5 : memref<640x32xf32, #tpu.memory_space<hbm>>) dst(%dma_wait3A_204 : memref<640x32xf32, #tpu.memory_space<vmem_shared>>)
      tpu.yield
    }) : () -> ()
    %mul3A_1 = arith.constant 160 : i32
    %mul3A_2 = arith.muli %arg1, %mul3A_1 : i32
    "tpu.region"() ({
      %run_scoped3A = tpu.sem_alloc : memref<!tpu.dma_semaphore, #tpu.memory_space<semaphore_mem>>
      %dma_start3A_201 = arith.constant 0 : i32
      %dma_start3A_202 = tpu.memref_slice %arg3[%arg0, %mul3A_2, %dma_start3A_201] : memref<2x2560x128xi32, #tpu.memory_space<hbm>> -> memref<1x160x128xi32, #tpu.memory_space<hbm>>
      %dma_start3A_203 = tpu.memref_squeeze %dma_start3A_202 : memref<1x160x128xi32, #tpu.memory_space<hbm>> -> memref<160x128xi32, #tpu.memory_space<hbm>>
      %dma_start3A_204 = arith.constant 0 : i32
      %dma_start3A_205 = tpu.memref_slice %arg3[%arg0, %mul3A_2, %dma_start3A_204] : memref<2x2560x128xi32, #tpu.memory_space<hbm>> -> memref<1x160x128xi32, #tpu.memory_space<hbm>>
      %dma_start3A_206 = tpu.memref_squeeze %dma_start3A_205 : memref<1x160x128xi32, #tpu.memory_space<hbm>> -> memref<160x128xi32, #tpu.memory_space<hbm>>
      tpu.enqueue_dma source(%dma_start3A_206 : memref<160x128xi32, #tpu.memory_space<hbm>>) target(%arg7 : memref<160x128xi32, #tpu.memory_space<vmem>>) target_semaphore(%run_scoped3A : memref<!tpu.dma_semaphore, #tpu.memory_space<semaphore_mem>>)
      %dma_wait3A_207 = arith.constant 0 : i32
      %dma_wait3A_208 = tpu.memref_slice %arg3[%arg0, %mul3A_2, %dma_wait3A_207] : memref<2x2560x128xi32, #tpu.memory_space<hbm>> -> memref<1x160x128xi32, #tpu.memory_space<hbm>>
      %dma_wait3A_209 = tpu.memref_squeeze %dma_wait3A_208 : memref<1x160x128xi32, #tpu.memory_space<hbm>> -> memref<160x128xi32, #tpu.memory_space<hbm>>
      %dma_wait3A_210 = arith.constant 0 : i32
      %dma_wait3A_211 = tpu.memref_slice %arg3[%arg0, %mul3A_2, %dma_wait3A_210] : memref<2x2560x128xi32, #tpu.memory_space<hbm>> -> memref<1x160x128xi32, #tpu.memory_space<hbm>>
      %dma_wait3A_212 = tpu.memref_squeeze %dma_wait3A_211 : memref<1x160x128xi32, #tpu.memory_space<hbm>> -> memref<160x128xi32, #tpu.memory_space<hbm>>
      tpu.wait_dma2 semaphore(%run_scoped3A : memref<!tpu.dma_semaphore, #tpu.memory_space<semaphore_mem>>) src(%dma_wait3A_212 : memref<160x128xi32, #tpu.memory_space<hbm>>) dst(%arg7 : memref<160x128xi32, #tpu.memory_space<vmem>>)
      tpu.yield
    }) : () -> ()
    %mul3A_3 = arith.constant 160 : i32
    %mul3A_4 = arith.muli %arg1, %mul3A_3 : i32
    "tpu.region"() ({
      %run_scoped3A = tpu.sem_alloc : memref<!tpu.dma_semaphore, #tpu.memory_space<semaphore_mem>>
      %dma_start3A_201 = arith.constant 0 : i32
      %dma_start3A_202 = tpu.memref_slice %arg4[%mul3A_4, %dma_start3A_201] : memref<2560x128xi32, #tpu.memory_space<hbm>> -> memref<160x128xi32, #tpu.memory_space<hbm>>
      %dma_start3A_203 = arith.constant 0 : i32
      %dma_start3A_204 = tpu.memref_slice %arg4[%mul3A_4, %dma_start3A_203] : memref<2560x128xi32, #tpu.memory_space<hbm>> -> memref<160x128xi32, #tpu.memory_space<hbm>>
      tpu.enqueue_dma source(%dma_start3A_204 : memref<160x128xi32, #tpu.memory_space<hbm>>) target(%arg8 : memref<160x128xi32, #tpu.memory_space<vmem>>) target_semaphore(%run_scoped3A : memref<!tpu.dma_semaphore, #tpu.memory_space<semaphore_mem>>)
      %dma_wait3A_205 = arith.constant 0 : i32
      %dma_wait3A_206 = tpu.memref_slice %arg4[%mul3A_4, %dma_wait3A_205] : memref<2560x128xi32, #tpu.memory_space<hbm>> -> memref<160x128xi32, #tpu.memory_space<hbm>>
      %dma_wait3A_207 = arith.constant 0 : i32
      %dma_wait3A_208 = tpu.memref_slice %arg4[%mul3A_4, %dma_wait3A_207] : memref<2560x128xi32, #tpu.memory_space<hbm>> -> memref<160x128xi32, #tpu.memory_space<hbm>>
      tpu.wait_dma2 semaphore(%run_scoped3A : memref<!tpu.dma_semaphore, #tpu.memory_space<semaphore_mem>>) src(%dma_wait3A_208 : memref<160x128xi32, #tpu.memory_space<hbm>>) dst(%arg8 : memref<160x128xi32, #tpu.memory_space<vmem>>)
      tpu.yield
    }) : () -> ()
    %barrier3A = arith.constant 0 : index
    tpu.barrier barrier_id(%barrier3A)
    %dma_start3A = arith.constant 0 : i32
    %dma_start3A_5 = arith.constant 0 : i32
    %dma_start3A_6 = arith.constant 0 : i32
    %dma_start3A_7 = arith.constant 0 : i32
    %dma_start3A_8 = tpu.memref_slice %arg9[%dma_start3A_5, %dma_start3A_6, %dma_start3A_7] : memref<8x128x32xf32, #tpu.memory_space<vmem>> -> memref<1x128x32xf32, #tpu.memory_space<vmem>>
    %dma_start3A_9 = tpu.memref_squeeze %dma_start3A_8 : memref<1x128x32xf32, #tpu.memory_space<vmem>> -> memref<128x32xf32, #tpu.memory_space<vmem>>
    %dma_start3A_10 = arith.constant 0 : i32
    %dma_start3A_11 = tpu.memref_slice %arg7[%dma_start3A, %dma_start3A_10] : memref<160x128xi32, #tpu.memory_space<vmem>> -> memref<1x128xi32, #tpu.memory_space<vmem>>
    %dma_start3A_12 = tpu.memref_squeeze %dma_start3A_11 : memref<1x128xi32, #tpu.memory_space<vmem>> -> memref<128xi32, #tpu.memory_space<vmem>>
    %dma_start3A_13 = arith.constant 0 : i32
    %dma_start3A_14 = arith.constant 0 : i32
    %dma_start3A_15 = tpu.memref_slice %arg2[%dma_start3A_13, %dma_start3A_14] : memref<20480x32xf32, #tpu.memory_space<hbm>> -> memref<20480x32xf32, #tpu.memory_space<hbm>>
    tpu.enqueue_indirect_dma source(%dma_start3A_15 : memref<20480x32xf32, #tpu.memory_space<hbm>>) target(%dma_start3A_9 : memref<128x32xf32, #tpu.memory_space<vmem>>) offsets(%dma_start3A_12 : memref<128xi32, #tpu.memory_space<vmem>>) semaphore(%arg11 : memref<!tpu.dma_semaphore, #tpu.memory_space<semaphore_mem>>)
    %dma_start3A_16 = arith.constant 1 : i32
    %dma_start3A_17 = arith.constant 1 : i32
    %dma_start3A_18 = arith.constant 0 : i32
    %dma_start3A_19 = arith.constant 0 : i32
    %dma_start3A_20 = tpu.memref_slice %arg9[%dma_start3A_17, %dma_start3A_18, %dma_start3A_19] : memref<8x128x32xf32, #tpu.memory_space<vmem>> -> memref<1x128x32xf32, #tpu.memory_space<vmem>>
    %dma_start3A_21 = tpu.memref_squeeze %dma_start3A_20 : memref<1x128x32xf32, #tpu.memory_space<vmem>> -> memref<128x32xf32, #tpu.memory_space<vmem>>
    %dma_start3A_22 = arith.constant 0 : i32
    %dma_start3A_23 = tpu.memref_slice %arg7[%dma_start3A_16, %dma_start3A_22] : memref<160x128xi32, #tpu.memory_space<vmem>> -> memref<1x128xi32, #tpu.memory_space<vmem>>
    %dma_start3A_24 = tpu.memref_squeeze %dma_start3A_23 : memref<1x128xi32, #tpu.memory_space<vmem>> -> memref<128xi32, #tpu.memory_space<vmem>>
    %dma_start3A_25 = arith.constant 0 : i32
    %dma_start3A_26 = arith.constant 0 : i32
    %dma_start3A_27 = tpu.memref_slice %arg2[%dma_start3A_25, %dma_start3A_26] : memref<20480x32xf32, #tpu.memory_space<hbm>> -> memref<20480x32xf32, #tpu.memory_space<hbm>>
    tpu.enqueue_indirect_dma source(%dma_start3A_27 : memref<20480x32xf32, #tpu.memory_space<hbm>>) target(%dma_start3A_21 : memref<128x32xf32, #tpu.memory_space<vmem>>) offsets(%dma_start3A_24 : memref<128xi32, #tpu.memory_space<vmem>>) semaphore(%arg12 : memref<!tpu.dma_semaphore, #tpu.memory_space<semaphore_mem>>)
    %dma_start3A_28 = arith.constant 2 : i32
    %dma_start3A_29 = arith.constant 2 : i32
    %dma_start3A_30 = arith.constant 0 : i32
    %dma_start3A_31 = arith.constant 0 : i32
    %dma_start3A_32 = tpu.memref_slice %arg9[%dma_start3A_29, %dma_start3A_30, %dma_start3A_31] : memref<8x128x32xf32, #tpu.memory_space<vmem>> -> memref<1x128x32xf32, #tpu.memory_space<vmem>>
    %dma_start3A_33 = tpu.memref_squeeze %dma_start3A_32 : memref<1x128x32xf32, #tpu.memory_space<vmem>> -> memref<128x32xf32, #tpu.memory_space<vmem>>
    %dma_start3A_34 = arith.constant 0 : i32
    %dma_start3A_35 = tpu.memref_slice %arg7[%dma_start3A_28, %dma_start3A_34] : memref<160x128xi32, #tpu.memory_space<vmem>> -> memref<1x128xi32, #tpu.memory_space<vmem>>
    %dma_start3A_36 = tpu.memref_squeeze %dma_start3A_35 : memref<1x128xi32, #tpu.memory_space<vmem>> -> memref<128xi32, #tpu.memory_space<vmem>>
    %dma_start3A_37 = arith.constant 0 : i32
    %dma_start3A_38 = arith.constant 0 : i32
    %dma_start3A_39 = tpu.memref_slice %arg2[%dma_start3A_37, %dma_start3A_38] : memref<20480x32xf32, #tpu.memory_space<hbm>> -> memref<20480x32xf32, #tpu.memory_space<hbm>>
    tpu.enqueue_indirect_dma source(%dma_start3A_39 : memref<20480x32xf32, #tpu.memory_space<hbm>>) target(%dma_start3A_33 : memref<128x32xf32, #tpu.memory_space<vmem>>) offsets(%dma_start3A_36 : memref<128xi32, #tpu.memory_space<vmem>>) semaphore(%arg13 : memref<!tpu.dma_semaphore, #tpu.memory_space<semaphore_mem>>)
    %dma_start3A_40 = arith.constant 3 : i32
    %dma_start3A_41 = arith.constant 3 : i32
    %dma_start3A_42 = arith.constant 0 : i32
    %dma_start3A_43 = arith.constant 0 : i32
    %dma_start3A_44 = tpu.memref_slice %arg9[%dma_start3A_41, %dma_start3A_42, %dma_start3A_43] : memref<8x128x32xf32, #tpu.memory_space<vmem>> -> memref<1x128x32xf32, #tpu.memory_space<vmem>>
    %dma_start3A_45 = tpu.memref_squeeze %dma_start3A_44 : memref<1x128x32xf32, #tpu.memory_space<vmem>> -> memref<128x32xf32, #tpu.memory_space<vmem>>
    %dma_start3A_46 = arith.constant 0 : i32
    %dma_start3A_47 = tpu.memref_slice %arg7[%dma_start3A_40, %dma_start3A_46] : memref<160x128xi32, #tpu.memory_space<vmem>> -> memref<1x128xi32, #tpu.memory_space<vmem>>
    %dma_start3A_48 = tpu.memref_squeeze %dma_start3A_47 : memref<1x128xi32, #tpu.memory_space<vmem>> -> memref<128xi32, #tpu.memory_space<vmem>>
    %dma_start3A_49 = arith.constant 0 : i32
    %dma_start3A_50 = arith.constant 0 : i32
    %dma_start3A_51 = tpu.memref_slice %arg2[%dma_start3A_49, %dma_start3A_50] : memref<20480x32xf32, #tpu.memory_space<hbm>> -> memref<20480x32xf32, #tpu.memory_space<hbm>>
    tpu.enqueue_indirect_dma source(%dma_start3A_51 : memref<20480x32xf32, #tpu.memory_space<hbm>>) target(%dma_start3A_45 : memref<128x32xf32, #tpu.memory_space<vmem>>) offsets(%dma_start3A_48 : memref<128xi32, #tpu.memory_space<vmem>>) semaphore(%arg14 : memref<!tpu.dma_semaphore, #tpu.memory_space<semaphore_mem>>)
    %dma_start3A_52 = arith.constant 4 : i32
    %dma_start3A_53 = arith.constant 4 : i32
    %dma_start3A_54 = arith.constant 0 : i32
    %dma_start3A_55 = arith.constant 0 : i32
    %dma_start3A_56 = tpu.memref_slice %arg9[%dma_start3A_53, %dma_start3A_54, %dma_start3A_55] : memref<8x128x32xf32, #tpu.memory_space<vmem>> -> memref<1x128x32xf32, #tpu.memory_space<vmem>>
    %dma_start3A_57 = tpu.memref_squeeze %dma_start3A_56 : memref<1x128x32xf32, #tpu.memory_space<vmem>> -> memref<128x32xf32, #tpu.memory_space<vmem>>
    %dma_start3A_58 = arith.constant 0 : i32
    %dma_start3A_59 = tpu.memref_slice %arg7[%dma_start3A_52, %dma_start3A_58] : memref<160x128xi32, #tpu.memory_space<vmem>> -> memref<1x128xi32, #tpu.memory_space<vmem>>
    %dma_start3A_60 = tpu.memref_squeeze %dma_start3A_59 : memref<1x128xi32, #tpu.memory_space<vmem>> -> memref<128xi32, #tpu.memory_space<vmem>>
    %dma_start3A_61 = arith.constant 0 : i32
    %dma_start3A_62 = arith.constant 0 : i32
    %dma_start3A_63 = tpu.memref_slice %arg2[%dma_start3A_61, %dma_start3A_62] : memref<20480x32xf32, #tpu.memory_space<hbm>> -> memref<20480x32xf32, #tpu.memory_space<hbm>>
    tpu.enqueue_indirect_dma source(%dma_start3A_63 : memref<20480x32xf32, #tpu.memory_space<hbm>>) target(%dma_start3A_57 : memref<128x32xf32, #tpu.memory_space<vmem>>) offsets(%dma_start3A_60 : memref<128xi32, #tpu.memory_space<vmem>>) semaphore(%arg15 : memref<!tpu.dma_semaphore, #tpu.memory_space<semaphore_mem>>)
    %dma_start3A_64 = arith.constant 5 : i32
    %dma_start3A_65 = arith.constant 5 : i32
    %dma_start3A_66 = arith.constant 0 : i32
    %dma_start3A_67 = arith.constant 0 : i32
    %dma_start3A_68 = tpu.memref_slice %arg9[%dma_start3A_65, %dma_start3A_66, %dma_start3A_67] : memref<8x128x32xf32, #tpu.memory_space<vmem>> -> memref<1x128x32xf32, #tpu.memory_space<vmem>>
    %dma_start3A_69 = tpu.memref_squeeze %dma_start3A_68 : memref<1x128x32xf32, #tpu.memory_space<vmem>> -> memref<128x32xf32, #tpu.memory_space<vmem>>
    %dma_start3A_70 = arith.constant 0 : i32
    %dma_start3A_71 = tpu.memref_slice %arg7[%dma_start3A_64, %dma_start3A_70] : memref<160x128xi32, #tpu.memory_space<vmem>> -> memref<1x128xi32, #tpu.memory_space<vmem>>
    %dma_start3A_72 = tpu.memref_squeeze %dma_start3A_71 : memref<1x128xi32, #tpu.memory_space<vmem>> -> memref<128xi32, #tpu.memory_space<vmem>>
    %dma_start3A_73 = arith.constant 0 : i32
    %dma_start3A_74 = arith.constant 0 : i32
    %dma_start3A_75 = tpu.memref_slice %arg2[%dma_start3A_73, %dma_start3A_74] : memref<20480x32xf32, #tpu.memory_space<hbm>> -> memref<20480x32xf32, #tpu.memory_space<hbm>>
    tpu.enqueue_indirect_dma source(%dma_start3A_75 : memref<20480x32xf32, #tpu.memory_space<hbm>>) target(%dma_start3A_69 : memref<128x32xf32, #tpu.memory_space<vmem>>) offsets(%dma_start3A_72 : memref<128xi32, #tpu.memory_space<vmem>>) semaphore(%arg16 : memref<!tpu.dma_semaphore, #tpu.memory_space<semaphore_mem>>)
    %dma_start3A_76 = arith.constant 6 : i32
    %dma_start3A_77 = arith.constant 6 : i32
    %dma_start3A_78 = arith.constant 0 : i32
    %dma_start3A_79 = arith.constant 0 : i32
    %dma_start3A_80 = tpu.memref_slice %arg9[%dma_start3A_77, %dma_start3A_78, %dma_start3A_79] : memref<8x128x32xf32, #tpu.memory_space<vmem>> -> memref<1x128x32xf32, #tpu.memory_space<vmem>>
    %dma_start3A_81 = tpu.memref_squeeze %dma_start3A_80 : memref<1x128x32xf32, #tpu.memory_space<vmem>> -> memref<128x32xf32, #tpu.memory_space<vmem>>
    %dma_start3A_82 = arith.constant 0 : i32
    %dma_start3A_83 = tpu.memref_slice %arg7[%dma_start3A_76, %dma_start3A_82] : memref<160x128xi32, #tpu.memory_space<vmem>> -> memref<1x128xi32, #tpu.memory_space<vmem>>
    %dma_start3A_84 = tpu.memref_squeeze %dma_start3A_83 : memref<1x128xi32, #tpu.memory_space<vmem>> -> memref<128xi32, #tpu.memory_space<vmem>>
    %dma_start3A_85 = arith.constant 0 : i32
    %dma_start3A_86 = arith.constant 0 : i32
    %dma_start3A_87 = tpu.memref_slice %arg2[%dma_start3A_85, %dma_start3A_86] : memref<20480x32xf32, #tpu.memory_space<hbm>> -> memref<20480x32xf32, #tpu.memory_space<hbm>>
    tpu.enqueue_indirect_dma source(%dma_start3A_87 : memref<20480x32xf32, #tpu.memory_space<hbm>>) target(%dma_start3A_81 : memref<128x32xf32, #tpu.memory_space<vmem>>) offsets(%dma_start3A_84 : memref<128xi32, #tpu.memory_space<vmem>>) semaphore(%arg17 : memref<!tpu.dma_semaphore, #tpu.memory_space<semaphore_mem>>)
    %dma_start3A_88 = arith.constant 7 : i32
    %dma_start3A_89 = arith.constant 7 : i32
    %dma_start3A_90 = arith.constant 0 : i32
    %dma_start3A_91 = arith.constant 0 : i32
    %dma_start3A_92 = tpu.memref_slice %arg9[%dma_start3A_89, %dma_start3A_90, %dma_start3A_91] : memref<8x128x32xf32, #tpu.memory_space<vmem>> -> memref<1x128x32xf32, #tpu.memory_space<vmem>>
    %dma_start3A_93 = tpu.memref_squeeze %dma_start3A_92 : memref<1x128x32xf32, #tpu.memory_space<vmem>> -> memref<128x32xf32, #tpu.memory_space<vmem>>
    %dma_start3A_94 = arith.constant 0 : i32
    %dma_start3A_95 = tpu.memref_slice %arg7[%dma_start3A_88, %dma_start3A_94] : memref<160x128xi32, #tpu.memory_space<vmem>> -> memref<1x128xi32, #tpu.memory_space<vmem>>
    %dma_start3A_96 = tpu.memref_squeeze %dma_start3A_95 : memref<1x128xi32, #tpu.memory_space<vmem>> -> memref<128xi32, #tpu.memory_space<vmem>>
    %dma_start3A_97 = arith.constant 0 : i32
    %dma_start3A_98 = arith.constant 0 : i32
    %dma_start3A_99 = tpu.memref_slice %arg2[%dma_start3A_97, %dma_start3A_98] : memref<20480x32xf32, #tpu.memory_space<hbm>> -> memref<20480x32xf32, #tpu.memory_space<hbm>>
    tpu.enqueue_indirect_dma source(%dma_start3A_99 : memref<20480x32xf32, #tpu.memory_space<hbm>>) target(%dma_start3A_93 : memref<128x32xf32, #tpu.memory_space<vmem>>) offsets(%dma_start3A_96 : memref<128xi32, #tpu.memory_space<vmem>>) semaphore(%arg18 : memref<!tpu.dma_semaphore, #tpu.memory_space<semaphore_mem>>)
    %scan3A = arith.constant 0 : i32
    %scan3A_100 = arith.constant 0 : i32
    %scan3A_101 = arith.constant 20 : i32
    %scan3A_102 = arith.addi %scan3A_100, %scan3A_101 : i32
    %scan3A_103 = arith.constant 1 : i32
    scf.for %scan3A_201 = %scan3A_100 to %scan3A_102 step %scan3A_103  : i32 {
      %mul3A_202 = arith.constant 8 : i32
      %mul3A_203 = arith.muli %scan3A_201, %mul3A_202 : i32
      %add3A = arith.constant 0 : i32
      %add3A_204 = arith.addi %mul3A_203, %add3A : i32
      %dma_wait3A_205 = arith.constant 0 : i32
      %dma_wait3A_206 = arith.constant 0 : i32
      %dma_wait3A_207 = arith.constant 0 : i32
      %dma_wait3A_208 = tpu.memref_slice %arg9[%dma_wait3A_205, %dma_wait3A_206, %dma_wait3A_207] : memref<8x128x32xf32, #tpu.memory_space<vmem>> -> memref<1x128x32xf32, #tpu.memory_space<vmem>>
      %dma_wait3A_209 = tpu.memref_squeeze %dma_wait3A_208 : memref<1x128x32xf32, #tpu.memory_space<vmem>> -> memref<128x32xf32, #tpu.memory_space<vmem>>
      %dma_wait3A_210 = arith.constant 0 : i32
      %dma_wait3A_211 = tpu.memref_slice %arg7[%add3A_204, %dma_wait3A_210] : memref<160x128xi32, #tpu.memory_space<vmem>> -> memref<1x128xi32, #tpu.memory_space<vmem>>
      %dma_wait3A_212 = tpu.memref_squeeze %dma_wait3A_211 : memref<1x128xi32, #tpu.memory_space<vmem>> -> memref<128xi32, #tpu.memory_space<vmem>>
      %dma_wait3A_213 = arith.constant 0 : i32
      %dma_wait3A_214 = arith.constant 0 : i32
      %dma_wait3A_215 = tpu.memref_slice %arg2[%dma_wait3A_213, %dma_wait3A_214] : memref<20480x32xf32, #tpu.memory_space<hbm>> -> memref<20480x32xf32, #tpu.memory_space<hbm>>
      tpu.wait_indirect_dma semaphore(%arg11 : memref<!tpu.dma_semaphore, #tpu.memory_space<semaphore_mem>>) src(%dma_wait3A_215 : memref<20480x32xf32, #tpu.memory_space<hbm>>) dst(%dma_wait3A_209 : memref<128x32xf32, #tpu.memory_space<vmem>>)
      %dma_start3A_216 = arith.constant 0 : i32
      %dma_start3A_217 = arith.constant 0 : i32
      %dma_start3A_218 = arith.constant 0 : i32
      %dma_start3A_219 = tpu.memref_slice %arg9[%dma_start3A_216, %dma_start3A_217, %dma_start3A_218] : memref<8x128x32xf32, #tpu.memory_space<vmem>> -> memref<1x128x32xf32, #tpu.memory_space<vmem>>
      %dma_start3A_220 = tpu.memref_squeeze %dma_start3A_219 : memref<1x128x32xf32, #tpu.memory_space<vmem>> -> memref<128x32xf32, #tpu.memory_space<vmem>>
      %dma_start3A_221 = arith.constant 0 : i32
      %dma_start3A_222 = tpu.memref_slice %arg8[%add3A_204, %dma_start3A_221] : memref<160x128xi32, #tpu.memory_space<vmem>> -> memref<1x128xi32, #tpu.memory_space<vmem>>
      %dma_start3A_223 = tpu.memref_squeeze %dma_start3A_222 : memref<1x128xi32, #tpu.memory_space<vmem>> -> memref<128xi32, #tpu.memory_space<vmem>>
      %dma_start3A_224 = arith.constant 0 : i32
      %dma_start3A_225 = arith.constant 0 : i32
      %dma_start3A_226 = tpu.memref_slice %arg10[%dma_start3A_224, %dma_start3A_225] : memref<10240x32xf32, #tpu.memory_space<vmem_shared>> -> memref<10240x32xf32, #tpu.memory_space<vmem_shared>>
      tpu.enqueue_indirect_dma source(%dma_start3A_220 : memref<128x32xf32, #tpu.memory_space<vmem>>) target(%dma_start3A_226 : memref<10240x32xf32, #tpu.memory_space<vmem_shared>>) offsets(%dma_start3A_223 : memref<128xi32, #tpu.memory_space<vmem>>) semaphore(%arg19 : memref<!tpu.dma_semaphore, #tpu.memory_space<semaphore_mem>>) {add = true}
      %mul3A_227 = arith.constant 8 : i32
      %mul3A_228 = arith.muli %scan3A_201, %mul3A_227 : i32
      %add3A_229 = arith.constant 1 : i32
      %add3A_230 = arith.addi %mul3A_228, %add3A_229 : i32
      %dma_wait3A_231 = arith.constant 1 : i32
      %dma_wait3A_232 = arith.constant 0 : i32
      %dma_wait3A_233 = arith.constant 0 : i32
      %dma_wait3A_234 = tpu.memref_slice %arg9[%dma_wait3A_231, %dma_wait3A_232, %dma_wait3A_233] : memref<8x128x32xf32, #tpu.memory_space<vmem>> -> memref<1x128x32xf32, #tpu.memory_space<vmem>>
      %dma_wait3A_235 = tpu.memref_squeeze %dma_wait3A_234 : memref<1x128x32xf32, #tpu.memory_space<vmem>> -> memref<128x32xf32, #tpu.memory_space<vmem>>
      %dma_wait3A_236 = arith.constant 0 : i32
      %dma_wait3A_237 = tpu.memref_slice %arg7[%add3A_230, %dma_wait3A_236] : memref<160x128xi32, #tpu.memory_space<vmem>> -> memref<1x128xi32, #tpu.memory_space<vmem>>
      %dma_wait3A_238 = tpu.memref_squeeze %dma_wait3A_237 : memref<1x128xi32, #tpu.memory_space<vmem>> -> memref<128xi32, #tpu.memory_space<vmem>>
      %dma_wait3A_239 = arith.constant 0 : i32
      %dma_wait3A_240 = arith.constant 0 : i32
      %dma_wait3A_241 = tpu.memref_slice %arg2[%dma_wait3A_239, %dma_wait3A_240] : memref<20480x32xf32, #tpu.memory_space<hbm>> -> memref<20480x32xf32, #tpu.memory_space<hbm>>
      tpu.wait_indirect_dma semaphore(%arg12 : memref<!tpu.dma_semaphore, #tpu.memory_space<semaphore_mem>>) src(%dma_wait3A_241 : memref<20480x32xf32, #tpu.memory_space<hbm>>) dst(%dma_wait3A_235 : memref<128x32xf32, #tpu.memory_space<vmem>>)
      %dma_start3A_242 = arith.constant 1 : i32
      %dma_start3A_243 = arith.constant 0 : i32
      %dma_start3A_244 = arith.constant 0 : i32
      %dma_start3A_245 = tpu.memref_slice %arg9[%dma_start3A_242, %dma_start3A_243, %dma_start3A_244] : memref<8x128x32xf32, #tpu.memory_space<vmem>> -> memref<1x128x32xf32, #tpu.memory_space<vmem>>
      %dma_start3A_246 = tpu.memref_squeeze %dma_start3A_245 : memref<1x128x32xf32, #tpu.memory_space<vmem>> -> memref<128x32xf32, #tpu.memory_space<vmem>>
      %dma_start3A_247 = arith.constant 0 : i32
      %dma_start3A_248 = tpu.memref_slice %arg8[%add3A_230, %dma_start3A_247] : memref<160x128xi32, #tpu.memory_space<vmem>> -> memref<1x128xi32, #tpu.memory_space<vmem>>
      %dma_start3A_249 = tpu.memref_squeeze %dma_start3A_248 : memref<1x128xi32, #tpu.memory_space<vmem>> -> memref<128xi32, #tpu.memory_space<vmem>>
      %dma_start3A_250 = arith.constant 0 : i32
      %dma_start3A_251 = arith.constant 0 : i32
      %dma_start3A_252 = tpu.memref_slice %arg10[%dma_start3A_250, %dma_start3A_251] : memref<10240x32xf32, #tpu.memory_space<vmem_shared>> -> memref<10240x32xf32, #tpu.memory_space<vmem_shared>>
      tpu.enqueue_indirect_dma source(%dma_start3A_246 : memref<128x32xf32, #tpu.memory_space<vmem>>) target(%dma_start3A_252 : memref<10240x32xf32, #tpu.memory_space<vmem_shared>>) offsets(%dma_start3A_249 : memref<128xi32, #tpu.memory_space<vmem>>) semaphore(%arg20 : memref<!tpu.dma_semaphore, #tpu.memory_space<semaphore_mem>>) {add = true}
      %mul3A_253 = arith.constant 8 : i32
      %mul3A_254 = arith.muli %scan3A_201, %mul3A_253 : i32
      %add3A_255 = arith.constant 2 : i32
      %add3A_256 = arith.addi %mul3A_254, %add3A_255 : i32
      %dma_wait3A_257 = arith.constant 2 : i32
      %dma_wait3A_258 = arith.constant 0 : i32
      %dma_wait3A_259 = arith.constant 0 : i32
      %dma_wait3A_260 = tpu.memref_slice %arg9[%dma_wait3A_257, %dma_wait3A_258, %dma_wait3A_259] : memref<8x128x32xf32, #tpu.memory_space<vmem>> -> memref<1x128x32xf32, #tpu.memory_space<vmem>>
      %dma_wait3A_261 = tpu.memref_squeeze %dma_wait3A_260 : memref<1x128x32xf32, #tpu.memory_space<vmem>> -> memref<128x32xf32, #tpu.memory_space<vmem>>
      %dma_wait3A_262 = arith.constant 0 : i32
      %dma_wait3A_263 = tpu.memref_slice %arg7[%add3A_256, %dma_wait3A_262] : memref<160x128xi32, #tpu.memory_space<vmem>> -> memref<1x128xi32, #tpu.memory_space<vmem>>
      %dma_wait3A_264 = tpu.memref_squeeze %dma_wait3A_263 : memref<1x128xi32, #tpu.memory_space<vmem>> -> memref<128xi32, #tpu.memory_space<vmem>>
      %dma_wait3A_265 = arith.constant 0 : i32
      %dma_wait3A_266 = arith.constant 0 : i32
      %dma_wait3A_267 = tpu.memref_slice %arg2[%dma_wait3A_265, %dma_wait3A_266] : memref<20480x32xf32, #tpu.memory_space<hbm>> -> memref<20480x32xf32, #tpu.memory_space<hbm>>
      tpu.wait_indirect_dma semaphore(%arg13 : memref<!tpu.dma_semaphore, #tpu.memory_space<semaphore_mem>>) src(%dma_wait3A_267 : memref<20480x32xf32, #tpu.memory_space<hbm>>) dst(%dma_wait3A_261 : memref<128x32xf32, #tpu.memory_space<vmem>>)
      %dma_start3A_268 = arith.constant 2 : i32
      %dma_start3A_269 = arith.constant 0 : i32
      %dma_start3A_270 = arith.constant 0 : i32
      %dma_start3A_271 = tpu.memref_slice %arg9[%dma_start3A_268, %dma_start3A_269, %dma_start3A_270] : memref<8x128x32xf32, #tpu.memory_space<vmem>> -> memref<1x128x32xf32, #tpu.memory_space<vmem>>
      %dma_start3A_272 = tpu.memref_squeeze %dma_start3A_271 : memref<1x128x32xf32, #tpu.memory_space<vmem>> -> memref<128x32xf32, #tpu.memory_space<vmem>>
      %dma_start3A_273 = arith.constant 0 : i32
      %dma_start3A_274 = tpu.memref_slice %arg8[%add3A_256, %dma_start3A_273] : memref<160x128xi32, #tpu.memory_space<vmem>> -> memref<1x128xi32, #tpu.memory_space<vmem>>
      %dma_start3A_275 = tpu.memref_squeeze %dma_start3A_274 : memref<1x128xi32, #tpu.memory_space<vmem>> -> memref<128xi32, #tpu.memory_space<vmem>>
      %dma_start3A_276 = arith.constant 0 : i32
      %dma_start3A_277 = arith.constant 0 : i32
      %dma_start3A_278 = tpu.memref_slice %arg10[%dma_start3A_276, %dma_start3A_277] : memref<10240x32xf32, #tpu.memory_space<vmem_shared>> -> memref<10240x32xf32, #tpu.memory_space<vmem_shared>>
      tpu.enqueue_indirect_dma source(%dma_start3A_272 : memref<128x32xf32, #tpu.memory_space<vmem>>) target(%dma_start3A_278 : memref<10240x32xf32, #tpu.memory_space<vmem_shared>>) offsets(%dma_start3A_275 : memref<128xi32, #tpu.memory_space<vmem>>) semaphore(%arg21 : memref<!tpu.dma_semaphore, #tpu.memory_space<semaphore_mem>>) {add = true}
      %mul3A_279 = arith.constant 8 : i32
      %mul3A_280 = arith.muli %scan3A_201, %mul3A_279 : i32
      %add3A_281 = arith.constant 3 : i32
      %add3A_282 = arith.addi %mul3A_280, %add3A_281 : i32
      %dma_wait3A_283 = arith.constant 3 : i32
      %dma_wait3A_284 = arith.constant 0 : i32
      %dma_wait3A_285 = arith.constant 0 : i32
      %dma_wait3A_286 = tpu.memref_slice %arg9[%dma_wait3A_283, %dma_wait3A_284, %dma_wait3A_285] : memref<8x128x32xf32, #tpu.memory_space<vmem>> -> memref<1x128x32xf32, #tpu.memory_space<vmem>>
      %dma_wait3A_287 = tpu.memref_squeeze %dma_wait3A_286 : memref<1x128x32xf32, #tpu.memory_space<vmem>> -> memref<128x32xf32, #tpu.memory_space<vmem>>
      %dma_wait3A_288 = arith.constant 0 : i32
      %dma_wait3A_289 = tpu.memref_slice %arg7[%add3A_282, %dma_wait3A_288] : memref<160x128xi32, #tpu.memory_space<vmem>> -> memref<1x128xi32, #tpu.memory_space<vmem>>
      %dma_wait3A_290 = tpu.memref_squeeze %dma_wait3A_289 : memref<1x128xi32, #tpu.memory_space<vmem>> -> memref<128xi32, #tpu.memory_space<vmem>>
      %dma_wait3A_291 = arith.constant 0 : i32
      %dma_wait3A_292 = arith.constant 0 : i32
      %dma_wait3A_293 = tpu.memref_slice %arg2[%dma_wait3A_291, %dma_wait3A_292] : memref<20480x32xf32, #tpu.memory_space<hbm>> -> memref<20480x32xf32, #tpu.memory_space<hbm>>
      tpu.wait_indirect_dma semaphore(%arg14 : memref<!tpu.dma_semaphore, #tpu.memory_space<semaphore_mem>>) src(%dma_wait3A_293 : memref<20480x32xf32, #tpu.memory_space<hbm>>) dst(%dma_wait3A_287 : memref<128x32xf32, #tpu.memory_space<vmem>>)
      %dma_start3A_294 = arith.constant 3 : i32
      %dma_start3A_295 = arith.constant 0 : i32
      %dma_start3A_296 = arith.constant 0 : i32
      %dma_start3A_297 = tpu.memref_slice %arg9[%dma_start3A_294, %dma_start3A_295, %dma_start3A_296] : memref<8x128x32xf32, #tpu.memory_space<vmem>> -> memref<1x128x32xf32, #tpu.memory_space<vmem>>
      %dma_start3A_298 = tpu.memref_squeeze %dma_start3A_297 : memref<1x128x32xf32, #tpu.memory_space<vmem>> -> memref<128x32xf32, #tpu.memory_space<vmem>>
      %dma_start3A_299 = arith.constant 0 : i32
      %dma_start3A_300 = tpu.memref_slice %arg8[%add3A_282, %dma_start3A_299] : memref<160x128xi32, #tpu.memory_space<vmem>> -> memref<1x128xi32, #tpu.memory_space<vmem>>
      %dma_start3A_301 = tpu.memref_squeeze %dma_start3A_300 : memref<1x128xi32, #tpu.memory_space<vmem>> -> memref<128xi32, #tpu.memory_space<vmem>>
      %dma_start3A_302 = arith.constant 0 : i32
      %dma_start3A_303 = arith.constant 0 : i32
      %dma_start3A_304 = tpu.memref_slice %arg10[%dma_start3A_302, %dma_start3A_303] : memref<10240x32xf32, #tpu.memory_space<vmem_shared>> -> memref<10240x32xf32, #tpu.memory_space<vmem_shared>>
      tpu.enqueue_indirect_dma source(%dma_start3A_298 : memref<128x32xf32, #tpu.memory_space<vmem>>) target(%dma_start3A_304 : memref<10240x32xf32, #tpu.memory_space<vmem_shared>>) offsets(%dma_start3A_301 : memref<128xi32, #tpu.memory_space<vmem>>) semaphore(%arg22 : memref<!tpu.dma_semaphore, #tpu.memory_space<semaphore_mem>>) {add = true}
      %mul3A_305 = arith.constant 8 : i32
      %mul3A_306 = arith.muli %scan3A_201, %mul3A_305 : i32
      %add3A_307 = arith.constant 4 : i32
      %add3A_308 = arith.addi %mul3A_306, %add3A_307 : i32
      %dma_wait3A_309 = arith.constant 4 : i32
      %dma_wait3A_310 = arith.constant 0 : i32
      %dma_wait3A_311 = arith.constant 0 : i32
      %dma_wait3A_312 = tpu.memref_slice %arg9[%dma_wait3A_309, %dma_wait3A_310, %dma_wait3A_311] : memref<8x128x32xf32, #tpu.memory_space<vmem>> -> memref<1x128x32xf32, #tpu.memory_space<vmem>>
      %dma_wait3A_313 = tpu.memref_squeeze %dma_wait3A_312 : memref<1x128x32xf32, #tpu.memory_space<vmem>> -> memref<128x32xf32, #tpu.memory_space<vmem>>
      %dma_wait3A_314 = arith.constant 0 : i32
      %dma_wait3A_315 = tpu.memref_slice %arg7[%add3A_308, %dma_wait3A_314] : memref<160x128xi32, #tpu.memory_space<vmem>> -> memref<1x128xi32, #tpu.memory_space<vmem>>
      %dma_wait3A_316 = tpu.memref_squeeze %dma_wait3A_315 : memref<1x128xi32, #tpu.memory_space<vmem>> -> memref<128xi32, #tpu.memory_space<vmem>>
      %dma_wait3A_317 = arith.constant 0 : i32
      %dma_wait3A_318 = arith.constant 0 : i32
      %dma_wait3A_319 = tpu.memref_slice %arg2[%dma_wait3A_317, %dma_wait3A_318] : memref<20480x32xf32, #tpu.memory_space<hbm>> -> memref<20480x32xf32, #tpu.memory_space<hbm>>
      tpu.wait_indirect_dma semaphore(%arg15 : memref<!tpu.dma_semaphore, #tpu.memory_space<semaphore_mem>>) src(%dma_wait3A_319 : memref<20480x32xf32, #tpu.memory_space<hbm>>) dst(%dma_wait3A_313 : memref<128x32xf32, #tpu.memory_space<vmem>>)
      %dma_start3A_320 = arith.constant 4 : i32
      %dma_start3A_321 = arith.constant 0 : i32
      %dma_start3A_322 = arith.constant 0 : i32
      %dma_start3A_323 = tpu.memref_slice %arg9[%dma_start3A_320, %dma_start3A_321, %dma_start3A_322] : memref<8x128x32xf32, #tpu.memory_space<vmem>> -> memref<1x128x32xf32, #tpu.memory_space<vmem>>
      %dma_start3A_324 = tpu.memref_squeeze %dma_start3A_323 : memref<1x128x32xf32, #tpu.memory_space<vmem>> -> memref<128x32xf32, #tpu.memory_space<vmem>>
      %dma_start3A_325 = arith.constant 0 : i32
      %dma_start3A_326 = tpu.memref_slice %arg8[%add3A_308, %dma_start3A_325] : memref<160x128xi32, #tpu.memory_space<vmem>> -> memref<1x128xi32, #tpu.memory_space<vmem>>
      %dma_start3A_327 = tpu.memref_squeeze %dma_start3A_326 : memref<1x128xi32, #tpu.memory_space<vmem>> -> memref<128xi32, #tpu.memory_space<vmem>>
      %dma_start3A_328 = arith.constant 0 : i32
      %dma_start3A_329 = arith.constant 0 : i32
      %dma_start3A_330 = tpu.memref_slice %arg10[%dma_start3A_328, %dma_start3A_329] : memref<10240x32xf32, #tpu.memory_space<vmem_shared>> -> memref<10240x32xf32, #tpu.memory_space<vmem_shared>>
      tpu.enqueue_indirect_dma source(%dma_start3A_324 : memref<128x32xf32, #tpu.memory_space<vmem>>) target(%dma_start3A_330 : memref<10240x32xf32, #tpu.memory_space<vmem_shared>>) offsets(%dma_start3A_327 : memref<128xi32, #tpu.memory_space<vmem>>) semaphore(%arg23 : memref<!tpu.dma_semaphore, #tpu.memory_space<semaphore_mem>>) {add = true}
      %mul3A_331 = arith.constant 8 : i32
      %mul3A_332 = arith.muli %scan3A_201, %mul3A_331 : i32
      %add3A_333 = arith.constant 5 : i32
      %add3A_334 = arith.addi %mul3A_332, %add3A_333 : i32
      %dma_wait3A_335 = arith.constant 5 : i32
      %dma_wait3A_336 = arith.constant 0 : i32
      %dma_wait3A_337 = arith.constant 0 : i32
      %dma_wait3A_338 = tpu.memref_slice %arg9[%dma_wait3A_335, %dma_wait3A_336, %dma_wait3A_337] : memref<8x128x32xf32, #tpu.memory_space<vmem>> -> memref<1x128x32xf32, #tpu.memory_space<vmem>>
      %dma_wait3A_339 = tpu.memref_squeeze %dma_wait3A_338 : memref<1x128x32xf32, #tpu.memory_space<vmem>> -> memref<128x32xf32, #tpu.memory_space<vmem>>
      %dma_wait3A_340 = arith.constant 0 : i32
      %dma_wait3A_341 = tpu.memref_slice %arg7[%add3A_334, %dma_wait3A_340] : memref<160x128xi32, #tpu.memory_space<vmem>> -> memref<1x128xi32, #tpu.memory_space<vmem>>
      %dma_wait3A_342 = tpu.memref_squeeze %dma_wait3A_341 : memref<1x128xi32, #tpu.memory_space<vmem>> -> memref<128xi32, #tpu.memory_space<vmem>>
      %dma_wait3A_343 = arith.constant 0 : i32
      %dma_wait3A_344 = arith.constant 0 : i32
      %dma_wait3A_345 = tpu.memref_slice %arg2[%dma_wait3A_343, %dma_wait3A_344] : memref<20480x32xf32, #tpu.memory_space<hbm>> -> memref<20480x32xf32, #tpu.memory_space<hbm>>
      tpu.wait_indirect_dma semaphore(%arg16 : memref<!tpu.dma_semaphore, #tpu.memory_space<semaphore_mem>>) src(%dma_wait3A_345 : memref<20480x32xf32, #tpu.memory_space<hbm>>) dst(%dma_wait3A_339 : memref<128x32xf32, #tpu.memory_space<vmem>>)
      %dma_start3A_346 = arith.constant 5 : i32
      %dma_start3A_347 = arith.constant 0 : i32
      %dma_start3A_348 = arith.constant 0 : i32
      %dma_start3A_349 = tpu.memref_slice %arg9[%dma_start3A_346, %dma_start3A_347, %dma_start3A_348] : memref<8x128x32xf32, #tpu.memory_space<vmem>> -> memref<1x128x32xf32, #tpu.memory_space<vmem>>
      %dma_start3A_350 = tpu.memref_squeeze %dma_start3A_349 : memref<1x128x32xf32, #tpu.memory_space<vmem>> -> memref<128x32xf32, #tpu.memory_space<vmem>>
      %dma_start3A_351 = arith.constant 0 : i32
      %dma_start3A_352 = tpu.memref_slice %arg8[%add3A_334, %dma_start3A_351] : memref<160x128xi32, #tpu.memory_space<vmem>> -> memref<1x128xi32, #tpu.memory_space<vmem>>
      %dma_start3A_353 = tpu.memref_squeeze %dma_start3A_352 : memref<1x128xi32, #tpu.memory_space<vmem>> -> memref<128xi32, #tpu.memory_space<vmem>>
      %dma_start3A_354 = arith.constant 0 : i32
      %dma_start3A_355 = arith.constant 0 : i32
      %dma_start3A_356 = tpu.memref_slice %arg10[%dma_start3A_354, %dma_start3A_355] : memref<10240x32xf32, #tpu.memory_space<vmem_shared>> -> memref<10240x32xf32, #tpu.memory_space<vmem_shared>>
      tpu.enqueue_indirect_dma source(%dma_start3A_350 : memref<128x32xf32, #tpu.memory_space<vmem>>) target(%dma_start3A_356 : memref<10240x32xf32, #tpu.memory_space<vmem_shared>>) offsets(%dma_start3A_353 : memref<128xi32, #tpu.memory_space<vmem>>) semaphore(%arg24 : memref<!tpu.dma_semaphore, #tpu.memory_space<semaphore_mem>>) {add = true}
      %mul3A_357 = arith.constant 8 : i32
      %mul3A_358 = arith.muli %scan3A_201, %mul3A_357 : i32
      %add3A_359 = arith.constant 6 : i32
      %add3A_360 = arith.addi %mul3A_358, %add3A_359 : i32
      %dma_wait3A_361 = arith.constant 6 : i32
      %dma_wait3A_362 = arith.constant 0 : i32
      %dma_wait3A_363 = arith.constant 0 : i32
      %dma_wait3A_364 = tpu.memref_slice %arg9[%dma_wait3A_361, %dma_wait3A_362, %dma_wait3A_363] : memref<8x128x32xf32, #tpu.memory_space<vmem>> -> memref<1x128x32xf32, #tpu.memory_space<vmem>>
      %dma_wait3A_365 = tpu.memref_squeeze %dma_wait3A_364 : memref<1x128x32xf32, #tpu.memory_space<vmem>> -> memref<128x32xf32, #tpu.memory_space<vmem>>
      %dma_wait3A_366 = arith.constant 0 : i32
      %dma_wait3A_367 = tpu.memref_slice %arg7[%add3A_360, %dma_wait3A_366] : memref<160x128xi32, #tpu.memory_space<vmem>> -> memref<1x128xi32, #tpu.memory_space<vmem>>
      %dma_wait3A_368 = tpu.memref_squeeze %dma_wait3A_367 : memref<1x128xi32, #tpu.memory_space<vmem>> -> memref<128xi32, #tpu.memory_space<vmem>>
      %dma_wait3A_369 = arith.constant 0 : i32
      %dma_wait3A_370 = arith.constant 0 : i32
      %dma_wait3A_371 = tpu.memref_slice %arg2[%dma_wait3A_369, %dma_wait3A_370] : memref<20480x32xf32, #tpu.memory_space<hbm>> -> memref<20480x32xf32, #tpu.memory_space<hbm>>
      tpu.wait_indirect_dma semaphore(%arg17 : memref<!tpu.dma_semaphore, #tpu.memory_space<semaphore_mem>>) src(%dma_wait3A_371 : memref<20480x32xf32, #tpu.memory_space<hbm>>) dst(%dma_wait3A_365 : memref<128x32xf32, #tpu.memory_space<vmem>>)
      %dma_start3A_372 = arith.constant 6 : i32
      %dma_start3A_373 = arith.constant 0 : i32
      %dma_start3A_374 = arith.constant 0 : i32
      %dma_start3A_375 = tpu.memref_slice %arg9[%dma_start3A_372, %dma_start3A_373, %dma_start3A_374] : memref<8x128x32xf32, #tpu.memory_space<vmem>> -> memref<1x128x32xf32, #tpu.memory_space<vmem>>
      %dma_start3A_376 = tpu.memref_squeeze %dma_start3A_375 : memref<1x128x32xf32, #tpu.memory_space<vmem>> -> memref<128x32xf32, #tpu.memory_space<vmem>>
      %dma_start3A_377 = arith.constant 0 : i32
      %dma_start3A_378 = tpu.memref_slice %arg8[%add3A_360, %dma_start3A_377] : memref<160x128xi32, #tpu.memory_space<vmem>> -> memref<1x128xi32, #tpu.memory_space<vmem>>
      %dma_start3A_379 = tpu.memref_squeeze %dma_start3A_378 : memref<1x128xi32, #tpu.memory_space<vmem>> -> memref<128xi32, #tpu.memory_space<vmem>>
      %dma_start3A_380 = arith.constant 0 : i32
      %dma_start3A_381 = arith.constant 0 : i32
      %dma_start3A_382 = tpu.memref_slice %arg10[%dma_start3A_380, %dma_start3A_381] : memref<10240x32xf32, #tpu.memory_space<vmem_shared>> -> memref<10240x32xf32, #tpu.memory_space<vmem_shared>>
      tpu.enqueue_indirect_dma source(%dma_start3A_376 : memref<128x32xf32, #tpu.memory_space<vmem>>) target(%dma_start3A_382 : memref<10240x32xf32, #tpu.memory_space<vmem_shared>>) offsets(%dma_start3A_379 : memref<128xi32, #tpu.memory_space<vmem>>) semaphore(%arg25 : memref<!tpu.dma_semaphore, #tpu.memory_space<semaphore_mem>>) {add = true}
      %mul3A_383 = arith.constant 8 : i32
      %mul3A_384 = arith.muli %scan3A_201, %mul3A_383 : i32
      %add3A_385 = arith.constant 7 : i32
      %add3A_386 = arith.addi %mul3A_384, %add3A_385 : i32
      %dma_wait3A_387 = arith.constant 7 : i32
      %dma_wait3A_388 = arith.constant 0 : i32
      %dma_wait3A_389 = arith.constant 0 : i32
      %dma_wait3A_390 = tpu.memref_slice %arg9[%dma_wait3A_387, %dma_wait3A_388, %dma_wait3A_389] : memref<8x128x32xf32, #tpu.memory_space<vmem>> -> memref<1x128x32xf32, #tpu.memory_space<vmem>>
      %dma_wait3A_391 = tpu.memref_squeeze %dma_wait3A_390 : memref<1x128x32xf32, #tpu.memory_space<vmem>> -> memref<128x32xf32, #tpu.memory_space<vmem>>
      %dma_wait3A_392 = arith.constant 0 : i32
      %dma_wait3A_393 = tpu.memref_slice %arg7[%add3A_386, %dma_wait3A_392] : memref<160x128xi32, #tpu.memory_space<vmem>> -> memref<1x128xi32, #tpu.memory_space<vmem>>
      %dma_wait3A_394 = tpu.memref_squeeze %dma_wait3A_393 : memref<1x128xi32, #tpu.memory_space<vmem>> -> memref<128xi32, #tpu.memory_space<vmem>>
      %dma_wait3A_395 = arith.constant 0 : i32
      %dma_wait3A_396 = arith.constant 0 : i32
      %dma_wait3A_397 = tpu.memref_slice %arg2[%dma_wait3A_395, %dma_wait3A_396] : memref<20480x32xf32, #tpu.memory_space<hbm>> -> memref<20480x32xf32, #tpu.memory_space<hbm>>
      tpu.wait_indirect_dma semaphore(%arg18 : memref<!tpu.dma_semaphore, #tpu.memory_space<semaphore_mem>>) src(%dma_wait3A_397 : memref<20480x32xf32, #tpu.memory_space<hbm>>) dst(%dma_wait3A_391 : memref<128x32xf32, #tpu.memory_space<vmem>>)
      %dma_start3A_398 = arith.constant 7 : i32
      %dma_start3A_399 = arith.constant 0 : i32
      %dma_start3A_400 = arith.constant 0 : i32
      %dma_start3A_401 = tpu.memref_slice %arg9[%dma_start3A_398, %dma_start3A_399, %dma_start3A_400] : memref<8x128x32xf32, #tpu.memory_space<vmem>> -> memref<1x128x32xf32, #tpu.memory_space<vmem>>
      %dma_start3A_402 = tpu.memref_squeeze %dma_start3A_401 : memref<1x128x32xf32, #tpu.memory_space<vmem>> -> memref<128x32xf32, #tpu.memory_space<vmem>>
      %dma_start3A_403 = arith.constant 0 : i32
      %dma_start3A_404 = tpu.memref_slice %arg8[%add3A_386, %dma_start3A_403] : memref<160x128xi32, #tpu.memory_space<vmem>> -> memref<1x128xi32, #tpu.memory_space<vmem>>
      %dma_start3A_405 = tpu.memref_squeeze %dma_start3A_404 : memref<1x128xi32, #tpu.memory_space<vmem>> -> memref<128xi32, #tpu.memory_space<vmem>>
      %dma_start3A_406 = arith.constant 0 : i32
      %dma_start3A_407 = arith.constant 0 : i32
      %dma_start3A_408 = tpu.memref_slice %arg10[%dma_start3A_406, %dma_start3A_407] : memref<10240x32xf32, #tpu.memory_space<vmem_shared>> -> memref<10240x32xf32, #tpu.memory_space<vmem_shared>>
      tpu.enqueue_indirect_dma source(%dma_start3A_402 : memref<128x32xf32, #tpu.memory_space<vmem>>) target(%dma_start3A_408 : memref<10240x32xf32, #tpu.memory_space<vmem_shared>>) offsets(%dma_start3A_405 : memref<128xi32, #tpu.memory_space<vmem>>) semaphore(%arg26 : memref<!tpu.dma_semaphore, #tpu.memory_space<semaphore_mem>>) {add = true}
      %add3A_409 = arith.constant 1 : i32
      %add3A_410 = arith.addi %scan3A_201, %add3A_409 : i32
      %mul3A_411 = arith.constant 8 : i32
      %mul3A_412 = arith.muli %add3A_410, %mul3A_411 : i32
      %add3A_413 = arith.constant 0 : i32
      %add3A_414 = arith.addi %mul3A_412, %add3A_413 : i32
      %lt3A = arith.constant 160 : i32
      %lt3A_415 = arith.cmpi slt, %add3A_414, %lt3A : i32
      %convert_element_type3A = arith.extui %lt3A_415 : i1 to i32
      %cond3A = arith.constant 0 : i32
      %cond3A_416 = arith.cmpi ne, %convert_element_type3A, %cond3A : i32
      scf.if %cond3A_416 {
        %sub3A = arith.constant 8 : i32
        %sub3A_494 = arith.subi %add3A_414, %sub3A : i32
        %dma_wait3A_495 = arith.constant 0 : i32
        %dma_wait3A_496 = arith.constant 0 : i32
        %dma_wait3A_497 = arith.constant 0 : i32
        %dma_wait3A_498 = tpu.memref_slice %arg9[%dma_wait3A_495, %dma_wait3A_496, %dma_wait3A_497] : memref<8x128x32xf32, #tpu.memory_space<vmem>> -> memref<1x128x32xf32, #tpu.memory_space<vmem>>
        %dma_wait3A_499 = tpu.memref_squeeze %dma_wait3A_498 : memref<1x128x32xf32, #tpu.memory_space<vmem>> -> memref<128x32xf32, #tpu.memory_space<vmem>>
        %dma_wait3A_500 = arith.constant 0 : i32
        %dma_wait3A_501 = tpu.memref_slice %arg8[%sub3A_494, %dma_wait3A_500] : memref<160x128xi32, #tpu.memory_space<vmem>> -> memref<1x128xi32, #tpu.memory_space<vmem>>
        %dma_wait3A_502 = tpu.memref_squeeze %dma_wait3A_501 : memref<1x128xi32, #tpu.memory_space<vmem>> -> memref<128xi32, #tpu.memory_space<vmem>>
        %dma_wait3A_503 = arith.constant 0 : i32
        %dma_wait3A_504 = arith.constant 0 : i32
        %dma_wait3A_505 = tpu.memref_slice %arg10[%dma_wait3A_503, %dma_wait3A_504] : memref<10240x32xf32, #tpu.memory_space<vmem_shared>> -> memref<10240x32xf32, #tpu.memory_space<vmem_shared>>
        tpu.wait_indirect_dma semaphore(%arg19 : memref<!tpu.dma_semaphore, #tpu.memory_space<semaphore_mem>>) src(%dma_wait3A_499 : memref<128x32xf32, #tpu.memory_space<vmem>>) dst(%dma_wait3A_505 : memref<10240x32xf32, #tpu.memory_space<vmem_shared>>)
        %dma_start3A_506 = arith.constant 0 : i32
        %dma_start3A_507 = arith.constant 0 : i32
        %dma_start3A_508 = arith.constant 0 : i32
        %dma_start3A_509 = tpu.memref_slice %arg9[%dma_start3A_506, %dma_start3A_507, %dma_start3A_508] : memref<8x128x32xf32, #tpu.memory_space<vmem>> -> memref<1x128x32xf32, #tpu.memory_space<vmem>>
        %dma_start3A_510 = tpu.memref_squeeze %dma_start3A_509 : memref<1x128x32xf32, #tpu.memory_space<vmem>> -> memref<128x32xf32, #tpu.memory_space<vmem>>
        %dma_start3A_511 = arith.constant 0 : i32
        %dma_start3A_512 = tpu.memref_slice %arg7[%add3A_414, %dma_start3A_511] : memref<160x128xi32, #tpu.memory_space<vmem>> -> memref<1x128xi32, #tpu.memory_space<vmem>>
        %dma_start3A_513 = tpu.memref_squeeze %dma_start3A_512 : memref<1x128xi32, #tpu.memory_space<vmem>> -> memref<128xi32, #tpu.memory_space<vmem>>
        %dma_start3A_514 = arith.constant 0 : i32
        %dma_start3A_515 = arith.constant 0 : i32
        %dma_start3A_516 = tpu.memref_slice %arg2[%dma_start3A_514, %dma_start3A_515] : memref<20480x32xf32, #tpu.memory_space<hbm>> -> memref<20480x32xf32, #tpu.memory_space<hbm>>
        tpu.enqueue_indirect_dma source(%dma_start3A_516 : memref<20480x32xf32, #tpu.memory_space<hbm>>) target(%dma_start3A_510 : memref<128x32xf32, #tpu.memory_space<vmem>>) offsets(%dma_start3A_513 : memref<128xi32, #tpu.memory_space<vmem>>) semaphore(%arg11 : memref<!tpu.dma_semaphore, #tpu.memory_space<semaphore_mem>>)
      } else {
      }
      %add3A_417 = arith.constant 1 : i32
      %add3A_418 = arith.addi %scan3A_201, %add3A_417 : i32
      %mul3A_419 = arith.constant 8 : i32
      %mul3A_420 = arith.muli %add3A_418, %mul3A_419 : i32
      %add3A_421 = arith.constant 1 : i32
      %add3A_422 = arith.addi %mul3A_420, %add3A_421 : i32
      %lt3A_423 = arith.constant 160 : i32
      %lt3A_424 = arith.cmpi slt, %add3A_422, %lt3A_423 : i32
      %convert_element_type3A_425 = arith.extui %lt3A_424 : i1 to i32
      %cond3A_426 = arith.constant 0 : i32
      %cond3A_427 = arith.cmpi ne, %convert_element_type3A_425, %cond3A_426 : i32
      scf.if %cond3A_427 {
        %sub3A = arith.constant 8 : i32
        %sub3A_494 = arith.subi %add3A_422, %sub3A : i32
        %dma_wait3A_495 = arith.constant 1 : i32
        %dma_wait3A_496 = arith.constant 0 : i32
        %dma_wait3A_497 = arith.constant 0 : i32
        %dma_wait3A_498 = tpu.memref_slice %arg9[%dma_wait3A_495, %dma_wait3A_496, %dma_wait3A_497] : memref<8x128x32xf32, #tpu.memory_space<vmem>> -> memref<1x128x32xf32, #tpu.memory_space<vmem>>
        %dma_wait3A_499 = tpu.memref_squeeze %dma_wait3A_498 : memref<1x128x32xf32, #tpu.memory_space<vmem>> -> memref<128x32xf32, #tpu.memory_space<vmem>>
        %dma_wait3A_500 = arith.constant 0 : i32
        %dma_wait3A_501 = tpu.memref_slice %arg8[%sub3A_494, %dma_wait3A_500] : memref<160x128xi32, #tpu.memory_space<vmem>> -> memref<1x128xi32, #tpu.memory_space<vmem>>
        %dma_wait3A_502 = tpu.memref_squeeze %dma_wait3A_501 : memref<1x128xi32, #tpu.memory_space<vmem>> -> memref<128xi32, #tpu.memory_space<vmem>>
        %dma_wait3A_503 = arith.constant 0 : i32
        %dma_wait3A_504 = arith.constant 0 : i32
        %dma_wait3A_505 = tpu.memref_slice %arg10[%dma_wait3A_503, %dma_wait3A_504] : memref<10240x32xf32, #tpu.memory_space<vmem_shared>> -> memref<10240x32xf32, #tpu.memory_space<vmem_shared>>
        tpu.wait_indirect_dma semaphore(%arg20 : memref<!tpu.dma_semaphore, #tpu.memory_space<semaphore_mem>>) src(%dma_wait3A_499 : memref<128x32xf32, #tpu.memory_space<vmem>>) dst(%dma_wait3A_505 : memref<10240x32xf32, #tpu.memory_space<vmem_shared>>)
        %dma_start3A_506 = arith.constant 1 : i32
        %dma_start3A_507 = arith.constant 0 : i32
        %dma_start3A_508 = arith.constant 0 : i32
        %dma_start3A_509 = tpu.memref_slice %arg9[%dma_start3A_506, %dma_start3A_507, %dma_start3A_508] : memref<8x128x32xf32, #tpu.memory_space<vmem>> -> memref<1x128x32xf32, #tpu.memory_space<vmem>>
        %dma_start3A_510 = tpu.memref_squeeze %dma_start3A_509 : memref<1x128x32xf32, #tpu.memory_space<vmem>> -> memref<128x32xf32, #tpu.memory_space<vmem>>
        %dma_start3A_511 = arith.constant 0 : i32
        %dma_start3A_512 = tpu.memref_slice %arg7[%add3A_422, %dma_start3A_511] : memref<160x128xi32, #tpu.memory_space<vmem>> -> memref<1x128xi32, #tpu.memory_space<vmem>>
        %dma_start3A_513 = tpu.memref_squeeze %dma_start3A_512 : memref<1x128xi32, #tpu.memory_space<vmem>> -> memref<128xi32, #tpu.memory_space<vmem>>
        %dma_start3A_514 = arith.constant 0 : i32
        %dma_start3A_515 = arith.constant 0 : i32
        %dma_start3A_516 = tpu.memref_slice %arg2[%dma_start3A_514, %dma_start3A_515] : memref<20480x32xf32, #tpu.memory_space<hbm>> -> memref<20480x32xf32, #tpu.memory_space<hbm>>
        tpu.enqueue_indirect_dma source(%dma_start3A_516 : memref<20480x32xf32, #tpu.memory_space<hbm>>) target(%dma_start3A_510 : memref<128x32xf32, #tpu.memory_space<vmem>>) offsets(%dma_start3A_513 : memref<128xi32, #tpu.memory_space<vmem>>) semaphore(%arg12 : memref<!tpu.dma_semaphore, #tpu.memory_space<semaphore_mem>>)
      } else {
      }
      %add3A_428 = arith.constant 1 : i32
      %add3A_429 = arith.addi %scan3A_201, %add3A_428 : i32
      %mul3A_430 = arith.constant 8 : i32
      %mul3A_431 = arith.muli %add3A_429, %mul3A_430 : i32
      %add3A_432 = arith.constant 2 : i32
      %add3A_433 = arith.addi %mul3A_431, %add3A_432 : i32
      %lt3A_434 = arith.constant 160 : i32
      %lt3A_435 = arith.cmpi slt, %add3A_433, %lt3A_434 : i32
      %convert_element_type3A_436 = arith.extui %lt3A_435 : i1 to i32
      %cond3A_437 = arith.constant 0 : i32
      %cond3A_438 = arith.cmpi ne, %convert_element_type3A_436, %cond3A_437 : i32
      scf.if %cond3A_438 {
        %sub3A = arith.constant 8 : i32
        %sub3A_494 = arith.subi %add3A_433, %sub3A : i32
        %dma_wait3A_495 = arith.constant 2 : i32
        %dma_wait3A_496 = arith.constant 0 : i32
        %dma_wait3A_497 = arith.constant 0 : i32
        %dma_wait3A_498 = tpu.memref_slice %arg9[%dma_wait3A_495, %dma_wait3A_496, %dma_wait3A_497] : memref<8x128x32xf32, #tpu.memory_space<vmem>> -> memref<1x128x32xf32, #tpu.memory_space<vmem>>
        %dma_wait3A_499 = tpu.memref_squeeze %dma_wait3A_498 : memref<1x128x32xf32, #tpu.memory_space<vmem>> -> memref<128x32xf32, #tpu.memory_space<vmem>>
        %dma_wait3A_500 = arith.constant 0 : i32
        %dma_wait3A_501 = tpu.memref_slice %arg8[%sub3A_494, %dma_wait3A_500] : memref<160x128xi32, #tpu.memory_space<vmem>> -> memref<1x128xi32, #tpu.memory_space<vmem>>
        %dma_wait3A_502 = tpu.memref_squeeze %dma_wait3A_501 : memref<1x128xi32, #tpu.memory_space<vmem>> -> memref<128xi32, #tpu.memory_space<vmem>>
        %dma_wait3A_503 = arith.constant 0 : i32
        %dma_wait3A_504 = arith.constant 0 : i32
        %dma_wait3A_505 = tpu.memref_slice %arg10[%dma_wait3A_503, %dma_wait3A_504] : memref<10240x32xf32, #tpu.memory_space<vmem_shared>> -> memref<10240x32xf32, #tpu.memory_space<vmem_shared>>
        tpu.wait_indirect_dma semaphore(%arg21 : memref<!tpu.dma_semaphore, #tpu.memory_space<semaphore_mem>>) src(%dma_wait3A_499 : memref<128x32xf32, #tpu.memory_space<vmem>>) dst(%dma_wait3A_505 : memref<10240x32xf32, #tpu.memory_space<vmem_shared>>)
        %dma_start3A_506 = arith.constant 2 : i32
        %dma_start3A_507 = arith.constant 0 : i32
        %dma_start3A_508 = arith.constant 0 : i32
        %dma_start3A_509 = tpu.memref_slice %arg9[%dma_start3A_506, %dma_start3A_507, %dma_start3A_508] : memref<8x128x32xf32, #tpu.memory_space<vmem>> -> memref<1x128x32xf32, #tpu.memory_space<vmem>>
        %dma_start3A_510 = tpu.memref_squeeze %dma_start3A_509 : memref<1x128x32xf32, #tpu.memory_space<vmem>> -> memref<128x32xf32, #tpu.memory_space<vmem>>
        %dma_start3A_511 = arith.constant 0 : i32
        %dma_start3A_512 = tpu.memref_slice %arg7[%add3A_433, %dma_start3A_511] : memref<160x128xi32, #tpu.memory_space<vmem>> -> memref<1x128xi32, #tpu.memory_space<vmem>>
        %dma_start3A_513 = tpu.memref_squeeze %dma_start3A_512 : memref<1x128xi32, #tpu.memory_space<vmem>> -> memref<128xi32, #tpu.memory_space<vmem>>
        %dma_start3A_514 = arith.constant 0 : i32
        %dma_start3A_515 = arith.constant 0 : i32
        %dma_start3A_516 = tpu.memref_slice %arg2[%dma_start3A_514, %dma_start3A_515] : memref<20480x32xf32, #tpu.memory_space<hbm>> -> memref<20480x32xf32, #tpu.memory_space<hbm>>
        tpu.enqueue_indirect_dma source(%dma_start3A_516 : memref<20480x32xf32, #tpu.memory_space<hbm>>) target(%dma_start3A_510 : memref<128x32xf32, #tpu.memory_space<vmem>>) offsets(%dma_start3A_513 : memref<128xi32, #tpu.memory_space<vmem>>) semaphore(%arg13 : memref<!tpu.dma_semaphore, #tpu.memory_space<semaphore_mem>>)
      } else {
      }
      %add3A_439 = arith.constant 1 : i32
      %add3A_440 = arith.addi %scan3A_201, %add3A_439 : i32
      %mul3A_441 = arith.constant 8 : i32
      %mul3A_442 = arith.muli %add3A_440, %mul3A_441 : i32
      %add3A_443 = arith.constant 3 : i32
      %add3A_444 = arith.addi %mul3A_442, %add3A_443 : i32
      %lt3A_445 = arith.constant 160 : i32
      %lt3A_446 = arith.cmpi slt, %add3A_444, %lt3A_445 : i32
      %convert_element_type3A_447 = arith.extui %lt3A_446 : i1 to i32
      %cond3A_448 = arith.constant 0 : i32
      %cond3A_449 = arith.cmpi ne, %convert_element_type3A_447, %cond3A_448 : i32
      scf.if %cond3A_449 {
        %sub3A = arith.constant 8 : i32
        %sub3A_494 = arith.subi %add3A_444, %sub3A : i32
        %dma_wait3A_495 = arith.constant 3 : i32
        %dma_wait3A_496 = arith.constant 0 : i32
        %dma_wait3A_497 = arith.constant 0 : i32
        %dma_wait3A_498 = tpu.memref_slice %arg9[%dma_wait3A_495, %dma_wait3A_496, %dma_wait3A_497] : memref<8x128x32xf32, #tpu.memory_space<vmem>> -> memref<1x128x32xf32, #tpu.memory_space<vmem>>
        %dma_wait3A_499 = tpu.memref_squeeze %dma_wait3A_498 : memref<1x128x32xf32, #tpu.memory_space<vmem>> -> memref<128x32xf32, #tpu.memory_space<vmem>>
        %dma_wait3A_500 = arith.constant 0 : i32
        %dma_wait3A_501 = tpu.memref_slice %arg8[%sub3A_494, %dma_wait3A_500] : memref<160x128xi32, #tpu.memory_space<vmem>> -> memref<1x128xi32, #tpu.memory_space<vmem>>
        %dma_wait3A_502 = tpu.memref_squeeze %dma_wait3A_501 : memref<1x128xi32, #tpu.memory_space<vmem>> -> memref<128xi32, #tpu.memory_space<vmem>>
        %dma_wait3A_503 = arith.constant 0 : i32
        %dma_wait3A_504 = arith.constant 0 : i32
        %dma_wait3A_505 = tpu.memref_slice %arg10[%dma_wait3A_503, %dma_wait3A_504] : memref<10240x32xf32, #tpu.memory_space<vmem_shared>> -> memref<10240x32xf32, #tpu.memory_space<vmem_shared>>
        tpu.wait_indirect_dma semaphore(%arg22 : memref<!tpu.dma_semaphore, #tpu.memory_space<semaphore_mem>>) src(%dma_wait3A_499 : memref<128x32xf32, #tpu.memory_space<vmem>>) dst(%dma_wait3A_505 : memref<10240x32xf32, #tpu.memory_space<vmem_shared>>)
        %dma_start3A_506 = arith.constant 3 : i32
        %dma_start3A_507 = arith.constant 0 : i32
        %dma_start3A_508 = arith.constant 0 : i32
        %dma_start3A_509 = tpu.memref_slice %arg9[%dma_start3A_506, %dma_start3A_507, %dma_start3A_508] : memref<8x128x32xf32, #tpu.memory_space<vmem>> -> memref<1x128x32xf32, #tpu.memory_space<vmem>>
        %dma_start3A_510 = tpu.memref_squeeze %dma_start3A_509 : memref<1x128x32xf32, #tpu.memory_space<vmem>> -> memref<128x32xf32, #tpu.memory_space<vmem>>
        %dma_start3A_511 = arith.constant 0 : i32
        %dma_start3A_512 = tpu.memref_slice %arg7[%add3A_444, %dma_start3A_511] : memref<160x128xi32, #tpu.memory_space<vmem>> -> memref<1x128xi32, #tpu.memory_space<vmem>>
        %dma_start3A_513 = tpu.memref_squeeze %dma_start3A_512 : memref<1x128xi32, #tpu.memory_space<vmem>> -> memref<128xi32, #tpu.memory_space<vmem>>
        %dma_start3A_514 = arith.constant 0 : i32
        %dma_start3A_515 = arith.constant 0 : i32
        %dma_start3A_516 = tpu.memref_slice %arg2[%dma_start3A_514, %dma_start3A_515] : memref<20480x32xf32, #tpu.memory_space<hbm>> -> memref<20480x32xf32, #tpu.memory_space<hbm>>
        tpu.enqueue_indirect_dma source(%dma_start3A_516 : memref<20480x32xf32, #tpu.memory_space<hbm>>) target(%dma_start3A_510 : memref<128x32xf32, #tpu.memory_space<vmem>>) offsets(%dma_start3A_513 : memref<128xi32, #tpu.memory_space<vmem>>) semaphore(%arg14 : memref<!tpu.dma_semaphore, #tpu.memory_space<semaphore_mem>>)
      } else {
      }
      %add3A_450 = arith.constant 1 : i32
      %add3A_451 = arith.addi %scan3A_201, %add3A_450 : i32
      %mul3A_452 = arith.constant 8 : i32
      %mul3A_453 = arith.muli %add3A_451, %mul3A_452 : i32
      %add3A_454 = arith.constant 4 : i32
      %add3A_455 = arith.addi %mul3A_453, %add3A_454 : i32
      %lt3A_456 = arith.constant 160 : i32
      %lt3A_457 = arith.cmpi slt, %add3A_455, %lt3A_456 : i32
      %convert_element_type3A_458 = arith.extui %lt3A_457 : i1 to i32
      %cond3A_459 = arith.constant 0 : i32
      %cond3A_460 = arith.cmpi ne, %convert_element_type3A_458, %cond3A_459 : i32
      scf.if %cond3A_460 {
        %sub3A = arith.constant 8 : i32
        %sub3A_494 = arith.subi %add3A_455, %sub3A : i32
        %dma_wait3A_495 = arith.constant 4 : i32
        %dma_wait3A_496 = arith.constant 0 : i32
        %dma_wait3A_497 = arith.constant 0 : i32
        %dma_wait3A_498 = tpu.memref_slice %arg9[%dma_wait3A_495, %dma_wait3A_496, %dma_wait3A_497] : memref<8x128x32xf32, #tpu.memory_space<vmem>> -> memref<1x128x32xf32, #tpu.memory_space<vmem>>
        %dma_wait3A_499 = tpu.memref_squeeze %dma_wait3A_498 : memref<1x128x32xf32, #tpu.memory_space<vmem>> -> memref<128x32xf32, #tpu.memory_space<vmem>>
        %dma_wait3A_500 = arith.constant 0 : i32
        %dma_wait3A_501 = tpu.memref_slice %arg8[%sub3A_494, %dma_wait3A_500] : memref<160x128xi32, #tpu.memory_space<vmem>> -> memref<1x128xi32, #tpu.memory_space<vmem>>
        %dma_wait3A_502 = tpu.memref_squeeze %dma_wait3A_501 : memref<1x128xi32, #tpu.memory_space<vmem>> -> memref<128xi32, #tpu.memory_space<vmem>>
        %dma_wait3A_503 = arith.constant 0 : i32
        %dma_wait3A_504 = arith.constant 0 : i32
        %dma_wait3A_505 = tpu.memref_slice %arg10[%dma_wait3A_503, %dma_wait3A_504] : memref<10240x32xf32, #tpu.memory_space<vmem_shared>> -> memref<10240x32xf32, #tpu.memory_space<vmem_shared>>
        tpu.wait_indirect_dma semaphore(%arg23 : memref<!tpu.dma_semaphore, #tpu.memory_space<semaphore_mem>>) src(%dma_wait3A_499 : memref<128x32xf32, #tpu.memory_space<vmem>>) dst(%dma_wait3A_505 : memref<10240x32xf32, #tpu.memory_space<vmem_shared>>)
        %dma_start3A_506 = arith.constant 4 : i32
        %dma_start3A_507 = arith.constant 0 : i32
        %dma_start3A_508 = arith.constant 0 : i32
        %dma_start3A_509 = tpu.memref_slice %arg9[%dma_start3A_506, %dma_start3A_507, %dma_start3A_508] : memref<8x128x32xf32, #tpu.memory_space<vmem>> -> memref<1x128x32xf32, #tpu.memory_space<vmem>>
        %dma_start3A_510 = tpu.memref_squeeze %dma_start3A_509 : memref<1x128x32xf32, #tpu.memory_space<vmem>> -> memref<128x32xf32, #tpu.memory_space<vmem>>
        %dma_start3A_511 = arith.constant 0 : i32
        %dma_start3A_512 = tpu.memref_slice %arg7[%add3A_455, %dma_start3A_511] : memref<160x128xi32, #tpu.memory_space<vmem>> -> memref<1x128xi32, #tpu.memory_space<vmem>>
        %dma_start3A_513 = tpu.memref_squeeze %dma_start3A_512 : memref<1x128xi32, #tpu.memory_space<vmem>> -> memref<128xi32, #tpu.memory_space<vmem>>
        %dma_start3A_514 = arith.constant 0 : i32
        %dma_start3A_515 = arith.constant 0 : i32
        %dma_start3A_516 = tpu.memref_slice %arg2[%dma_start3A_514, %dma_start3A_515] : memref<20480x32xf32, #tpu.memory_space<hbm>> -> memref<20480x32xf32, #tpu.memory_space<hbm>>
        tpu.enqueue_indirect_dma source(%dma_start3A_516 : memref<20480x32xf32, #tpu.memory_space<hbm>>) target(%dma_start3A_510 : memref<128x32xf32, #tpu.memory_space<vmem>>) offsets(%dma_start3A_513 : memref<128xi32, #tpu.memory_space<vmem>>) semaphore(%arg15 : memref<!tpu.dma_semaphore, #tpu.memory_space<semaphore_mem>>)
      } else {
      }
      %add3A_461 = arith.constant 1 : i32
      %add3A_462 = arith.addi %scan3A_201, %add3A_461 : i32
      %mul3A_463 = arith.constant 8 : i32
      %mul3A_464 = arith.muli %add3A_462, %mul3A_463 : i32
      %add3A_465 = arith.constant 5 : i32
      %add3A_466 = arith.addi %mul3A_464, %add3A_465 : i32
      %lt3A_467 = arith.constant 160 : i32
      %lt3A_468 = arith.cmpi slt, %add3A_466, %lt3A_467 : i32
      %convert_element_type3A_469 = arith.extui %lt3A_468 : i1 to i32
      %cond3A_470 = arith.constant 0 : i32
      %cond3A_471 = arith.cmpi ne, %convert_element_type3A_469, %cond3A_470 : i32
      scf.if %cond3A_471 {
        %sub3A = arith.constant 8 : i32
        %sub3A_494 = arith.subi %add3A_466, %sub3A : i32
        %dma_wait3A_495 = arith.constant 5 : i32
        %dma_wait3A_496 = arith.constant 0 : i32
        %dma_wait3A_497 = arith.constant 0 : i32
        %dma_wait3A_498 = tpu.memref_slice %arg9[%dma_wait3A_495, %dma_wait3A_496, %dma_wait3A_497] : memref<8x128x32xf32, #tpu.memory_space<vmem>> -> memref<1x128x32xf32, #tpu.memory_space<vmem>>
        %dma_wait3A_499 = tpu.memref_squeeze %dma_wait3A_498 : memref<1x128x32xf32, #tpu.memory_space<vmem>> -> memref<128x32xf32, #tpu.memory_space<vmem>>
        %dma_wait3A_500 = arith.constant 0 : i32
        %dma_wait3A_501 = tpu.memref_slice %arg8[%sub3A_494, %dma_wait3A_500] : memref<160x128xi32, #tpu.memory_space<vmem>> -> memref<1x128xi32, #tpu.memory_space<vmem>>
        %dma_wait3A_502 = tpu.memref_squeeze %dma_wait3A_501 : memref<1x128xi32, #tpu.memory_space<vmem>> -> memref<128xi32, #tpu.memory_space<vmem>>
        %dma_wait3A_503 = arith.constant 0 : i32
        %dma_wait3A_504 = arith.constant 0 : i32
        %dma_wait3A_505 = tpu.memref_slice %arg10[%dma_wait3A_503, %dma_wait3A_504] : memref<10240x32xf32, #tpu.memory_space<vmem_shared>> -> memref<10240x32xf32, #tpu.memory_space<vmem_shared>>
        tpu.wait_indirect_dma semaphore(%arg24 : memref<!tpu.dma_semaphore, #tpu.memory_space<semaphore_mem>>) src(%dma_wait3A_499 : memref<128x32xf32, #tpu.memory_space<vmem>>) dst(%dma_wait3A_505 : memref<10240x32xf32, #tpu.memory_space<vmem_shared>>)
        %dma_start3A_506 = arith.constant 5 : i32
        %dma_start3A_507 = arith.constant 0 : i32
        %dma_start3A_508 = arith.constant 0 : i32
        %dma_start3A_509 = tpu.memref_slice %arg9[%dma_start3A_506, %dma_start3A_507, %dma_start3A_508] : memref<8x128x32xf32, #tpu.memory_space<vmem>> -> memref<1x128x32xf32, #tpu.memory_space<vmem>>
        %dma_start3A_510 = tpu.memref_squeeze %dma_start3A_509 : memref<1x128x32xf32, #tpu.memory_space<vmem>> -> memref<128x32xf32, #tpu.memory_space<vmem>>
        %dma_start3A_511 = arith.constant 0 : i32
        %dma_start3A_512 = tpu.memref_slice %arg7[%add3A_466, %dma_start3A_511] : memref<160x128xi32, #tpu.memory_space<vmem>> -> memref<1x128xi32, #tpu.memory_space<vmem>>
        %dma_start3A_513 = tpu.memref_squeeze %dma_start3A_512 : memref<1x128xi32, #tpu.memory_space<vmem>> -> memref<128xi32, #tpu.memory_space<vmem>>
        %dma_start3A_514 = arith.constant 0 : i32
        %dma_start3A_515 = arith.constant 0 : i32
        %dma_start3A_516 = tpu.memref_slice %arg2[%dma_start3A_514, %dma_start3A_515] : memref<20480x32xf32, #tpu.memory_space<hbm>> -> memref<20480x32xf32, #tpu.memory_space<hbm>>
        tpu.enqueue_indirect_dma source(%dma_start3A_516 : memref<20480x32xf32, #tpu.memory_space<hbm>>) target(%dma_start3A_510 : memref<128x32xf32, #tpu.memory_space<vmem>>) offsets(%dma_start3A_513 : memref<128xi32, #tpu.memory_space<vmem>>) semaphore(%arg16 : memref<!tpu.dma_semaphore, #tpu.memory_space<semaphore_mem>>)
      } else {
      }
      %add3A_472 = arith.constant 1 : i32
      %add3A_473 = arith.addi %scan3A_201, %add3A_472 : i32
      %mul3A_474 = arith.constant 8 : i32
      %mul3A_475 = arith.muli %add3A_473, %mul3A_474 : i32
      %add3A_476 = arith.constant 6 : i32
      %add3A_477 = arith.addi %mul3A_475, %add3A_476 : i32
      %lt3A_478 = arith.constant 160 : i32
      %lt3A_479 = arith.cmpi slt, %add3A_477, %lt3A_478 : i32
      %convert_element_type3A_480 = arith.extui %lt3A_479 : i1 to i32
      %cond3A_481 = arith.constant 0 : i32
      %cond3A_482 = arith.cmpi ne, %convert_element_type3A_480, %cond3A_481 : i32
      scf.if %cond3A_482 {
        %sub3A = arith.constant 8 : i32
        %sub3A_494 = arith.subi %add3A_477, %sub3A : i32
        %dma_wait3A_495 = arith.constant 6 : i32
        %dma_wait3A_496 = arith.constant 0 : i32
        %dma_wait3A_497 = arith.constant 0 : i32
        %dma_wait3A_498 = tpu.memref_slice %arg9[%dma_wait3A_495, %dma_wait3A_496, %dma_wait3A_497] : memref<8x128x32xf32, #tpu.memory_space<vmem>> -> memref<1x128x32xf32, #tpu.memory_space<vmem>>
        %dma_wait3A_499 = tpu.memref_squeeze %dma_wait3A_498 : memref<1x128x32xf32, #tpu.memory_space<vmem>> -> memref<128x32xf32, #tpu.memory_space<vmem>>
        %dma_wait3A_500 = arith.constant 0 : i32
        %dma_wait3A_501 = tpu.memref_slice %arg8[%sub3A_494, %dma_wait3A_500] : memref<160x128xi32, #tpu.memory_space<vmem>> -> memref<1x128xi32, #tpu.memory_space<vmem>>
        %dma_wait3A_502 = tpu.memref_squeeze %dma_wait3A_501 : memref<1x128xi32, #tpu.memory_space<vmem>> -> memref<128xi32, #tpu.memory_space<vmem>>
        %dma_wait3A_503 = arith.constant 0 : i32
        %dma_wait3A_504 = arith.constant 0 : i32
        %dma_wait3A_505 = tpu.memref_slice %arg10[%dma_wait3A_503, %dma_wait3A_504] : memref<10240x32xf32, #tpu.memory_space<vmem_shared>> -> memref<10240x32xf32, #tpu.memory_space<vmem_shared>>
        tpu.wait_indirect_dma semaphore(%arg25 : memref<!tpu.dma_semaphore, #tpu.memory_space<semaphore_mem>>) src(%dma_wait3A_499 : memref<128x32xf32, #tpu.memory_space<vmem>>) dst(%dma_wait3A_505 : memref<10240x32xf32, #tpu.memory_space<vmem_shared>>)
        %dma_start3A_506 = arith.constant 6 : i32
        %dma_start3A_507 = arith.constant 0 : i32
        %dma_start3A_508 = arith.constant 0 : i32
        %dma_start3A_509 = tpu.memref_slice %arg9[%dma_start3A_506, %dma_start3A_507, %dma_start3A_508] : memref<8x128x32xf32, #tpu.memory_space<vmem>> -> memref<1x128x32xf32, #tpu.memory_space<vmem>>
        %dma_start3A_510 = tpu.memref_squeeze %dma_start3A_509 : memref<1x128x32xf32, #tpu.memory_space<vmem>> -> memref<128x32xf32, #tpu.memory_space<vmem>>
        %dma_start3A_511 = arith.constant 0 : i32
        %dma_start3A_512 = tpu.memref_slice %arg7[%add3A_477, %dma_start3A_511] : memref<160x128xi32, #tpu.memory_space<vmem>> -> memref<1x128xi32, #tpu.memory_space<vmem>>
        %dma_start3A_513 = tpu.memref_squeeze %dma_start3A_512 : memref<1x128xi32, #tpu.memory_space<vmem>> -> memref<128xi32, #tpu.memory_space<vmem>>
        %dma_start3A_514 = arith.constant 0 : i32
        %dma_start3A_515 = arith.constant 0 : i32
        %dma_start3A_516 = tpu.memref_slice %arg2[%dma_start3A_514, %dma_start3A_515] : memref<20480x32xf32, #tpu.memory_space<hbm>> -> memref<20480x32xf32, #tpu.memory_space<hbm>>
        tpu.enqueue_indirect_dma source(%dma_start3A_516 : memref<20480x32xf32, #tpu.memory_space<hbm>>) target(%dma_start3A_510 : memref<128x32xf32, #tpu.memory_space<vmem>>) offsets(%dma_start3A_513 : memref<128xi32, #tpu.memory_space<vmem>>) semaphore(%arg17 : memref<!tpu.dma_semaphore, #tpu.memory_space<semaphore_mem>>)
      } else {
      }
      %add3A_483 = arith.constant 1 : i32
      %add3A_484 = arith.addi %scan3A_201, %add3A_483 : i32
      %mul3A_485 = arith.constant 8 : i32
      %mul3A_486 = arith.muli %add3A_484, %mul3A_485 : i32
      %add3A_487 = arith.constant 7 : i32
      %add3A_488 = arith.addi %mul3A_486, %add3A_487 : i32
      %lt3A_489 = arith.constant 160 : i32
      %lt3A_490 = arith.cmpi slt, %add3A_488, %lt3A_489 : i32
      %convert_element_type3A_491 = arith.extui %lt3A_490 : i1 to i32
      %cond3A_492 = arith.constant 0 : i32
      %cond3A_493 = arith.cmpi ne, %convert_element_type3A_491, %cond3A_492 : i32
      scf.if %cond3A_493 {
        %sub3A = arith.constant 8 : i32
        %sub3A_494 = arith.subi %add3A_488, %sub3A : i32
        %dma_wait3A_495 = arith.constant 7 : i32
        %dma_wait3A_496 = arith.constant 0 : i32
        %dma_wait3A_497 = arith.constant 0 : i32
        %dma_wait3A_498 = tpu.memref_slice %arg9[%dma_wait3A_495, %dma_wait3A_496, %dma_wait3A_497] : memref<8x128x32xf32, #tpu.memory_space<vmem>> -> memref<1x128x32xf32, #tpu.memory_space<vmem>>
        %dma_wait3A_499 = tpu.memref_squeeze %dma_wait3A_498 : memref<1x128x32xf32, #tpu.memory_space<vmem>> -> memref<128x32xf32, #tpu.memory_space<vmem>>
        %dma_wait3A_500 = arith.constant 0 : i32
        %dma_wait3A_501 = tpu.memref_slice %arg8[%sub3A_494, %dma_wait3A_500] : memref<160x128xi32, #tpu.memory_space<vmem>> -> memref<1x128xi32, #tpu.memory_space<vmem>>
        %dma_wait3A_502 = tpu.memref_squeeze %dma_wait3A_501 : memref<1x128xi32, #tpu.memory_space<vmem>> -> memref<128xi32, #tpu.memory_space<vmem>>
        %dma_wait3A_503 = arith.constant 0 : i32
        %dma_wait3A_504 = arith.constant 0 : i32
        %dma_wait3A_505 = tpu.memref_slice %arg10[%dma_wait3A_503, %dma_wait3A_504] : memref<10240x32xf32, #tpu.memory_space<vmem_shared>> -> memref<10240x32xf32, #tpu.memory_space<vmem_shared>>
        tpu.wait_indirect_dma semaphore(%arg26 : memref<!tpu.dma_semaphore, #tpu.memory_space<semaphore_mem>>) src(%dma_wait3A_499 : memref<128x32xf32, #tpu.memory_space<vmem>>) dst(%dma_wait3A_505 : memref<10240x32xf32, #tpu.memory_space<vmem_shared>>)
        %dma_start3A_506 = arith.constant 7 : i32
        %dma_start3A_507 = arith.constant 0 : i32
        %dma_start3A_508 = arith.constant 0 : i32
        %dma_start3A_509 = tpu.memref_slice %arg9[%dma_start3A_506, %dma_start3A_507, %dma_start3A_508] : memref<8x128x32xf32, #tpu.memory_space<vmem>> -> memref<1x128x32xf32, #tpu.memory_space<vmem>>
        %dma_start3A_510 = tpu.memref_squeeze %dma_start3A_509 : memref<1x128x32xf32, #tpu.memory_space<vmem>> -> memref<128x32xf32, #tpu.memory_space<vmem>>
        %dma_start3A_511 = arith.constant 0 : i32
        %dma_start3A_512 = tpu.memref_slice %arg7[%add3A_488, %dma_start3A_511] : memref<160x128xi32, #tpu.memory_space<vmem>> -> memref<1x128xi32, #tpu.memory_space<vmem>>
        %dma_start3A_513 = tpu.memref_squeeze %dma_start3A_512 : memref<1x128xi32, #tpu.memory_space<vmem>> -> memref<128xi32, #tpu.memory_space<vmem>>
        %dma_start3A_514 = arith.constant 0 : i32
        %dma_start3A_515 = arith.constant 0 : i32
        %dma_start3A_516 = tpu.memref_slice %arg2[%dma_start3A_514, %dma_start3A_515] : memref<20480x32xf32, #tpu.memory_space<hbm>> -> memref<20480x32xf32, #tpu.memory_space<hbm>>
        tpu.enqueue_indirect_dma source(%dma_start3A_516 : memref<20480x32xf32, #tpu.memory_space<hbm>>) target(%dma_start3A_510 : memref<128x32xf32, #tpu.memory_space<vmem>>) offsets(%dma_start3A_513 : memref<128xi32, #tpu.memory_space<vmem>>) semaphore(%arg18 : memref<!tpu.dma_semaphore, #tpu.memory_space<semaphore_mem>>)
      } else {
      }
    }
    %scan3A_104 = arith.constant 20 : i32
    %dma_wait3A = arith.constant 0 : i32
    %dma_wait3A_105 = arith.constant 152 : i32
    %dma_wait3A_106 = arith.constant 0 : i32
    %dma_wait3A_107 = arith.constant 0 : i32
    %dma_wait3A_108 = tpu.memref_slice %arg9[%dma_wait3A, %dma_wait3A_106, %dma_wait3A_107] : memref<8x128x32xf32, #tpu.memory_space<vmem>> -> memref<1x128x32xf32, #tpu.memory_space<vmem>>
    %dma_wait3A_109 = tpu.memref_squeeze %dma_wait3A_108 : memref<1x128x32xf32, #tpu.memory_space<vmem>> -> memref<128x32xf32, #tpu.memory_space<vmem>>
    %dma_wait3A_110 = arith.constant 0 : i32
    %dma_wait3A_111 = tpu.memref_slice %arg8[%dma_wait3A_105, %dma_wait3A_110] : memref<160x128xi32, #tpu.memory_space<vmem>> -> memref<1x128xi32, #tpu.memory_space<vmem>>
    %dma_wait3A_112 = tpu.memref_squeeze %dma_wait3A_111 : memref<1x128xi32, #tpu.memory_space<vmem>> -> memref<128xi32, #tpu.memory_space<vmem>>
    %dma_wait3A_113 = arith.constant 0 : i32
    %dma_wait3A_114 = arith.constant 0 : i32
    %dma_wait3A_115 = tpu.memref_slice %arg10[%dma_wait3A_113, %dma_wait3A_114] : memref<10240x32xf32, #tpu.memory_space<vmem_shared>> -> memref<10240x32xf32, #tpu.memory_space<vmem_shared>>
    tpu.wait_indirect_dma semaphore(%arg19 : memref<!tpu.dma_semaphore, #tpu.memory_space<semaphore_mem>>) src(%dma_wait3A_109 : memref<128x32xf32, #tpu.memory_space<vmem>>) dst(%dma_wait3A_115 : memref<10240x32xf32, #tpu.memory_space<vmem_shared>>)
    %dma_wait3A_116 = arith.constant 1 : i32
    %dma_wait3A_117 = arith.constant 153 : i32
    %dma_wait3A_118 = arith.constant 0 : i32
    %dma_wait3A_119 = arith.constant 0 : i32
    %dma_wait3A_120 = tpu.memref_slice %arg9[%dma_wait3A_116, %dma_wait3A_118, %dma_wait3A_119] : memref<8x128x32xf32, #tpu.memory_space<vmem>> -> memref<1x128x32xf32, #tpu.memory_space<vmem>>
    %dma_wait3A_121 = tpu.memref_squeeze %dma_wait3A_120 : memref<1x128x32xf32, #tpu.memory_space<vmem>> -> memref<128x32xf32, #tpu.memory_space<vmem>>
    %dma_wait3A_122 = arith.constant 0 : i32
    %dma_wait3A_123 = tpu.memref_slice %arg8[%dma_wait3A_117, %dma_wait3A_122] : memref<160x128xi32, #tpu.memory_space<vmem>> -> memref<1x128xi32, #tpu.memory_space<vmem>>
    %dma_wait3A_124 = tpu.memref_squeeze %dma_wait3A_123 : memref<1x128xi32, #tpu.memory_space<vmem>> -> memref<128xi32, #tpu.memory_space<vmem>>
    %dma_wait3A_125 = arith.constant 0 : i32
    %dma_wait3A_126 = arith.constant 0 : i32
    %dma_wait3A_127 = tpu.memref_slice %arg10[%dma_wait3A_125, %dma_wait3A_126] : memref<10240x32xf32, #tpu.memory_space<vmem_shared>> -> memref<10240x32xf32, #tpu.memory_space<vmem_shared>>
    tpu.wait_indirect_dma semaphore(%arg20 : memref<!tpu.dma_semaphore, #tpu.memory_space<semaphore_mem>>) src(%dma_wait3A_121 : memref<128x32xf32, #tpu.memory_space<vmem>>) dst(%dma_wait3A_127 : memref<10240x32xf32, #tpu.memory_space<vmem_shared>>)
    %dma_wait3A_128 = arith.constant 2 : i32
    %dma_wait3A_129 = arith.constant 154 : i32
    %dma_wait3A_130 = arith.constant 0 : i32
    %dma_wait3A_131 = arith.constant 0 : i32
    %dma_wait3A_132 = tpu.memref_slice %arg9[%dma_wait3A_128, %dma_wait3A_130, %dma_wait3A_131] : memref<8x128x32xf32, #tpu.memory_space<vmem>> -> memref<1x128x32xf32, #tpu.memory_space<vmem>>
    %dma_wait3A_133 = tpu.memref_squeeze %dma_wait3A_132 : memref<1x128x32xf32, #tpu.memory_space<vmem>> -> memref<128x32xf32, #tpu.memory_space<vmem>>
    %dma_wait3A_134 = arith.constant 0 : i32
    %dma_wait3A_135 = tpu.memref_slice %arg8[%dma_wait3A_129, %dma_wait3A_134] : memref<160x128xi32, #tpu.memory_space<vmem>> -> memref<1x128xi32, #tpu.memory_space<vmem>>
    %dma_wait3A_136 = tpu.memref_squeeze %dma_wait3A_135 : memref<1x128xi32, #tpu.memory_space<vmem>> -> memref<128xi32, #tpu.memory_space<vmem>>
    %dma_wait3A_137 = arith.constant 0 : i32
    %dma_wait3A_138 = arith.constant 0 : i32
    %dma_wait3A_139 = tpu.memref_slice %arg10[%dma_wait3A_137, %dma_wait3A_138] : memref<10240x32xf32, #tpu.memory_space<vmem_shared>> -> memref<10240x32xf32, #tpu.memory_space<vmem_shared>>
    tpu.wait_indirect_dma semaphore(%arg21 : memref<!tpu.dma_semaphore, #tpu.memory_space<semaphore_mem>>) src(%dma_wait3A_133 : memref<128x32xf32, #tpu.memory_space<vmem>>) dst(%dma_wait3A_139 : memref<10240x32xf32, #tpu.memory_space<vmem_shared>>)
    %dma_wait3A_140 = arith.constant 3 : i32
    %dma_wait3A_141 = arith.constant 155 : i32
    %dma_wait3A_142 = arith.constant 0 : i32
    %dma_wait3A_143 = arith.constant 0 : i32
    %dma_wait3A_144 = tpu.memref_slice %arg9[%dma_wait3A_140, %dma_wait3A_142, %dma_wait3A_143] : memref<8x128x32xf32, #tpu.memory_space<vmem>> -> memref<1x128x32xf32, #tpu.memory_space<vmem>>
    %dma_wait3A_145 = tpu.memref_squeeze %dma_wait3A_144 : memref<1x128x32xf32, #tpu.memory_space<vmem>> -> memref<128x32xf32, #tpu.memory_space<vmem>>
    %dma_wait3A_146 = arith.constant 0 : i32
    %dma_wait3A_147 = tpu.memref_slice %arg8[%dma_wait3A_141, %dma_wait3A_146] : memref<160x128xi32, #tpu.memory_space<vmem>> -> memref<1x128xi32, #tpu.memory_space<vmem>>
    %dma_wait3A_148 = tpu.memref_squeeze %dma_wait3A_147 : memref<1x128xi32, #tpu.memory_space<vmem>> -> memref<128xi32, #tpu.memory_space<vmem>>
    %dma_wait3A_149 = arith.constant 0 : i32
    %dma_wait3A_150 = arith.constant 0 : i32
    %dma_wait3A_151 = tpu.memref_slice %arg10[%dma_wait3A_149, %dma_wait3A_150] : memref<10240x32xf32, #tpu.memory_space<vmem_shared>> -> memref<10240x32xf32, #tpu.memory_space<vmem_shared>>
    tpu.wait_indirect_dma semaphore(%arg22 : memref<!tpu.dma_semaphore, #tpu.memory_space<semaphore_mem>>) src(%dma_wait3A_145 : memref<128x32xf32, #tpu.memory_space<vmem>>) dst(%dma_wait3A_151 : memref<10240x32xf32, #tpu.memory_space<vmem_shared>>)
    %dma_wait3A_152 = arith.constant 4 : i32
    %dma_wait3A_153 = arith.constant 156 : i32
    %dma_wait3A_154 = arith.constant 0 : i32
    %dma_wait3A_155 = arith.constant 0 : i32
    %dma_wait3A_156 = tpu.memref_slice %arg9[%dma_wait3A_152, %dma_wait3A_154, %dma_wait3A_155] : memref<8x128x32xf32, #tpu.memory_space<vmem>> -> memref<1x128x32xf32, #tpu.memory_space<vmem>>
    %dma_wait3A_157 = tpu.memref_squeeze %dma_wait3A_156 : memref<1x128x32xf32, #tpu.memory_space<vmem>> -> memref<128x32xf32, #tpu.memory_space<vmem>>
    %dma_wait3A_158 = arith.constant 0 : i32
    %dma_wait3A_159 = tpu.memref_slice %arg8[%dma_wait3A_153, %dma_wait3A_158] : memref<160x128xi32, #tpu.memory_space<vmem>> -> memref<1x128xi32, #tpu.memory_space<vmem>>
    %dma_wait3A_160 = tpu.memref_squeeze %dma_wait3A_159 : memref<1x128xi32, #tpu.memory_space<vmem>> -> memref<128xi32, #tpu.memory_space<vmem>>
    %dma_wait3A_161 = arith.constant 0 : i32
    %dma_wait3A_162 = arith.constant 0 : i32
    %dma_wait3A_163 = tpu.memref_slice %arg10[%dma_wait3A_161, %dma_wait3A_162] : memref<10240x32xf32, #tpu.memory_space<vmem_shared>> -> memref<10240x32xf32, #tpu.memory_space<vmem_shared>>
    tpu.wait_indirect_dma semaphore(%arg23 : memref<!tpu.dma_semaphore, #tpu.memory_space<semaphore_mem>>) src(%dma_wait3A_157 : memref<128x32xf32, #tpu.memory_space<vmem>>) dst(%dma_wait3A_163 : memref<10240x32xf32, #tpu.memory_space<vmem_shared>>)
    %dma_wait3A_164 = arith.constant 5 : i32
    %dma_wait3A_165 = arith.constant 157 : i32
    %dma_wait3A_166 = arith.constant 0 : i32
    %dma_wait3A_167 = arith.constant 0 : i32
    %dma_wait3A_168 = tpu.memref_slice %arg9[%dma_wait3A_164, %dma_wait3A_166, %dma_wait3A_167] : memref<8x128x32xf32, #tpu.memory_space<vmem>> -> memref<1x128x32xf32, #tpu.memory_space<vmem>>
    %dma_wait3A_169 = tpu.memref_squeeze %dma_wait3A_168 : memref<1x128x32xf32, #tpu.memory_space<vmem>> -> memref<128x32xf32, #tpu.memory_space<vmem>>
    %dma_wait3A_170 = arith.constant 0 : i32
    %dma_wait3A_171 = tpu.memref_slice %arg8[%dma_wait3A_165, %dma_wait3A_170] : memref<160x128xi32, #tpu.memory_space<vmem>> -> memref<1x128xi32, #tpu.memory_space<vmem>>
    %dma_wait3A_172 = tpu.memref_squeeze %dma_wait3A_171 : memref<1x128xi32, #tpu.memory_space<vmem>> -> memref<128xi32, #tpu.memory_space<vmem>>
    %dma_wait3A_173 = arith.constant 0 : i32
    %dma_wait3A_174 = arith.constant 0 : i32
    %dma_wait3A_175 = tpu.memref_slice %arg10[%dma_wait3A_173, %dma_wait3A_174] : memref<10240x32xf32, #tpu.memory_space<vmem_shared>> -> memref<10240x32xf32, #tpu.memory_space<vmem_shared>>
    tpu.wait_indirect_dma semaphore(%arg24 : memref<!tpu.dma_semaphore, #tpu.memory_space<semaphore_mem>>) src(%dma_wait3A_169 : memref<128x32xf32, #tpu.memory_space<vmem>>) dst(%dma_wait3A_175 : memref<10240x32xf32, #tpu.memory_space<vmem_shared>>)
    %dma_wait3A_176 = arith.constant 6 : i32
    %dma_wait3A_177 = arith.constant 158 : i32
    %dma_wait3A_178 = arith.constant 0 : i32
    %dma_wait3A_179 = arith.constant 0 : i32
    %dma_wait3A_180 = tpu.memref_slice %arg9[%dma_wait3A_176, %dma_wait3A_178, %dma_wait3A_179] : memref<8x128x32xf32, #tpu.memory_space<vmem>> -> memref<1x128x32xf32, #tpu.memory_space<vmem>>
    %dma_wait3A_181 = tpu.memref_squeeze %dma_wait3A_180 : memref<1x128x32xf32, #tpu.memory_space<vmem>> -> memref<128x32xf32, #tpu.memory_space<vmem>>
    %dma_wait3A_182 = arith.constant 0 : i32
    %dma_wait3A_183 = tpu.memref_slice %arg8[%dma_wait3A_177, %dma_wait3A_182] : memref<160x128xi32, #tpu.memory_space<vmem>> -> memref<1x128xi32, #tpu.memory_space<vmem>>
    %dma_wait3A_184 = tpu.memref_squeeze %dma_wait3A_183 : memref<1x128xi32, #tpu.memory_space<vmem>> -> memref<128xi32, #tpu.memory_space<vmem>>
    %dma_wait3A_185 = arith.constant 0 : i32
    %dma_wait3A_186 = arith.constant 0 : i32
    %dma_wait3A_187 = tpu.memref_slice %arg10[%dma_wait3A_185, %dma_wait3A_186] : memref<10240x32xf32, #tpu.memory_space<vmem_shared>> -> memref<10240x32xf32, #tpu.memory_space<vmem_shared>>
    tpu.wait_indirect_dma semaphore(%arg25 : memref<!tpu.dma_semaphore, #tpu.memory_space<semaphore_mem>>) src(%dma_wait3A_181 : memref<128x32xf32, #tpu.memory_space<vmem>>) dst(%dma_wait3A_187 : memref<10240x32xf32, #tpu.memory_space<vmem_shared>>)
    %dma_wait3A_188 = arith.constant 7 : i32
    %dma_wait3A_189 = arith.constant 159 : i32
    %dma_wait3A_190 = arith.constant 0 : i32
    %dma_wait3A_191 = arith.constant 0 : i32
    %dma_wait3A_192 = tpu.memref_slice %arg9[%dma_wait3A_188, %dma_wait3A_190, %dma_wait3A_191] : memref<8x128x32xf32, #tpu.memory_space<vmem>> -> memref<1x128x32xf32, #tpu.memory_space<vmem>>
    %dma_wait3A_193 = tpu.memref_squeeze %dma_wait3A_192 : memref<1x128x32xf32, #tpu.memory_space<vmem>> -> memref<128x32xf32, #tpu.memory_space<vmem>>
    %dma_wait3A_194 = arith.constant 0 : i32
    %dma_wait3A_195 = tpu.memref_slice %arg8[%dma_wait3A_189, %dma_wait3A_194] : memref<160x128xi32, #tpu.memory_space<vmem>> -> memref<1x128xi32, #tpu.memory_space<vmem>>
    %dma_wait3A_196 = tpu.memref_squeeze %dma_wait3A_195 : memref<1x128xi32, #tpu.memory_space<vmem>> -> memref<128xi32, #tpu.memory_space<vmem>>
    %dma_wait3A_197 = arith.constant 0 : i32
    %dma_wait3A_198 = arith.constant 0 : i32
    %dma_wait3A_199 = tpu.memref_slice %arg10[%dma_wait3A_197, %dma_wait3A_198] : memref<10240x32xf32, #tpu.memory_space<vmem_shared>> -> memref<10240x32xf32, #tpu.memory_space<vmem_shared>>
    tpu.wait_indirect_dma semaphore(%arg26 : memref<!tpu.dma_semaphore, #tpu.memory_space<semaphore_mem>>) src(%dma_wait3A_193 : memref<128x32xf32, #tpu.memory_space<vmem>>) dst(%dma_wait3A_199 : memref<10240x32xf32, #tpu.memory_space<vmem_shared>>)
    %barrier3A_200 = arith.constant 0 : index
    tpu.barrier barrier_id(%barrier3A_200)
    "tpu.region"() ({
      %run_scoped3A = tpu.sem_alloc : memref<!tpu.dma_semaphore, #tpu.memory_space<semaphore_mem>>
      %dma_start3A_201 = arith.constant 0 : i32
      %dma_start3A_202 = tpu.memref_slice %arg6[%arg0, %mul3A_0, %dma_start3A_201] : memref<2x10240x32xf32, #tpu.memory_space<hbm>> -> memref<1x640x32xf32, #tpu.memory_space<hbm>>
      %dma_start3A_203 = tpu.memref_squeeze %dma_start3A_202 : memref<1x640x32xf32, #tpu.memory_space<hbm>> -> memref<640x32xf32, #tpu.memory_space<hbm>>
      %dma_start3A_204 = arith.constant 0 : i32
      %dma_start3A_205 = tpu.memref_slice %arg10[%mul3A_0, %dma_start3A_204] : memref<10240x32xf32, #tpu.memory_space<vmem_shared>> -> memref<640x32xf32, #tpu.memory_space<vmem_shared>>
      tpu.enqueue_dma source(%dma_start3A_205 : memref<640x32xf32, #tpu.memory_space<vmem_shared>>) target(%dma_start3A_203 : memref<640x32xf32, #tpu.memory_space<hbm>>) target_semaphore(%run_scoped3A : memref<!tpu.dma_semaphore, #tpu.memory_space<semaphore_mem>>)
      %dma_wait3A_206 = arith.constant 0 : i32
      %dma_wait3A_207 = tpu.memref_slice %arg6[%arg0, %mul3A_0, %dma_wait3A_206] : memref<2x10240x32xf32, #tpu.memory_space<hbm>> -> memref<1x640x32xf32, #tpu.memory_space<hbm>>
      %dma_wait3A_208 = tpu.memref_squeeze %dma_wait3A_207 : memref<1x640x32xf32, #tpu.memory_space<hbm>> -> memref<640x32xf32, #tpu.memory_space<hbm>>
      %dma_wait3A_209 = arith.constant 0 : i32
      %dma_wait3A_210 = tpu.memref_slice %arg10[%mul3A_0, %dma_wait3A_209] : memref<10240x32xf32, #tpu.memory_space<vmem_shared>> -> memref<640x32xf32, #tpu.memory_space<vmem_shared>>
      tpu.wait_dma2 semaphore(%run_scoped3A : memref<!tpu.dma_semaphore, #tpu.memory_space<semaphore_mem>>) src(%dma_wait3A_210 : memref<640x32xf32, #tpu.memory_space<vmem_shared>>) dst(%dma_wait3A_208 : memref<640x32xf32, #tpu.memory_space<hbm>>)
      tpu.yield
    }) : () -> ()
    return
  }
}

module attributes {stable_mosaic.version = 14 : i64} {
  func.func @body(%arg0: i32, %arg1: memref<1024x128xf32, #tpu.memory_space<vmem>>, %arg2: memref<128x128xf32, #tpu.memory_space<vmem>>, %arg3: memref<2x1024x16xf32, #tpu.memory_space<vmem>>, %arg4: memref<1024x128xf32, #tpu.memory_space<vmem>>) attributes {dimension_semantics = [#tpu.dimension_semantics<arbitrary>], iteration_bounds = array<i64: 10>, scalar_prefetch = 0 : i64, scratch_operands = 0 : i64, tpu.core_type = #tpu.core_type<tc>, window_params = [{transform_indices = @transform_0, window_bounds = array<i64: 1024, 128>}, {pipeline_mode = #tpu.pipeline_mode<synchronous>, transform_indices = @transform_1, window_bounds = array<i64: 128, 128>}, {transform_indices = @transform_2, window_bounds = array<i64: 2, 1024, 16>}, {transform_indices = @transform_3, window_bounds = array<i64: 1024, 128>}]} {
    %get3A = arith.constant 0 : index
    %get3A_0 = arith.constant 0 : index
    %get3A_1 = arith.constant 0 : index
    %get3A_2 = vector.load %arg3[%get3A, %get3A_0, %get3A_1] : memref<2x1024x16xf32, #tpu.memory_space<vmem>>, vector<1x1024x1xf32>
    %get3A_3 = vector.shape_cast %get3A_2 : vector<1x1024x1xf32> to vector<1024xf32>
    %get3A_4 = arith.constant 1 : index
    %get3A_5 = arith.constant 0 : index
    %get3A_6 = arith.constant 0 : index
    %get3A_7 = vector.load %arg3[%get3A_4, %get3A_5, %get3A_6] : memref<2x1024x16xf32, #tpu.memory_space<vmem>>, vector<1x1024x1xf32>
    %get3A_8 = vector.shape_cast %get3A_7 : vector<1x1024x1xf32> to vector<1024xf32>
    %add3A = arith.addf %get3A_3, %get3A_8 : vector<1024xf32>
    %add3A_9 = arith.constant 1.000000e+00 : f32
    %add3A_10 = vector.broadcast %add3A_9 : f32 to vector<1024xf32>
    %add3A_11 = arith.addf %add3A, %add3A_10 : vector<1024xf32>
    %rsqrt3A = math.rsqrt %add3A_11 : vector<1024xf32>
    %get3A_12 = arith.constant 0 : index
    %get3A_13 = arith.constant 0 : index
    %get3A_14 = vector.load %arg1[%get3A_12, %get3A_13] : memref<1024x128xf32, #tpu.memory_space<vmem>>, vector<1024x128xf32>
    %get3A_15 = arith.constant 0 : index
    %get3A_16 = arith.constant 0 : index
    %get3A_17 = vector.load %arg2[%get3A_15, %get3A_16] : memref<128x128xf32, #tpu.memory_space<vmem>>, vector<128x128xf32>
    %dot_general3A = arith.constant dense<0.000000e+00> : vector<1024x128xf32>
    %dot_general3A_18 = tpu.matmul %get3A_14, %get3A_17, %dot_general3A {dimension_numbers = #tpu.dot_dimension_numbers<[1], [0], [0], [1], [0, 0, 1, 1], [], []>, transpose_lhs_hint = false} : vector<1024x128xf32>, vector<128x128xf32>, vector<1024x128xf32> -> vector<1024x128xf32>
    %broadcast_in_dim3A = vector.shape_cast %rsqrt3A : vector<1024xf32> to vector<1024x1xf32>
    %mul3A = vector.broadcast %broadcast_in_dim3A : vector<1024x1xf32> to vector<1024x128xf32>
    %mul3A_19 = arith.mulf %dot_general3A_18, %mul3A : vector<1024x128xf32>
    %swap3A = arith.constant 0 : index
    %swap3A_20 = arith.constant 0 : index
    %swap3A_21 = vector.load %arg4[%swap3A, %swap3A_20] : memref<1024x128xf32, #tpu.memory_space<vmem>>, vector<1024x128xf32>
    tpu.vector_store %arg4[%swap3A, %swap3A_20], %mul3A_19 {strides = array<i32>} : memref<1024x128xf32, #tpu.memory_space<vmem>>, vector<1024x128xf32>,
    return
  }
  func.func @transform_0(%arg0: i32) -> (i32, i32) {
    %c0_i32 = arith.constant 0 : i32
    %c0_i32_0 = arith.constant 0 : i32
    return %arg0, %c0_i32 : i32, i32
  }
  func.func @transform_1(%arg0: i32) -> (i32, i32) {
    %c0_i32 = arith.constant 0 : i32
    %c0_i32_0 = arith.constant 0 : i32
    %c0_i32_1 = arith.constant 0 : i32
    return %c0_i32, %c0_i32_0 : i32, i32
  }
  func.func @transform_2(%arg0: i32) -> (i32, i32, i32) {
    %c0_i32 = arith.constant 0 : i32
    %c0_i32_0 = arith.constant 0 : i32
    %c0_i32_1 = arith.constant 0 : i32
    return %c0_i32, %arg0, %c0_i32_0 : i32, i32, i32
  }
  func.func @transform_3(%arg0: i32) -> (i32, i32) {
    %c0_i32 = arith.constant 0 : i32
    %c0_i32_0 = arith.constant 0 : i32
    return %arg0, %c0_i32 : i32, i32
  }
}

module attributes {stable_mosaic.version = 14 : i64} {
  func.func @body(%arg0: i32, %arg1: memref<2x1024x64xf32, #tpu.memory_space<vmem>>, %arg2: memref<1024x128xf32, #tpu.memory_space<vmem>>, %arg3: memref<2x1024x16xf32, #tpu.memory_space<vmem>>, %arg4: memref<1x128xf32, #tpu.memory_space<vmem>>, %arg5: memref<128x64xf32, #tpu.memory_space<vmem>>, %arg6: memref<2x1024x32xf32, #tpu.memory_space<vmem>>) attributes {dimension_semantics = [#tpu.dimension_semantics<arbitrary>], iteration_bounds = array<i64: 10>, scalar_prefetch = 0 : i64, scratch_operands = 0 : i64, tpu.core_type = #tpu.core_type<tc>, window_params = [{transform_indices = @transform_0, window_bounds = array<i64: 2, 1024, 64>}, {transform_indices = @transform_1, window_bounds = array<i64: 1024, 128>}, {transform_indices = @transform_2, window_bounds = array<i64: 2, 1024, 16>}, {pipeline_mode = #tpu.pipeline_mode<synchronous>, transform_indices = @transform_3, window_bounds = array<i64: 1, 128>}, {pipeline_mode = #tpu.pipeline_mode<synchronous>, transform_indices = @transform_4, window_bounds = array<i64: 128, 64>}, {transform_indices = @transform_5, window_bounds = array<i64: 2, 1024, 32>}]} {
    %get3A = arith.constant 0 : index
    %get3A_0 = arith.constant 0 : index
    %get3A_1 = arith.constant 0 : index
    %get3A_2 = vector.load %arg3[%get3A, %get3A_0, %get3A_1] : memref<2x1024x16xf32, #tpu.memory_space<vmem>>, vector<1x1024x1xf32>
    %get3A_3 = vector.shape_cast %get3A_2 : vector<1x1024x1xf32> to vector<1024xf32>
    %get3A_4 = arith.constant 1 : index
    %get3A_5 = arith.constant 0 : index
    %get3A_6 = arith.constant 0 : index
    %get3A_7 = vector.load %arg3[%get3A_4, %get3A_5, %get3A_6] : memref<2x1024x16xf32, #tpu.memory_space<vmem>>, vector<1x1024x1xf32>
    %get3A_8 = vector.shape_cast %get3A_7 : vector<1x1024x1xf32> to vector<1024xf32>
    %add3A = arith.addf %get3A_3, %get3A_8 : vector<1024xf32>
    %add3A_9 = arith.constant 1.000000e+00 : f32
    %add3A_10 = vector.broadcast %add3A_9 : f32 to vector<1024xf32>
    %add3A_11 = arith.addf %add3A, %add3A_10 : vector<1024xf32>
    %rsqrt3A = math.rsqrt %add3A_11 : vector<1024xf32>
    %get3A_12 = arith.constant 0 : index
    %get3A_13 = arith.constant 0 : index
    %get3A_14 = arith.constant 0 : index
    %get3A_15 = vector.load %arg1[%get3A_12, %get3A_13, %get3A_14] : memref<2x1024x64xf32, #tpu.memory_space<vmem>>, vector<1x1024x64xf32>
    %get3A_16 = vector.shape_cast %get3A_15 : vector<1x1024x64xf32> to vector<1024x64xf32>
    %get3A_17 = arith.constant 1 : index
    %get3A_18 = arith.constant 0 : index
    %get3A_19 = arith.constant 0 : index
    %get3A_20 = vector.load %arg1[%get3A_17, %get3A_18, %get3A_19] : memref<2x1024x64xf32, #tpu.memory_space<vmem>>, vector<1x1024x64xf32>
    %get3A_21 = vector.shape_cast %get3A_20 : vector<1x1024x64xf32> to vector<1024x64xf32>
    %concatenate3A = tpu.concatenate %get3A_16, %get3A_21 in 1 : vector<1024x64xf32>, vector<1024x64xf32> -> vector<1024x128xf32>
    %get3A_22 = arith.constant 0 : index
    %get3A_23 = arith.constant 0 : index
    %get3A_24 = vector.load %arg2[%get3A_22, %get3A_23] : memref<1024x128xf32, #tpu.memory_space<vmem>>, vector<1024x128xf32>
    %add3A_25 = arith.addf %concatenate3A, %get3A_24 : vector<1024x128xf32>
    %broadcast_in_dim3A = vector.shape_cast %rsqrt3A : vector<1024xf32> to vector<1024x1xf32>
    %mul3A = vector.broadcast %broadcast_in_dim3A : vector<1024x1xf32> to vector<1024x128xf32>
    %mul3A_26 = arith.mulf %add3A_25, %mul3A : vector<1024x128xf32>
    %get3A_27 = arith.constant 0 : index
    %get3A_28 = arith.constant 0 : index
    %get3A_29 = vector.load %arg4[%get3A_27, %get3A_28] : memref<1x128xf32, #tpu.memory_space<vmem>>, vector<1x128xf32>
    %add3A_30 = vector.broadcast %get3A_29 : vector<1x128xf32> to vector<1024x128xf32>
    %add3A_31 = arith.addf %mul3A_26, %add3A_30 : vector<1024x128xf32>
    %max3A = arith.constant 0.000000e+00 : f32
    %max3A_32 = vector.broadcast %max3A : f32 to vector<1024x128xf32>
    %max3A_33 = arith.maximumf %add3A_31, %max3A_32 : vector<1024x128xf32>
    %get3A_34 = arith.constant 0 : index
    %get3A_35 = arith.constant 0 : index
    %get3A_36 = vector.load %arg5[%get3A_34, %get3A_35] : memref<128x64xf32, #tpu.memory_space<vmem>>, vector<128x64xf32>
    %dot_general3A = arith.constant dense<0.000000e+00> : vector<1024x64xf32>
    %dot_general3A_37 = tpu.matmul %max3A_33, %get3A_36, %dot_general3A {dimension_numbers = #tpu.dot_dimension_numbers<[1], [0], [0], [1], [0, 0, 1, 1], [], []>, transpose_lhs_hint = false} : vector<1024x128xf32>, vector<128x64xf32>, vector<1024x64xf32> -> vector<1024x64xf32>
    %broadcast_in_dim3A_38 = vector.shape_cast %rsqrt3A : vector<1024xf32> to vector<1024x1xf32>
    %mul3A_39 = vector.broadcast %broadcast_in_dim3A_38 : vector<1024x1xf32> to vector<1024x64xf32>
    %mul3A_40 = arith.mulf %dot_general3A_37, %mul3A_39 : vector<1024x64xf32>
    %mul3A_41 = arith.constant 1024 : i32
    %mul3A_42 = arith.muli %arg0, %mul3A_41 : i32
    %iota3A = tpu.iota {dimensions = array<i32: 0>} : vector<1024x64xi32>
    %add3A_43 = vector.broadcast %mul3A_42 : i32 to vector<1024x64xi32>
    %add3A_44 = arith.addi %add3A_43, %iota3A : vector<1024x64xi32>
    %lt3A = arith.constant 10000 : i32
    %lt3A_45 = vector.broadcast %lt3A : i32 to vector<1024x64xi32>
    %lt3A_46 = arith.cmpi slt, %add3A_44, %lt3A_45 : vector<1024x64xi32>
    %jit3A = arith.constant 0.000000e+00 : f32
    %broadcast_in_dim3A_47 = vector.broadcast %jit3A : f32 to vector<1024x64xf32>
    %select_n3A = arith.select %lt3A_46, %mul3A_40, %broadcast_in_dim3A_47 : vector<1024x64xi1>, vector<1024x64xf32>
    %slice3A = vector.extract_strided_slice %select_n3A {offsets = [0, 0], sizes = [1024, 32], strides = [1, 1]} : vector<1024x64xf32> to vector<1024x32xf32>
    %swap3A = arith.constant 0 : index
    %swap3A_48 = arith.constant 0 : index
    %swap3A_49 = arith.constant 0 : index
    %swap3A_50 = vector.load %arg6[%swap3A, %swap3A_48, %swap3A_49] : memref<2x1024x32xf32, #tpu.memory_space<vmem>>, vector<1x1024x32xf32>
    %swap3A_51 = vector.shape_cast %swap3A_50 : vector<1x1024x32xf32> to vector<1024x32xf32>
    %swap3A_52 = vector.shape_cast %slice3A : vector<1024x32xf32> to vector<1x1024x32xf32>
    tpu.vector_store %arg6[%swap3A, %swap3A_48, %swap3A_49], %swap3A_52 {strides = array<i32>} : memref<2x1024x32xf32, #tpu.memory_space<vmem>>, vector<1x1024x32xf32>,
    %slice3A_53 = vector.extract_strided_slice %select_n3A {offsets = [0, 32], sizes = [1024, 32], strides = [1, 1]} : vector<1024x64xf32> to vector<1024x32xf32>
    %swap3A_54 = arith.constant 1 : index
    %swap3A_55 = arith.constant 0 : index
    %swap3A_56 = arith.constant 0 : index
    %swap3A_57 = vector.load %arg6[%swap3A_54, %swap3A_55, %swap3A_56] : memref<2x1024x32xf32, #tpu.memory_space<vmem>>, vector<1x1024x32xf32>
    %swap3A_58 = vector.shape_cast %swap3A_57 : vector<1x1024x32xf32> to vector<1024x32xf32>
    %swap3A_59 = vector.shape_cast %slice3A_53 : vector<1024x32xf32> to vector<1x1024x32xf32>
    tpu.vector_store %arg6[%swap3A_54, %swap3A_55, %swap3A_56], %swap3A_59 {strides = array<i32>} : memref<2x1024x32xf32, #tpu.memory_space<vmem>>, vector<1x1024x32xf32>,
    return
  }
  func.func @transform_0(%arg0: i32) -> (i32, i32, i32) {
    %c0_i32 = arith.constant 0 : i32
    %c0_i32_0 = arith.constant 0 : i32
    %c0_i32_1 = arith.constant 0 : i32
    return %c0_i32, %arg0, %c0_i32_0 : i32, i32, i32
  }
  func.func @transform_1(%arg0: i32) -> (i32, i32) {
    %c0_i32 = arith.constant 0 : i32
    %c0_i32_0 = arith.constant 0 : i32
    return %arg0, %c0_i32 : i32, i32
  }
  func.func @transform_2(%arg0: i32) -> (i32, i32, i32) {
    %c0_i32 = arith.constant 0 : i32
    %c0_i32_0 = arith.constant 0 : i32
    %c0_i32_1 = arith.constant 0 : i32
    return %c0_i32, %arg0, %c0_i32_0 : i32, i32, i32
  }
  func.func @transform_3(%arg0: i32) -> (i32, i32) {
    %c0_i32 = arith.constant 0 : i32
    %c0_i32_0 = arith.constant 0 : i32
    %c0_i32_1 = arith.constant 0 : i32
    return %c0_i32, %c0_i32_0 : i32, i32
  }
  func.func @transform_4(%arg0: i32) -> (i32, i32) {
    %c0_i32 = arith.constant 0 : i32
    %c0_i32_0 = arith.constant 0 : i32
    %c0_i32_1 = arith.constant 0 : i32
    return %c0_i32, %c0_i32_0 : i32, i32
  }
  func.func @transform_5(%arg0: i32) -> (i32, i32, i32) {
    %c0_i32 = arith.constant 0 : i32
    %c0_i32_0 = arith.constant 0 : i32
    %c0_i32_1 = arith.constant 0 : i32
    return %c0_i32, %arg0, %c0_i32_0 : i32, i32, i32
  }
}

module attributes {stable_mosaic.version = 14 : i64} {
  func.func @body(%arg0: i32, %arg1: memref<2x1024x32xf32, #tpu.memory_space<vmem>>, %arg2: memref<2x1024x32xf32, #tpu.memory_space<vmem>>, %arg3: memref<2x1024x16xf32, #tpu.memory_space<vmem>>, %arg4: memref<1x64xf32, #tpu.memory_space<vmem>>, %arg5: memref<1024x64xf32, #tpu.memory_space<vmem>>) attributes {dimension_semantics = [#tpu.dimension_semantics<arbitrary>], iteration_bounds = array<i64: 10>, scalar_prefetch = 0 : i64, scratch_operands = 0 : i64, tpu.core_type = #tpu.core_type<tc>, window_params = [{transform_indices = @transform_0, window_bounds = array<i64: 2, 1024, 32>}, {transform_indices = @transform_1, window_bounds = array<i64: 2, 1024, 32>}, {transform_indices = @transform_2, window_bounds = array<i64: 2, 1024, 16>}, {pipeline_mode = #tpu.pipeline_mode<synchronous>, transform_indices = @transform_3, window_bounds = array<i64: 1, 64>}, {transform_indices = @transform_4, window_bounds = array<i64: 1024, 64>}]} {
    %get3A = arith.constant 0 : index
    %get3A_0 = arith.constant 0 : index
    %get3A_1 = arith.constant 0 : index
    %get3A_2 = vector.load %arg3[%get3A, %get3A_0, %get3A_1] : memref<2x1024x16xf32, #tpu.memory_space<vmem>>, vector<1x1024x1xf32>
    %get3A_3 = vector.shape_cast %get3A_2 : vector<1x1024x1xf32> to vector<1024xf32>
    %get3A_4 = arith.constant 1 : index
    %get3A_5 = arith.constant 0 : index
    %get3A_6 = arith.constant 0 : index
    %get3A_7 = vector.load %arg3[%get3A_4, %get3A_5, %get3A_6] : memref<2x1024x16xf32, #tpu.memory_space<vmem>>, vector<1x1024x1xf32>
    %get3A_8 = vector.shape_cast %get3A_7 : vector<1x1024x1xf32> to vector<1024xf32>
    %add3A = arith.addf %get3A_3, %get3A_8 : vector<1024xf32>
    %add3A_9 = arith.constant 1.000000e+00 : f32
    %add3A_10 = vector.broadcast %add3A_9 : f32 to vector<1024xf32>
    %add3A_11 = arith.addf %add3A, %add3A_10 : vector<1024xf32>
    %rsqrt3A = math.rsqrt %add3A_11 : vector<1024xf32>
    %get3A_12 = arith.constant 0 : index
    %get3A_13 = arith.constant 0 : index
    %get3A_14 = arith.constant 0 : index
    %get3A_15 = vector.load %arg1[%get3A_12, %get3A_13, %get3A_14] : memref<2x1024x32xf32, #tpu.memory_space<vmem>>, vector<1x1024x32xf32>
    %get3A_16 = vector.shape_cast %get3A_15 : vector<1x1024x32xf32> to vector<1024x32xf32>
    %get3A_17 = arith.constant 0 : index
    %get3A_18 = arith.constant 0 : index
    %get3A_19 = arith.constant 0 : index
    %get3A_20 = vector.load %arg2[%get3A_17, %get3A_18, %get3A_19] : memref<2x1024x32xf32, #tpu.memory_space<vmem>>, vector<1x1024x32xf32>
    %get3A_21 = vector.shape_cast %get3A_20 : vector<1x1024x32xf32> to vector<1024x32xf32>
    %add3A_22 = arith.addf %get3A_16, %get3A_21 : vector<1024x32xf32>
    %get3A_23 = arith.constant 1 : index
    %get3A_24 = arith.constant 0 : index
    %get3A_25 = arith.constant 0 : index
    %get3A_26 = vector.load %arg1[%get3A_23, %get3A_24, %get3A_25] : memref<2x1024x32xf32, #tpu.memory_space<vmem>>, vector<1x1024x32xf32>
    %get3A_27 = vector.shape_cast %get3A_26 : vector<1x1024x32xf32> to vector<1024x32xf32>
    %get3A_28 = arith.constant 1 : index
    %get3A_29 = arith.constant 0 : index
    %get3A_30 = arith.constant 0 : index
    %get3A_31 = vector.load %arg2[%get3A_28, %get3A_29, %get3A_30] : memref<2x1024x32xf32, #tpu.memory_space<vmem>>, vector<1x1024x32xf32>
    %get3A_32 = vector.shape_cast %get3A_31 : vector<1x1024x32xf32> to vector<1024x32xf32>
    %add3A_33 = arith.addf %get3A_27, %get3A_32 : vector<1024x32xf32>
    %concatenate3A = tpu.concatenate %add3A_22, %add3A_33 in 1 : vector<1024x32xf32>, vector<1024x32xf32> -> vector<1024x64xf32>
    %broadcast_in_dim3A = vector.shape_cast %rsqrt3A : vector<1024xf32> to vector<1024x1xf32>
    %mul3A = vector.broadcast %broadcast_in_dim3A : vector<1024x1xf32> to vector<1024x64xf32>
    %mul3A_34 = arith.mulf %concatenate3A, %mul3A : vector<1024x64xf32>
    %get3A_35 = arith.constant 0 : index
    %get3A_36 = arith.constant 0 : index
    %get3A_37 = vector.load %arg4[%get3A_35, %get3A_36] : memref<1x64xf32, #tpu.memory_space<vmem>>, vector<1x64xf32>
    %add3A_38 = vector.broadcast %get3A_37 : vector<1x64xf32> to vector<1024x64xf32>
    %add3A_39 = arith.addf %mul3A_34, %add3A_38 : vector<1024x64xf32>
    %reduce_max3A = arith.constant dense<0xFF800000> : vector<1024xf32>
    %reduce_max3A_40 = vector.multi_reduction <maximumf>, %add3A_39, %reduce_max3A [1] : vector<1024x64xf32> to vector<1024xf32>
    %broadcast_in_dim3A_41 = vector.shape_cast %reduce_max3A_40 : vector<1024xf32> to vector<1024x1xf32>
    %sub3A = vector.broadcast %broadcast_in_dim3A_41 : vector<1024x1xf32> to vector<1024x64xf32>
    %sub3A_42 = arith.subf %add3A_39, %sub3A : vector<1024x64xf32>
    %exp3A = math.exp %sub3A_42 : vector<1024x64xf32>
    %reduce_sum3A = arith.constant dense<0.000000e+00> : vector<1024xf32>
    %reduce_sum3A_43 = vector.multi_reduction <add>, %exp3A, %reduce_sum3A [1] : vector<1024x64xf32> to vector<1024xf32>
    %broadcast_in_dim3A_44 = vector.shape_cast %reduce_sum3A_43 : vector<1024xf32> to vector<1024x1xf32>
    %log3A = math.log %broadcast_in_dim3A_44 : vector<1024x1xf32>
    %sub3A_45 = vector.broadcast %log3A : vector<1024x1xf32> to vector<1024x64xf32>
    %sub3A_46 = arith.subf %sub3A_42, %sub3A_45 : vector<1024x64xf32>
    %swap3A = arith.constant 0 : index
    %swap3A_47 = arith.constant 0 : index
    %swap3A_48 = vector.load %arg5[%swap3A, %swap3A_47] : memref<1024x64xf32, #tpu.memory_space<vmem>>, vector<1024x64xf32>
    tpu.vector_store %arg5[%swap3A, %swap3A_47], %sub3A_46 {strides = array<i32>} : memref<1024x64xf32, #tpu.memory_space<vmem>>, vector<1024x64xf32>,
    return
  }
  func.func @transform_0(%arg0: i32) -> (i32, i32, i32) {
    %c0_i32 = arith.constant 0 : i32
    %c0_i32_0 = arith.constant 0 : i32
    %c0_i32_1 = arith.constant 0 : i32
    return %c0_i32, %arg0, %c0_i32_0 : i32, i32, i32
  }
  func.func @transform_1(%arg0: i32) -> (i32, i32, i32) {
    %c0_i32 = arith.constant 0 : i32
    %c0_i32_0 = arith.constant 0 : i32
    %c0_i32_1 = arith.constant 0 : i32
    return %c0_i32, %arg0, %c0_i32_0 : i32, i32, i32
  }
  func.func @transform_2(%arg0: i32) -> (i32, i32, i32) {
    %c0_i32 = arith.constant 0 : i32
    %c0_i32_0 = arith.constant 0 : i32
    %c0_i32_1 = arith.constant 0 : i32
    return %c0_i32, %arg0, %c0_i32_0 : i32, i32, i32
  }
  func.func @transform_3(%arg0: i32) -> (i32, i32) {
    %c0_i32 = arith.constant 0 : i32
    %c0_i32_0 = arith.constant 0 : i32
    %c0_i32_1 = arith.constant 0 : i32
    return %c0_i32, %c0_i32_0 : i32, i32
  }
  func.func @transform_4(%arg0: i32) -> (i32, i32) {
    %c0_i32 = arith.constant 0 : i32
    %c0_i32_0 = arith.constant 0 : i32
    return %arg0, %c0_i32 : i32, i32
  }
}

</mosaic_0001>

<sc_bundles>
// kernel: kernel.11.cloned.1.call-start
scs
__scs_entry_jumppad:
0x0: {  	(pc) =	sbr.rel $0x88, $3  }
0x1: {  	(tag) =	ssettag $0x0;
	lr =	simm.s32 $0x1  }
0x2: {  	[smem:$0x3F9B] =	sst lr;
	_ =	strace $0xD0000000  }
0x3: {  	_ = 	snop  }
0x4: {  	_ = 	snop  }
0x5: {  	_ = 	snop  }
0x6: {  	_ = 	snop  }
0x7: {  	_ = 	snop  }
__scs_overlays_trampoline_lowered:
0x8: {  	[smem:$0x3FAA] =	sst s0  }
0x9: {  	[smem:$0x3FAB] =	sst s1  }
0xa: {  	[smem:$0x3FAC] =	sst s2  }
0xb: {  	[smem:$0x3FAD] =	sst s3  }
0xc: {  	[smem:$0x3FAE] =	sst s4  }
0xd: {  	[smem:$0x3FAF] =	sst s5  }
0xe: {  	[smem:$0x3FB0] =	sst s6  }
0xf: {  	[smem:$0x3FB1] =	sst s7  }
0x10: {  	[smem:$0x3FB2] =	sst s8  }
0x11: {  	[smem:$0x3FB3] =	sst s9;
	s0 =	simm.s32 @!p0 $0x0  }
0x12: {  	s1 =	sld [smem:$0x3F99];
	s0 =	simm.s32 @p0 $0x1  }
0x13: {  	[smem:$0x3FB4] =	sst s0;
	s0 =	simm.s32 @!p1 $0x0  }
0x14: {  	s2 =	sld [smem:$0x3F98];
	s0 =	simm.s32 @p1 $0x1  }
0x15: {  	[smem:$0x3FB5] =	sst s0;
	s0 =	simm.s32 @!p2 $0x0  }
0x16: {  	s3 =	sld [smem:$0x3FDB];
	s0 =	simm.s32 @p2 $0x1  }
0x17: {  	s4 =	simm.s32 $0x1BF5;
	[smem:$0x3FB7] =	sst s0  }
0x18: {  	s0 =	sld [smem:$0x3F9A];
	_ =	swait.ge [sflag:s4], $0x0  }
0x19: {  	s7 =	sld [smem:$0x3F9B]  }
0x1a: {  	s8 =	sadd.s32 $0xFFFFE003, lr  }
0x1b: {  	s9 =	sadd.s32 $0xFFFFFEF7, lr;
	s5 =	simm.s32 $0xFFFFFFFF;
	p2 =	slt.u32 s8, $0xFFFFF086  }
0x1c: {  	p1 =	slt.u32 s9, $0xF7A;
	s5 =	simm.s32 @!p2 $0x0  }
0x1d: {  	s5 =	simm.s32 @p1 $0x1;
	p0 =	seq.s32 s7, s2  }
0x1e: {  	s7 =	smul.u32 @!p0 $0xF7A, s2;
	p2 =	seq.s32 @!p0 s5, $0x0  }
0x1f: {  	s9 =	smul.u32 $0xF7A, s1;
	s8 =	simm.s32 @!p0 $0x1BF5;
	p2 =	por !p2, p0  }
0x20: {  	[sflag:s8] =	ssyncset.s32 @!p0 $0xFFFFF086;
	s6 =	sadd.s32 @!p0 s3, s7;
	s7 =	simm.s32 @!p0 $0x108  }
0x21: {  	s3 =	sadd.s32 s3, s9;
	s6 =	sadd.s32 @!p0 $0x88, s6;
	s7 =	simm.s32 @p2 $0x1082  }
0x22: {  	[simem:s7], [sflag:s8] =	dma.local @!p0 [hbm:s6], $0xF7A  }
0x23: {  	s9 =	sor.u32 $0xD0000000, s2;
	s6 =	simm.s32 $0x108;
	_ =	swait.ge @!p0 [sflag:s8], $0x0  }
0x24: {  	s3 =	sadd.s32 $0x88, s3;
	s6 =	simm.s32 @!p1 $0x1082;
	[sflag:s4] =	ssyncset.s32 $0xFFFFF086  }
0x25: {  	[simem:s6], [sflag:s4] =	dma.local [hbm:s3], $0xF7A  }
0x26: {  	[smem:$0x3F9B] =	sst s1;
	(tag) =	ssettag s2;
	_ =	strace s9  }
0x27: {  	s1 =	sld [smem:$0x3FAB]  }
0x28: {  	s2 =	sld [smem:$0x3FAC]  }
0x29: {  	s4 =	sld [smem:$0x3FAE]  }
0x2a: {  	p0 =	seq.s32 s5, $0x0;
	s5 =	sld [smem:$0x3FAF]  }
0x2b: {  	s6 =	sld [smem:$0x3FB0]  }
0x2c: {  	s7 =	sld [smem:$0x3FB1]  }
0x2d: {  	s3 =	simm.s32 $0x108;
	s8 =	sld [smem:$0x3FB2]  }
0x2e: {  	s3 =	simm.s32 @!p0 $0x1082;
	s9 =	sld [smem:$0x3FB3]  }
0x2f: {  	lr =	sadd.s32 s0, s3;
	s0 =	sld [smem:$0x3FAA]  }
0x30: {  	s3 =	sld [smem:$0x3FAD]  }
0x31: {  	[smem:$0x3FB6] =	sst s10  }
0x32: {  	s10 =	sld [smem:$0x3FB4];
	_ =	sdelay $0x3  }
0x33: {  	p0 =	seq.s32 s10, $0x1;
	s10 =	sld [smem:$0x3FB6];
	_ =	sdelay $0x3  }
0x34: {  	[smem:$0x3FB6] =	sst s10  }
0x35: {  	s10 =	sld [smem:$0x3FB5];
	_ =	sdelay $0x3  }
0x36: {  	p1 =	seq.s32 s10, $0x1;
	s10 =	sld [smem:$0x3FB6];
	_ =	sdelay $0x3  }
0x37: {  	[smem:$0x3FB6] =	sst s10  }
0x38: {  	s10 =	sld [smem:$0x3FB7]  }
0x39: {  	_ = 	snop;
	(pc) =	sbr.ind lr, $3  }
0x3a: {  	_ = 	snop  }
0x3b: {  	_ = 	snop  }
0x3c: {  	p2 =	seq.s32 s10, $0x1;
	s10 =	sld [smem:$0x3FB6]  }
0x3d: {  	_ =	shalt  }
0x3e: {  	_ =	shalt  }
0x3f: {  	_ =	shalt  }
0x40: {  	_ =	shalt  }
0x41: {  	_ =	shalt  }
0x42: {  	_ =	shalt  }
0x43: {  	_ =	shalt  }
0x44: {  	_ =	shalt  }
0x45: {  	_ =	shalt  }
0x46: {  	_ =	shalt  }
0x47: {  	_ =	shalt  }
0x48: {  	_ =	shalt  }
0x49: {  	_ =	shalt  }
0x4a: {  	_ =	shalt  }
0x4b: {  	_ =	shalt  }
0x4c: {  	_ =	shalt  }
0x4d: {  	_ =	shalt  }
0x4e: {  	_ =	shalt  }
0x4f: {  	_ =	shalt  }
0x50: {  	_ =	shalt  }
0x51: {  	_ =	shalt  }
0x52: {  	_ =	shalt  }
0x53: {  	_ =	shalt  }
0x54: {  	_ =	shalt  }
0x55: {  	_ =	shalt  }
0x56: {  	_ =	shalt  }
0x57: {  	_ =	shalt  }
0x58: {  	_ =	shalt  }
0x59: {  	_ =	shalt  }
0x5a: {  	_ =	shalt  }
0x5b: {  	_ =	shalt  }
0x5c: {  	_ =	shalt  }
0x5d: {  	_ =	shalt  }
0x5e: {  	_ =	shalt  }
0x5f: {  	_ =	shalt  }
0x60: {  	_ =	shalt  }
0x61: {  	_ =	shalt  }
0x62: {  	_ =	shalt  }
0x63: {  	_ =	shalt  }
0x64: {  	_ =	shalt  }
0x65: {  	_ =	shalt  }
0x66: {  	_ =	shalt  }
0x67: {  	_ =	shalt  }
0x68: {  	_ =	shalt  }
0x69: {  	_ =	shalt  }
0x6a: {  	_ =	shalt  }
0x6b: {  	_ =	shalt  }
0x6c: {  	_ =	shalt  }
0x6d: {  	_ =	shalt  }
0x6e: {  	_ =	shalt  }
0x6f: {  	_ =	shalt  }
0x70: {  	_ =	shalt  }
0x71: {  	_ =	shalt  }
0x72: {  	_ =	shalt  }
0x73: {  	_ =	shalt  }
0x74: {  	_ =	shalt  }
0x75: {  	_ =	shalt  }
0x76: {  	_ =	shalt  }
0x77: {  	_ =	shalt  }
0x78: {  	_ =	shalt  }
0x79: {  	_ =	shalt  }
0x7a: {  	_ =	shalt  }
0x7b: {  	_ =	shalt  }
0x7c: {  	_ =	shalt  }
0x7d: {  	_ =	shalt  }
0x7e: {  	_ =	shalt  }
0x7f: {  	_ =	shalt  }
0x80: {  	_ =	shalt  }
0x81: {  	_ =	shalt  }
0x82: {  	_ =	shalt  }
0x83: {  	_ =	shalt  }
0x84: {  	_ =	shalt  }
0x85: {  	_ =	shalt  }
0x86: {  	_ =	shalt  }
0x87: {  	_ =	shalt  }
.Lfunc_end0:
.L_simem_size_0:
called_computation.1_lowered:
.L_overlay_start_0:
0x88: {  	s2 =	sld [smem:$0x3FD9]  }
0x89: {  	s3 =	sld [smem:$0x3FFE];
	_ =	sdelay $0x1  }
0x8a: {  	s1 =	srdreg.scid  }
0x8b: {  	s0 =	sand.u32 $0x1, s1  }
0x8c: {  	s17 =	sshll.u32 s0, $0xA;
	s2 =	sadd.s32 s3, s2  }
0x8d: {  	s2 =	sadd.s32 s2, s17  }
0x8e: {  	[smem:$0x3FC2] =	sst s2  }
0x8f: {  	_ = 	snop  }
0x90: {  	s2 =	sld [smem:$0x3FD0];
	(tm) =	ssettm $0x1  }
0x91: {  	s18 =	sld [smem:$0x3FFB];
	_ =	sdelay $0x3  }
0x92: {  	_ =	strace s18  }
0x93: {  	s3 =	sld [smem:$0x3FFC];
	_ =	sdelay $0x3  }
0x94: {  	_ =	strace s3  }
0x95: {  	s3 =	sld [smem:$0x3FFD];
	_ =	sdelay $0x3  }
0x96: {  	_ =	strace s3  }
0x97: {  	_ =	strace $0x8FFFFFFF  }
0x98: {  	s19 =	sld [smem:$0x3FDB];
	_ =	sdelay $0x1  }
0x99: {  	s4 =	simm.s32 $_scs_section_size  }
0x9a: {  	s5 =	simm.s32 $_size__tile_overlayer_lowered;
	s6 =	simm.s32 $_tile_overlayer_lowered  }
0x9b: {  	s22 =	simm.s32 $0x1BFF;
	s21 =	sshll.u32 s6, $0x1;
	s3 =	sadd.s32 s4, s19  }
0x9c: {  	s7 =	simm.s32 $0x0;
	s20 =	sshll.u32 s5, $0x1;
	s5 =	sadd.s32 s21, s3  }
0x9d: {  	[timem:s7], [sflag:s22] =	dma.local [hbm:s5], s20  }
0x9e: {  	_ =	swait.ge [sflag:s22], s20  }
0x9f: {  	s4 =	ssub.s32 $0x0, s20;
	[sflag:s22] =	ssyncset.done $0x0  }
0xa0: {  	[sflag:s22] =	ssyncadd.s32 s4;
	_ =	sdelay $0x1  }
0xa1: {  	s23 =	simm.s32 $0x1B8B  }
0xa2: {  	_ =	swait.ge [sflag:s23], $0x1  }
0xa3: {  	[sflag:s23] =	ssyncset.done $0x0  }
0xa4: {  	s25 =	simm.s32 $0x1B8E;
	s24 =	sld [smem:$0x3FFE];
	[sflag:s23] =	ssyncadd.s32 $0xFFFFFFFF  }
0xa5: {  	s26 =	simm.s32 $execute0_lowered;
	[smem:$0x3FD2] =	sst s25  }
0xa6: {  	s5 =	sshll.u32 s26, $0x1;
	_ =	strace $0x80000049;
	[dreg:$0x1] =	wrdreg $0xFFFFFFFF  }
0xa7: {  	s28 =	simm.s32 $_size_execute0_lowered;
	s3 =	sadd.s32 s3, s5;
	[dreg:$0x0] =	wrdreg $0x0  }
0xa8: {  	s5 =	sshll.u32 s28, $0x1;
	[dreg:$0x2] =	wrdreg s3  }
0xa9: {  	[dreg:$0x3] =	wrdreg s5  }
0xaa: {  	[dreg:$0x4] =	wrdreg $0xC0  }
0xab: {  	_ =	task [dreg:s7], $0x5FFFF  }
0xac: {  	[dreg:$0x1] =	wrdreg $0xFFFFFFFF  }
0xad: {  	[dreg:$0x0] =	wrdreg $0x60  }
0xae: {  	[dreg:$0x2] =	wrdreg s24  }
0xaf: {  	[dreg:$0x3] =	wrdreg s2  }
0xb0: {  	[dreg:$0x4] =	wrdreg $0x120000  }
0xb1: {  	[dreg:$0x5] =	wrdreg $0x9  }
0xb2: {  	_ =	task.clear_ibuf [dreg:s7], $0x6FFFF;
	_ =	strace $0x90000049  }
0xb3: {  	s29 =	simm.s32 $0x9;
	_ =	strace $0x8000004B  }
0xb4: {  	_ =	swait.ge [sflag:s29], $0x1  }
0xb5: {  	[sflag:s29] =	ssyncadd.s32 $0xFFFFFFFF  }
0xb6: {  	_ =	strace $0x9000004B  }
0xb7: {  	_ =	sfence  }
0xb8: {  	s30 =	sld [smem:$0x0];
	_ =	sdelay $0x2  }
0xb9: {  	s31 =	sshll.u32 s1, $0xD;
	s1 =	sshrl.u32 s1, $0x2  }
0xba: {  	s3 =	sand.u32 $0x4000, s31;
	s1 =	sadd.s32 s1, s30  }
0xbb: {  	s0 =	sor.u32 s3, s0;
	s1 =	sshll.u32 s1, $0x11  }
0xbc: {  	s0 =	sor.u32 s1, s0  }
0xbd: {  	s0 =	sadd.s32 $0x8F2B, s0  }
0xbe: {  	[sflag:s0] =	ssyncadd.remote.s32 $0x1  }
0xbf: {  	_ =	sfence.sel $0xFFFF  }
0xc0: {  	[dreg:$0x0] =	wrdreg $0xFFFFFFFF;
	(pc) =	sbr.abs _section_cstart, $3  }
0xc1: {  	[dreg:$0x1] =	wrdreg $0xFFFFFFFF  }
0xc2: {  	_ =	task.clear_ibuf [dreg:s7], $0x2FFFF;
	_ =	strace $0x9FFFFFFF  }
0xc3: {  	(tm) =	ssettm $0x7FFFFFFF  }
tec
execute0_lowered:
.L_overlay_start_1:
0x0: {  	(tag) =	ssettag $0x1  }
0x1: {  	s0 =	rddreg [dreg:$0x0]  }
0x2: {  	s1 =	srdreg.scid;
	s8 =	rddreg [dreg:$0x1]  }
0x3: {  	s12 =	stileid.u32;
	s2 =	rddreg [dreg:$0x2];
	s3 =	simm.s32 $0x0  }
0x4: {  	s14 =	simm.s32 $0x80;
	s15 =	simm.s32 $0xA000;
	s16 =	simm.s32 $0xC000  }
0x5: {  	s18 =	simm.s32 $0xE000;
	s20 =	simm.s32 $0x10000;
	s21 =	simm.s32 $0x1  }
0x6: {  	s22 =	simm.s32 $0x2;
	s23 =	simm.s32 $0x3;
	s24 =	simm.s32 $0x4  }
0x7: {  	s28 =	simm.s32 $0x7;
	s29 =	simm.s32 $0x8;
	s7 =	smul.u32 $0x5000, s12  }
0x8: {  	s31 =	simm.s32 $0x9E80;
	s1 =	sand.u32 $0x1, s1;
	s6 =	smul.u32 $0xA000, s12  }
0x9: {  	s13 =	simm.s32 $0x0;
	[smem:$0x7FF] =	sst s3;
	s4 =	smul.u32 $0x50000, s1  }
0xa: {  	s25 =	sshll.u32 s12, $0x6;
	s9 =	smul.u32 $0xA0000, s1;
	s1 =	ssub.s32 $0x2, s1  }
0xb: {  	s12 =	simm.s32 $0x9;
	_ =	strace $0x8000004A;
	s11 =	sshrl.u32 s1, $0x1  }
0xc: {  	s26 =	sadd.s32 s6, s2;
	s30 =	sshrl.u32 s7, $0x3;
	s5 =	sadd.s32 s7, s4  }
0xd: {  	s4 =	sadd.s32 $0x70E00, s0;
	s9 =	sadd.s32 s6, s9;
	s1 =	ssub.s32 s1, s11  }
0xe: {  	s6 =	sor.u32 $0x1C09, s25;
	s8 =	sadd.s32 s8, s30;
	s11 =	sshrl.u32 s26, $0x3  }
0xf: {  	s25 =	simm.s32 $0x5;
	s5 =	sshrl.u32 s5, $0x3;
	s9 =	sshrl.u32 s9, $0x3  }
0x10: {  	s10 =	sadd.s32 s5, s0;
	s5 =	sadd.s32 $0x2600, s0;
	s0 =	sadd.s32 s9, s0  }
0x11: {  	s26 =	simm.s32 $0x6;
	s7 =	sadd.s32 $0xCE00, s10;
	s9 =	sadd.s32 $0x98E00, s0  }
0x12: {  	s10 =	smax.u32 s1, $0x1;
	s1 =	simm.s32 $0x9F00;
	s0 =	simm.s32 $0x9F80  }
.LBB2_1:
0x13: {  	[spmem:s11], [sflag:s6] =	dma.local [hbm:s5], $0x1400  }
0x14: {  	_ =	swait.ge [sflag:s12], $0x1400  }
0x15: {  	[sflag:s12] =	ssyncset.done $0x0  }
0x16: {  	[sflag:s12] =	ssyncadd.s32 $0xFFFFEC00  }
0x17: {  	[tilespmem:s3], [sflag:$0x9] =	stream.linear.gather [hbm4b:s7+s3], $0x5000, $0x38;
	[tilespmem:$0x1C000] =	vst v63  }
0x18: {  	_ =	swait.ge [sflag:s12], $0x5000  }
0x19: {  	[sflag:s12] =	ssyncset.done $0x0  }
0x1a: {  	s17 =	simm.s32 $0x5000;
	[sflag:s12] =	ssyncadd.s32 $0xFFFFB000  }
0x1b: {  	[tilespmem:s17], [sflag:$0x9] =	stream.linear.gather [hbm4b:s8+s3], $0x5000, $0x38;
	[tilespmem:$0x1C000] =	vst v63  }
0x1c: {  	_ =	swait.ge [sflag:s12], $0x5000  }
0x1d: {  	[sflag:s12] =	ssyncset.done $0x0  }
0x1e: {  	[sflag:s12] =	ssyncadd.s32 $0xFFFFB000  }
0x1f: {  	[bflag:$0x0] =	sbarrier.arrive $0xFFFF  }
0x20: {  	[tilespmem:s15], [sflag:$0x1] =	stream.indirect.gather [hbm4b:s4+s14], $0x40, s3, s14, $0xb8;
	[tilespmem:$0x1C000] =	vst v63  }
0x21: {  	_ = 	snop  }
0x22: {  	[tilespmem:s16], [sflag:$0x2] =	stream.indirect.gather [hbm4b:s4+s14], $0x40, s14, s14, $0xb8;
	[tilespmem:$0x1C000] =	vst v63  }
0x23: {  	s30 =	simm.s32 $0x100  }
0x24: {  	[tilespmem:s18], [sflag:$0x3] =	stream.indirect.gather [hbm4b:s4+s14], $0x40, s30, s14, $0xb8;
	[tilespmem:$0x1C000] =	vst v63  }
0x25: {  	s19 =	simm.s32 $0x180  }
0x26: {  	[tilespmem:s20], [sflag:$0x4] =	stream.indirect.gather [hbm4b:s4+s14], $0x40, s19, s14, $0xb8;
	[tilespmem:$0x1C000] =	vst v63  }
0x27: {  	_ =	swait.ge [sflag:s21], $0x2000  }
0x28: {  	[sflag:s21] =	ssyncset.done $0x0  }
0x29: {  	s30 =	simm.s32 $0x5000;
	[sflag:s21] =	ssyncadd.s32 $0xFFFFE000  }
0x2a: {  	[spmem:s2] =	stream.indirect.scatter.add.f32 [tilespmem:s15], [sflag:$0x5], $0x40, s30, s14, $0xb8;
	[tilespmem:$0x1C000] =	vst v63  }
0x2b: {  	_ =	swait.ge [sflag:s22], $0x2000  }
0x2c: {  	[sflag:s22] =	ssyncset.done $0x0  }
0x2d: {  	s19 =	simm.s32 $0x5080;
	[sflag:s22] =	ssyncadd.s32 $0xFFFFE000  }
0x2e: {  	[spmem:s2] =	stream.indirect.scatter.add.f32 [tilespmem:s16], [sflag:$0x6], $0x40, s19, s14, $0xb8;
	[tilespmem:$0x1C000] =	vst v63  }
0x2f: {  	_ =	swait.ge [sflag:s23], $0x2000  }
0x30: {  	[sflag:s23] =	ssyncset.done $0x0  }
0x31: {  	s30 =	simm.s32 $0x5100;
	[sflag:s23] =	ssyncadd.s32 $0xFFFFE000  }
0x32: {  	[spmem:s2] =	stream.indirect.scatter.add.f32 [tilespmem:s18], [sflag:$0x7], $0x40, s30, s14, $0xb8;
	[tilespmem:$0x1C000] =	vst v63  }
0x33: {  	_ =	swait.ge [sflag:s24], $0x2000  }
0x34: {  	[sflag:s24] =	ssyncset.done $0x0  }
0x35: {  	s19 =	simm.s32 $0x5180;
	[sflag:s24] =	ssyncadd.s32 $0xFFFFE000  }
0x36: {  	[spmem:s2] =	stream.indirect.scatter.add.f32 [tilespmem:s20], [sflag:$0x8], $0x40, s19, s14, $0xb8;
	[tilespmem:$0x1C000] =	vst v63  }
0x37: {  	_ =	swait.ge [sflag:s25], $0x2000  }
0x38: {  	[sflag:s25] =	ssyncset.done $0x0  }
0x39: {  	s30 =	simm.s32 $0x200;
	[sflag:s25] =	ssyncadd.s32 $0xFFFFE000  }
0x3a: {  	[tilespmem:s15], [sflag:$0x1] =	stream.indirect.gather [hbm4b:s4+s14], $0x40, s30, s14, $0xb8;
	[tilespmem:$0x1C000] =	vst v63  }
0x3b: {  	_ =	swait.ge [sflag:s26], $0x2000  }
0x3c: {  	[sflag:s26] =	ssyncset.done $0x0  }
0x3d: {  	s19 =	simm.s32 $0x280;
	[sflag:s26] =	ssyncadd.s32 $0xFFFFE000  }
0x3e: {  	[tilespmem:s16], [sflag:$0x2] =	stream.indirect.gather [hbm4b:s4+s14], $0x40, s19, s14, $0xb8;
	[tilespmem:$0x1C000] =	vst v63  }
0x3f: {  	_ =	swait.ge [sflag:s28], $0x2000  }
0x40: {  	[sflag:s28] =	ssyncset.done $0x0  }
0x41: {  	s30 =	simm.s32 $0x300;
	[sflag:s28] =	ssyncadd.s32 $0xFFFFE000  }
0x42: {  	[tilespmem:s18], [sflag:$0x3] =	stream.indirect.gather [hbm4b:s4+s14], $0x40, s30, s14, $0xb8;
	[tilespmem:$0x1C000] =	vst v63  }
0x43: {  	_ =	swait.ge [sflag:s29], $0x2000  }
0x44: {  	[sflag:s29] =	ssyncset.done $0x0  }
0x45: {  	s17 =	simm.s32 $0x800;
	s19 =	simm.s32 $0x380;
	[sflag:s29] =	ssyncadd.s32 $0xFFFFE000  }
.LBB2_2:
0x46: {  	[tilespmem:s20], [sflag:$0x4] =	stream.indirect.gather [hbm4b:s4+s14], $0x40, s19, s14, $0xb8;
	[tilespmem:$0x1C000] =	vst v63  }
0x47: {  	s19 =	smov.u32 s17  }
0x48: {  	p0 =	sne.s32 s17, $0x13000;
	s17 =	sadd.s32 $0x800, s17;
	_ =	swait.ge [sflag:s21], $0x2000  }
0x49: {  	s19 =	sshra.s32 s19, $0x2;
	[sflag:s21] =	ssyncset.done $0x0  }
0x4a: {  	s30 =	sadd.s32 $0x5000, s19;
	[sflag:s21] =	ssyncadd.s32 $0xFFFFE000  }
0x4b: {  	[spmem:s2] =	stream.indirect.scatter.add.f32 [tilespmem:s15], [sflag:$0x5], $0x40, s30, s14, $0xb8;
	[tilespmem:$0x1C000] =	vst v63  }
0x4c: {  	_ =	swait.ge [sflag:s22], $0x2000  }
0x4d: {  	[sflag:s22] =	ssyncset.done $0x0  }
0x4e: {  	s30 =	sadd.s32 $0x5080, s19;
	[sflag:s22] =	ssyncadd.s32 $0xFFFFE000  }
0x4f: {  	[spmem:s2] =	stream.indirect.scatter.add.f32 [tilespmem:s16], [sflag:$0x6], $0x40, s30, s14, $0xb8;
	[tilespmem:$0x1C000] =	vst v63  }
0x50: {  	_ =	swait.ge [sflag:s23], $0x2000  }
0x51: {  	[sflag:s23] =	ssyncset.done $0x0  }
0x52: {  	s30 =	sadd.s32 $0x5100, s19;
	[sflag:s23] =	ssyncadd.s32 $0xFFFFE000  }
0x53: {  	[spmem:s2] =	stream.indirect.scatter.add.f32 [tilespmem:s18], [sflag:$0x7], $0x40, s30, s14, $0xb8;
	[tilespmem:$0x1C000] =	vst v63  }
0x54: {  	_ =	swait.ge [sflag:s24], $0x2000  }
0x55: {  	[sflag:s24] =	ssyncset.done $0x0  }
0x56: {  	s30 =	sadd.s32 $0x5180, s19;
	[sflag:s24] =	ssyncadd.s32 $0xFFFFE000  }
0x57: {  	[spmem:s2] =	stream.indirect.scatter.add.f32 [tilespmem:s20], [sflag:$0x8], $0x40, s30, s14, $0xb8;
	[tilespmem:$0x1C000] =	vst v63  }
0x58: {  	_ =	swait.ge [sflag:s25], $0x2000  }
0x59: {  	[sflag:s25] =	ssyncset.done $0x0  }
0x5a: {  	s30 =	sadd.s32 $0x200, s19;
	[sflag:s25] =	ssyncadd.s32 $0xFFFFE000  }
0x5b: {  	[tilespmem:s15], [sflag:$0x1] =	stream.indirect.gather [hbm4b:s4+s14], $0x40, s30, s14, $0xb8;
	[tilespmem:$0x1C000] =	vst v63  }
0x5c: {  	_ =	swait.ge [sflag:s26], $0x2000  }
0x5d: {  	[sflag:s26] =	ssyncset.done $0x0  }
0x5e: {  	s30 =	sadd.s32 $0x280, s19;
	[sflag:s26] =	ssyncadd.s32 $0xFFFFE000  }
0x5f: {  	[tilespmem:s16], [sflag:$0x2] =	stream.indirect.gather [hbm4b:s4+s14], $0x40, s30, s14, $0xb8;
	[tilespmem:$0x1C000] =	vst v63  }
0x60: {  	_ =	swait.ge [sflag:s28], $0x2000  }
0x61: {  	[sflag:s28] =	ssyncset.done $0x0  }
.Ltmp0:
0x62: {  	s30 =	sadd.s32 $0x300, s19;
	[sflag:s28] =	ssyncadd.s32 $0xFFFFE000;
	(pc) =	sbr.rel @p0 .LBB2_2-.Ltmp0, $4  }
0x63: {  	[tilespmem:s18], [sflag:$0x3] =	stream.indirect.gather [hbm4b:s4+s14], $0x40, s30, s14, $0xb8;
	[tilespmem:$0x1C000] =	vst v63  }
0x64: {  	_ =	swait.ge [sflag:s29], $0x2000  }
0x65: {  	[sflag:s29] =	ssyncset.done $0x0  }
0x66: {  	s19 =	sadd.s32 $0x380, s19;
	[sflag:s29] =	ssyncadd.s32 $0xFFFFE000  }
0x67: {  	[tilespmem:s20], [sflag:$0x4] =	stream.indirect.gather [hbm4b:s4+s14], $0x40, s19, s14, $0xb8;
	[tilespmem:$0x1C000] =	vst v63  }
0x68: {  	_ =	swait.ge [sflag:s21], $0x2000  }
0x69: {  	[sflag:s21] =	ssyncset.done $0x0  }
0x6a: {  	s17 =	simm.s32 $0x9E00;
	[sflag:s21] =	ssyncadd.s32 $0xFFFFE000  }
0x6b: {  	[spmem:s2] =	stream.indirect.scatter.add.f32 [tilespmem:s15], [sflag:$0x5], $0x40, s17, s14, $0xb8;
	[tilespmem:$0x1C000] =	vst v63  }
0x6c: {  	_ =	swait.ge [sflag:s22], $0x2000  }
0x6d: {  	[sflag:s22] =	ssyncset.done $0x0  }
0x6e: {  	[sflag:s22] =	ssyncadd.s32 $0xFFFFE000  }
0x6f: {  	[spmem:s2] =	stream.indirect.scatter.add.f32 [tilespmem:s16], [sflag:$0x6], $0x40, s31, s14, $0xb8;
	[tilespmem:$0x1C000] =	vst v63  }
0x70: {  	_ =	swait.ge [sflag:s23], $0x2000  }
0x71: {  	[sflag:s23] =	ssyncset.done $0x0  }
0x72: {  	[sflag:s23] =	ssyncadd.s32 $0xFFFFE000  }
0x73: {  	[spmem:s2] =	stream.indirect.scatter.add.f32 [tilespmem:s18], [sflag:$0x7], $0x40, s1, s14, $0xb8;
	[tilespmem:$0x1C000] =	vst v63  }
0x74: {  	_ =	swait.ge [sflag:s24], $0x2000  }
0x75: {  	[sflag:s24] =	ssyncset.done $0x0  }
0x76: {  	[sflag:s24] =	ssyncadd.s32 $0xFFFFE000  }
0x77: {  	[spmem:s2] =	stream.indirect.scatter.add.f32 [tilespmem:s20], [sflag:$0x8], $0x40, s0, s14, $0xb8;
	[tilespmem:$0x1C000] =	vst v63  }
0x78: {  	_ =	swait.ge [sflag:s25], $0x2000  }
0x79: {  	[sflag:s25] =	ssyncset.done $0x0  }
0x7a: {  	[sflag:s25] =	ssyncadd.s32 $0xFFFFE000  }
0x7b: {  	_ =	swait.ge [sflag:s26], $0x2000  }
0x7c: {  	[sflag:s26] =	ssyncset.done $0x0  }
0x7d: {  	[sflag:s26] =	ssyncadd.s32 $0xFFFFE000  }
0x7e: {  	_ =	swait.ge [sflag:s28], $0x2000  }
0x7f: {  	[sflag:s28] =	ssyncset.done $0x0  }
0x80: {  	[sflag:s28] =	ssyncadd.s32 $0xFFFFE000  }
0x81: {  	_ =	swait.ge [sflag:s29], $0x2000  }
0x82: {  	s13 =	sadd.s32 $0x1, s13;
	[sflag:s29] =	ssyncset.done $0x0  }
0x83: {  	p0 =	sne.s32 s13, s10;
	[sflag:s29] =	ssyncadd.s32 $0xFFFFE000  }
.Ltmp1:
0x84: {  	[bflag:$0x0] =	sbarrier.arrive $0xFFFF;
	(pc) =	sbr.rel @p0 .LBB2_1-.Ltmp1, $4  }
0x85: {  	[hbm:s9], [sflag:s6] =	dma.local [spmem:s11], $0x1400  }
0x86: {  	_ =	swait.ge [sflag:s12], $0x1400  }
0x87: {  	[sflag:s12] =	ssyncset.done $0x0  }
0x88: {  	[sflag:s12] =	ssyncadd.s32 $0xFFFFEC00  }
0x89: {  	_ =	sfence.sel $0x180000  }
0x8a: {  	[bflag:$0x0] =	sbarrier.arrive $0xFFFF  }
0x8b: {  	_ =	strace $0x9000004A  }
0x8c: {  	s0 =	stileid.u32;
	[bflag:$0x2] =	sbarrier.arrive $0xFFFF  }
0x8d: {  	p0 =	sne.s32 s0, $0x0;
	s0 =	rddreg [dreg:$0x3]  }
0x8e: {  	s0 =	sadd.s32 @!p0 $0x100000, s0  }
0x8f: {  	[sflag:s0] =	ssyncadd.tile.s32 @!p0 $0x1;
	_ =	shalt  }
.Lfunc_end2:
_tile_overlayer_lowered:
.L_overlay_start_2:
0x90: {  	(tag) =	ssettag $0x2  }
0x91: {  	s0 =	rddreg [dreg:$0x0];
	s2 =	stileid.u32  }
0x92: {  	s1 =	rddreg [dreg:$0x1];
	p0 =	sne.s32 s2, $0x0  }
0x93: {  	s3 =	rddreg [dreg:$0x2];
	[bflag:$0x3] =	sbarrier.arrive $0xFFFF;
	s2 =	simm.s32 @!p0 $0x1C09  }
0x94: {  	[timem:s3], [sflag:s2] =	dma.local @!p0 [hbm:s0], s1  }
0x95: {  	s0 =	simm.s32 @!p0 $0x9  }
0x96: {  	_ =	swait.ge @!p0 [sflag:s0], s1  }
0x97: {  	s1 =	ssub.s32 @!p0 $0x0, s1;
	[sflag:s0] =	ssyncset.done @!p0 $0x0  }
0x98: {  	[sflag:s0] =	ssyncadd.s32 @!p0 s1  }
0x99: {  	[bflag:$0x3] =	sbarrier.arrive $0xFFFF  }
0x9a: {  	_ =	shalt  }

// kernel: kernel.14.cloned.1.call-start
scs
__scs_entry_jumppad:
0x0: {  	(pc) =	sbr.rel $0x88, $3  }
0x1: {  	(tag) =	ssettag $0x0;
	lr =	simm.s32 $0x1  }
0x2: {  	[smem:$0x3F9B] =	sst lr;
	_ =	strace $0xD0000000  }
0x3: {  	_ = 	snop  }
0x4: {  	_ = 	snop  }
0x5: {  	_ = 	snop  }
0x6: {  	_ = 	snop  }
0x7: {  	_ = 	snop  }
__scs_overlays_trampoline_lowered:
0x8: {  	[smem:$0x3FAA] =	sst s0  }
0x9: {  	[smem:$0x3FAB] =	sst s1  }
0xa: {  	[smem:$0x3FAC] =	sst s2  }
0xb: {  	[smem:$0x3FAD] =	sst s3  }
0xc: {  	[smem:$0x3FAE] =	sst s4  }
0xd: {  	[smem:$0x3FAF] =	sst s5  }
0xe: {  	[smem:$0x3FB0] =	sst s6  }
0xf: {  	[smem:$0x3FB1] =	sst s7  }
0x10: {  	[smem:$0x3FB2] =	sst s8  }
0x11: {  	[smem:$0x3FB3] =	sst s9;
	s0 =	simm.s32 @!p0 $0x0  }
0x12: {  	s1 =	sld [smem:$0x3F99];
	s0 =	simm.s32 @p0 $0x1  }
0x13: {  	[smem:$0x3FB4] =	sst s0;
	s0 =	simm.s32 @!p1 $0x0  }
0x14: {  	s2 =	sld [smem:$0x3F98];
	s0 =	simm.s32 @p1 $0x1  }
0x15: {  	[smem:$0x3FB5] =	sst s0;
	s0 =	simm.s32 @!p2 $0x0  }
0x16: {  	s3 =	sld [smem:$0x3FDB];
	s0 =	simm.s32 @p2 $0x1  }
0x17: {  	s4 =	simm.s32 $0x1BF5;
	[smem:$0x3FB7] =	sst s0  }
0x18: {  	s0 =	sld [smem:$0x3F9A];
	_ =	swait.ge [sflag:s4], $0x0  }
0x19: {  	s7 =	sld [smem:$0x3F9B]  }
0x1a: {  	s8 =	sadd.s32 $0xFFFFE003, lr  }
0x1b: {  	s9 =	sadd.s32 $0xFFFFFEF7, lr;
	s5 =	simm.s32 $0xFFFFFFFF;
	p2 =	slt.u32 s8, $0xFFFFF086  }
0x1c: {  	p1 =	slt.u32 s9, $0xF7A;
	s5 =	simm.s32 @!p2 $0x0  }
0x1d: {  	s5 =	simm.s32 @p1 $0x1;
	p0 =	seq.s32 s7, s2  }
0x1e: {  	s7 =	smul.u32 @!p0 $0xF7A, s2;
	p2 =	seq.s32 @!p0 s5, $0x0  }
0x1f: {  	s9 =	smul.u32 $0xF7A, s1;
	s8 =	simm.s32 @!p0 $0x1BF5;
	p2 =	por !p2, p0  }
0x20: {  	[sflag:s8] =	ssyncset.s32 @!p0 $0xFFFFF086;
	s6 =	sadd.s32 @!p0 s3, s7;
	s7 =	simm.s32 @!p0 $0x108  }
0x21: {  	s3 =	sadd.s32 s3, s9;
	s6 =	sadd.s32 @!p0 $0x88, s6;
	s7 =	simm.s32 @p2 $0x1082  }
0x22: {  	[simem:s7], [sflag:s8] =	dma.local @!p0 [hbm:s6], $0xF7A  }
0x23: {  	s9 =	sor.u32 $0xD0000000, s2;
	s6 =	simm.s32 $0x108;
	_ =	swait.ge @!p0 [sflag:s8], $0x0  }
0x24: {  	s3 =	sadd.s32 $0x88, s3;
	s6 =	simm.s32 @!p1 $0x1082;
	[sflag:s4] =	ssyncset.s32 $0xFFFFF086  }
0x25: {  	[simem:s6], [sflag:s4] =	dma.local [hbm:s3], $0xF7A  }
0x26: {  	[smem:$0x3F9B] =	sst s1;
	(tag) =	ssettag s2;
	_ =	strace s9  }
0x27: {  	s1 =	sld [smem:$0x3FAB]  }
0x28: {  	s2 =	sld [smem:$0x3FAC]  }
0x29: {  	s4 =	sld [smem:$0x3FAE]  }
0x2a: {  	p0 =	seq.s32 s5, $0x0;
	s5 =	sld [smem:$0x3FAF]  }
0x2b: {  	s6 =	sld [smem:$0x3FB0]  }
0x2c: {  	s7 =	sld [smem:$0x3FB1]  }
0x2d: {  	s3 =	simm.s32 $0x108;
	s8 =	sld [smem:$0x3FB2]  }
0x2e: {  	s3 =	simm.s32 @!p0 $0x1082;
	s9 =	sld [smem:$0x3FB3]  }
0x2f: {  	lr =	sadd.s32 s0, s3;
	s0 =	sld [smem:$0x3FAA]  }
0x30: {  	s3 =	sld [smem:$0x3FAD]  }
0x31: {  	[smem:$0x3FB6] =	sst s10  }
0x32: {  	s10 =	sld [smem:$0x3FB4];
	_ =	sdelay $0x3  }
0x33: {  	p0 =	seq.s32 s10, $0x1;
	s10 =	sld [smem:$0x3FB6];
	_ =	sdelay $0x3  }
0x34: {  	[smem:$0x3FB6] =	sst s10  }
0x35: {  	s10 =	sld [smem:$0x3FB5];
	_ =	sdelay $0x3  }
0x36: {  	p1 =	seq.s32 s10, $0x1;
	s10 =	sld [smem:$0x3FB6];
	_ =	sdelay $0x3  }
0x37: {  	[smem:$0x3FB6] =	sst s10  }
0x38: {  	s10 =	sld [smem:$0x3FB7]  }
0x39: {  	_ = 	snop;
	(pc) =	sbr.ind lr, $3  }
0x3a: {  	_ = 	snop  }
0x3b: {  	_ = 	snop  }
0x3c: {  	p2 =	seq.s32 s10, $0x1;
	s10 =	sld [smem:$0x3FB6]  }
0x3d: {  	_ =	shalt  }
0x3e: {  	_ =	shalt  }
0x3f: {  	_ =	shalt  }
0x40: {  	_ =	shalt  }
0x41: {  	_ =	shalt  }
0x42: {  	_ =	shalt  }
0x43: {  	_ =	shalt  }
0x44: {  	_ =	shalt  }
0x45: {  	_ =	shalt  }
0x46: {  	_ =	shalt  }
0x47: {  	_ =	shalt  }
0x48: {  	_ =	shalt  }
0x49: {  	_ =	shalt  }
0x4a: {  	_ =	shalt  }
0x4b: {  	_ =	shalt  }
0x4c: {  	_ =	shalt  }
0x4d: {  	_ =	shalt  }
0x4e: {  	_ =	shalt  }
0x4f: {  	_ =	shalt  }
0x50: {  	_ =	shalt  }
0x51: {  	_ =	shalt  }
0x52: {  	_ =	shalt  }
0x53: {  	_ =	shalt  }
0x54: {  	_ =	shalt  }
0x55: {  	_ =	shalt  }
0x56: {  	_ =	shalt  }
0x57: {  	_ =	shalt  }
0x58: {  	_ =	shalt  }
0x59: {  	_ =	shalt  }
0x5a: {  	_ =	shalt  }
0x5b: {  	_ =	shalt  }
0x5c: {  	_ =	shalt  }
0x5d: {  	_ =	shalt  }
0x5e: {  	_ =	shalt  }
0x5f: {  	_ =	shalt  }
0x60: {  	_ =	shalt  }
0x61: {  	_ =	shalt  }
0x62: {  	_ =	shalt  }
0x63: {  	_ =	shalt  }
0x64: {  	_ =	shalt  }
0x65: {  	_ =	shalt  }
0x66: {  	_ =	shalt  }
0x67: {  	_ =	shalt  }
0x68: {  	_ =	shalt  }
0x69: {  	_ =	shalt  }
0x6a: {  	_ =	shalt  }
0x6b: {  	_ =	shalt  }
0x6c: {  	_ =	shalt  }
0x6d: {  	_ =	shalt  }
0x6e: {  	_ =	shalt  }
0x6f: {  	_ =	shalt  }
0x70: {  	_ =	shalt  }
0x71: {  	_ =	shalt  }
0x72: {  	_ =	shalt  }
0x73: {  	_ =	shalt  }
0x74: {  	_ =	shalt  }
0x75: {  	_ =	shalt  }
0x76: {  	_ =	shalt  }
0x77: {  	_ =	shalt  }
0x78: {  	_ =	shalt  }
0x79: {  	_ =	shalt  }
0x7a: {  	_ =	shalt  }
0x7b: {  	_ =	shalt  }
0x7c: {  	_ =	shalt  }
0x7d: {  	_ =	shalt  }
0x7e: {  	_ =	shalt  }
0x7f: {  	_ =	shalt  }
0x80: {  	_ =	shalt  }
0x81: {  	_ =	shalt  }
0x82: {  	_ =	shalt  }
0x83: {  	_ =	shalt  }
0x84: {  	_ =	shalt  }
0x85: {  	_ =	shalt  }
0x86: {  	_ =	shalt  }
0x87: {  	_ =	shalt  }
.Lfunc_end0:
.L_simem_size_0:
called_computation.2_lowered:
.L_overlay_start_0:
0x88: {  	s2 =	sld [smem:$0x3FD9]  }
0x89: {  	s3 =	sld [smem:$0x3FFE];
	_ =	sdelay $0x1  }
0x8a: {  	s1 =	srdreg.scid  }
0x8b: {  	s0 =	sand.u32 $0x1, s1  }
0x8c: {  	s17 =	sshll.u32 s0, $0xA;
	s2 =	sadd.s32 s3, s2  }
0x8d: {  	s2 =	sadd.s32 s2, s17  }
0x8e: {  	[smem:$0x3FC2] =	sst s2  }
0x8f: {  	_ = 	snop  }
0x90: {  	s2 =	sld [smem:$0x3FD0];
	(tm) =	ssettm $0x1  }
0x91: {  	s18 =	sld [smem:$0x3FFB];
	_ =	sdelay $0x3  }
0x92: {  	_ =	strace s18  }
0x93: {  	s3 =	sld [smem:$0x3FFC];
	_ =	sdelay $0x3  }
0x94: {  	_ =	strace s3  }
0x95: {  	s3 =	sld [smem:$0x3FFD];
	_ =	sdelay $0x3  }
0x96: {  	_ =	strace s3  }
0x97: {  	_ =	strace $0x8FFFFFFF  }
0x98: {  	s19 =	sld [smem:$0x3FDB];
	_ =	sdelay $0x1  }
0x99: {  	s4 =	simm.s32 $_scs_section_size  }
0x9a: {  	s5 =	simm.s32 $_size__tile_overlayer_lowered;
	s6 =	simm.s32 $_tile_overlayer_lowered  }
0x9b: {  	s22 =	simm.s32 $0x1BFF;
	s21 =	sshll.u32 s6, $0x1;
	s3 =	sadd.s32 s4, s19  }
0x9c: {  	s7 =	simm.s32 $0x0;
	s20 =	sshll.u32 s5, $0x1;
	s5 =	sadd.s32 s21, s3  }
0x9d: {  	[timem:s7], [sflag:s22] =	dma.local [hbm:s5], s20  }
0x9e: {  	_ =	swait.ge [sflag:s22], s20  }
0x9f: {  	s4 =	ssub.s32 $0x0, s20;
	[sflag:s22] =	ssyncset.done $0x0  }
0xa0: {  	[sflag:s22] =	ssyncadd.s32 s4;
	_ =	sdelay $0x1  }
0xa1: {  	s23 =	simm.s32 $0x1B8B  }
0xa2: {  	_ =	swait.ge [sflag:s23], $0x1  }
0xa3: {  	[sflag:s23] =	ssyncset.done $0x0  }
0xa4: {  	s25 =	simm.s32 $0x1B8E;
	s24 =	sld [smem:$0x3FFE];
	[sflag:s23] =	ssyncadd.s32 $0xFFFFFFFF  }
0xa5: {  	s26 =	simm.s32 $execute0_lowered;
	[smem:$0x3FD2] =	sst s25  }
0xa6: {  	s5 =	sshll.u32 s26, $0x1;
	_ =	strace $0x8000004C;
	[dreg:$0x1] =	wrdreg $0xFFFFFFFF  }
0xa7: {  	s28 =	simm.s32 $_size_execute0_lowered;
	s3 =	sadd.s32 s3, s5;
	[dreg:$0x0] =	wrdreg $0x0  }
0xa8: {  	s5 =	sshll.u32 s28, $0x1;
	[dreg:$0x2] =	wrdreg s3  }
0xa9: {  	[dreg:$0x3] =	wrdreg s5  }
0xaa: {  	[dreg:$0x4] =	wrdreg $0xC0  }
0xab: {  	_ =	task [dreg:s7], $0x5FFFF  }
0xac: {  	[dreg:$0x1] =	wrdreg $0xFFFFFFFF  }
0xad: {  	[dreg:$0x0] =	wrdreg $0x60  }
0xae: {  	[dreg:$0x2] =	wrdreg s24  }
0xaf: {  	[dreg:$0x3] =	wrdreg s2  }
0xb0: {  	[dreg:$0x4] =	wrdreg $0x120000  }
0xb1: {  	[dreg:$0x5] =	wrdreg $0x9  }
0xb2: {  	_ =	task.clear_ibuf [dreg:s7], $0x6FFFF;
	_ =	strace $0x9000004C  }
0xb3: {  	s29 =	simm.s32 $0x9;
	_ =	strace $0x8000004E  }
0xb4: {  	_ =	swait.ge [sflag:s29], $0x1  }
0xb5: {  	[sflag:s29] =	ssyncadd.s32 $0xFFFFFFFF  }
0xb6: {  	_ =	strace $0x9000004E  }
0xb7: {  	_ =	sfence  }
0xb8: {  	s30 =	sld [smem:$0x0];
	_ =	sdelay $0x2  }
0xb9: {  	s31 =	sshll.u32 s1, $0xD;
	s1 =	sshrl.u32 s1, $0x2  }
0xba: {  	s3 =	sand.u32 $0x4000, s31;
	s1 =	sadd.s32 s1, s30  }
0xbb: {  	s0 =	sor.u32 s3, s0;
	s1 =	sshll.u32 s1, $0x11  }
0xbc: {  	s0 =	sor.u32 s1, s0  }
0xbd: {  	s0 =	sadd.s32 $0x8F2B, s0  }
0xbe: {  	[sflag:s0] =	ssyncadd.remote.s32 $0x1  }
0xbf: {  	_ =	sfence.sel $0xFFFF  }
0xc0: {  	[dreg:$0x0] =	wrdreg $0xFFFFFFFF;
	(pc) =	sbr.abs _section_cstart, $3  }
0xc1: {  	[dreg:$0x1] =	wrdreg $0xFFFFFFFF  }
0xc2: {  	_ =	task.clear_ibuf [dreg:s7], $0x2FFFF;
	_ =	strace $0x9FFFFFFF  }
0xc3: {  	(tm) =	ssettm $0x7FFFFFFF  }
tec
execute0_lowered:
.L_overlay_start_1:
0x0: {  	(tag) =	ssettag $0x1  }
0x1: {  	s0 =	rddreg [dreg:$0x0]  }
0x2: {  	s1 =	rddreg [dreg:$0x1];
	s3 =	srdreg.scid  }
0x3: {  	s8 =	stileid.u32;
	s2 =	rddreg [dreg:$0x2]  }
0x4: {  	s6 =	simm.s32 $0x0;
	s14 =	simm.s32 $0x80;
	s15 =	simm.s32 $0xA000  }
0x5: {  	s16 =	simm.s32 $0xB000;
	s18 =	simm.s32 $0xC000;
	s20 =	simm.s32 $0xD000  }
0x6: {  	s22 =	simm.s32 $0xE000;
	s29 =	simm.s32 $0x11000;
	s30 =	simm.s32 $0x1  }
0x7: {  	s31 =	simm.s32 $0x2;
	s13 =	simm.s32 $0x5;
	s17 =	simm.s32 $0x6  }
0x8: {  	s19 =	simm.s32 $0x7;
	s21 =	simm.s32 $0x8;
	s28 =	simm.s32 $0xB  }
0x9: {  	s10 =	simm.s32 $0x10;
	s3 =	sand.u32 $0x1, s3;
	s5 =	smul.u32 $0x5000, s8  }
0xa: {  	[smem:$0x7FF] =	sst s6;
	s9 =	sadd.s32 $0x16600, s0;
	s25 =	sshll.u32 s8, $0x6  }
0xb: {  	s8 =	simm.s32 $0xE;
	s4 =	smul.u32 $0x50000, s3;
	_ =	strace $0x8000004D  }
0xc: {  	s3 =	ssub.s32 $0x2, s3;
	[dreg:$0x4] =	wrdreg s9;
	s11 =	sor.u32 $0x1C11, s25  }
0xd: {  	s25 =	simm.s32 $0xA;
	s9 =	simm.s32 $0xF;
	s7 =	sshrl.u32 s3, $0x1  }
0xe: {  	s24 =	sadd.s32 s5, s2;
	[dreg:$0x5] =	wrdreg s11;
	s23 =	sadd.s32 s5, s4  }
0xf: {  	s4 =	sadd.s32 $0x2600, s0;
	s3 =	ssub.s32 s3, s7;
	s5 =	sshrl.u32 s5, $0x3  }
0x10: {  	s12 =	sshrl.u32 s24, $0x3;
	s24 =	simm.s32 $0xF000;
	s7 =	simm.s32 $0xD  }
0x11: {  	s6 =	sshrl.u32 s23, $0x3;
	s1 =	sadd.s32 s1, s5;
	[dreg:$0xa] =	wrdreg s12  }
0x12: {  	s5 =	smax.u32 s3, $0x1;
	s23 =	simm.s32 $0x9;
	[dreg:$0x7] =	wrdreg s1  }
0x13: {  	s0 =	sadd.s32 s6, s0;
	[dreg:$0x9] =	wrdreg s5;
	s6 =	simm.s32 $0x0  }
0x14: {  	s1 =	simm.s32 $0x3;
	s26 =	sadd.s32 $0xC0E00, s0;
	[dreg:$0xb] =	wrdreg s6  }
0x15: {  	s5 =	simm.s32 $0xC;
	s0 =	sadd.s32 $0xD4E00, s0;
	[dreg:$0x6] =	wrdreg s26  }
0x16: {  	[dreg:$0x8] =	wrdreg s0;
	s26 =	simm.s32 $0x10000;
	s0 =	simm.s32 $0x4  }
.LBB2_1:
0x17: {  	s3 =	simm.s32 $0x11;
	s6 =	rddreg [dreg:$0x4]  }
0x18: {  	[spmem:s12], [sflag:s11] =	dma.local [hbm:s6], $0xA00  }
0x19: {  	_ =	swait.ge [sflag:s3], $0xA00  }
0x1a: {  	[sflag:s3] =	ssyncset.done $0x0  }
0x1b: {  	s6 =	simm.s32 $0x0;
	s12 =	rddreg [dreg:$0x6];
	[sflag:s3] =	ssyncadd.s32 $0xFFFFF600  }
0x1c: {  	[tilespmem:s6], [sflag:$0x11] =	stream.linear.gather [hbm4b:s12+s6], $0x5000, $0x38;
	[tilespmem:$0x17000] =	vst v63  }
0x1d: {  	_ =	swait.ge [sflag:s3], $0x5000  }
0x1e: {  	[sflag:s3] =	ssyncset.done $0x0  }
0x1f: {  	s12 =	simm.s32 $0x5000;
	s11 =	rddreg [dreg:$0x7];
	[sflag:s3] =	ssyncadd.s32 $0xFFFFB000  }
0x20: {  	[tilespmem:s12], [sflag:$0x11] =	stream.linear.gather [hbm4b:s11+s6], $0x5000, $0x38;
	[tilespmem:$0x17000] =	vst v63  }
0x21: {  	_ =	swait.ge [sflag:s3], $0x5000  }
0x22: {  	[sflag:s3] =	ssyncset.done $0x0  }
0x23: {  	[sflag:s3] =	ssyncadd.s32 $0xFFFFB000  }
0x24: {  	[bflag:$0x0] =	sbarrier.arrive $0xFFFF  }
0x25: {  	[tilespmem:s15], [sflag:$0x1] =	stream.indirect.gather [hbm4b:s4+s14], $0x20, s6, s14, $0xb8;
	[tilespmem:$0x17000] =	vst v63  }
0x26: {  	_ = 	snop  }
0x27: {  	[tilespmem:s16], [sflag:$0x2] =	stream.indirect.gather [hbm4b:s4+s14], $0x20, s14, s14, $0xb8;
	[tilespmem:$0x17000] =	vst v63  }
0x28: {  	s6 =	simm.s32 $0x100  }
0x29: {  	[tilespmem:s18], [sflag:$0x3] =	stream.indirect.gather [hbm4b:s4+s14], $0x20, s6, s14, $0xb8;
	[tilespmem:$0x17000] =	vst v63  }
0x2a: {  	s11 =	simm.s32 $0x180  }
0x2b: {  	[tilespmem:s20], [sflag:$0x4] =	stream.indirect.gather [hbm4b:s4+s14], $0x20, s11, s14, $0xb8;
	[tilespmem:$0x17000] =	vst v63  }
0x2c: {  	s12 =	simm.s32 $0x200  }
0x2d: {  	[tilespmem:s22], [sflag:$0x5] =	stream.indirect.gather [hbm4b:s4+s14], $0x20, s12, s14, $0xb8;
	[tilespmem:$0x17000] =	vst v63  }
0x2e: {  	s6 =	simm.s32 $0x280  }
0x2f: {  	[tilespmem:s24], [sflag:$0x6] =	stream.indirect.gather [hbm4b:s4+s14], $0x20, s6, s14, $0xb8;
	[tilespmem:$0x17000] =	vst v63  }
0x30: {  	s11 =	simm.s32 $0x300  }
0x31: {  	[tilespmem:s26], [sflag:$0x7] =	stream.indirect.gather [hbm4b:s4+s14], $0x20, s11, s14, $0xb8;
	[tilespmem:$0x17000] =	vst v63  }
0x32: {  	s12 =	simm.s32 $0x380  }
0x33: {  	[tilespmem:s29], [sflag:$0x8] =	stream.indirect.gather [hbm4b:s4+s14], $0x20, s12, s14, $0xb8;
	[tilespmem:$0x17000] =	vst v63  }
0x34: {  	_ =	swait.ge [sflag:s30], $0x1000  }
0x35: {  	[sflag:s30] =	ssyncset.done $0x0  }
0x36: {  	s3 =	simm.s32 $0x5000;
	[sflag:s30] =	ssyncadd.s32 $0xFFFFF000  }
0x37: {  	[spmem:s2] =	stream.indirect.scatter.add.f32 [tilespmem:s15], [sflag:$0x9], $0x20, s3, s14, $0xb8;
	[tilespmem:$0x17000] =	vst v63  }
0x38: {  	_ =	swait.ge [sflag:s31], $0x1000  }
0x39: {  	[sflag:s31] =	ssyncset.done $0x0  }
0x3a: {  	s11 =	simm.s32 $0x5080;
	[sflag:s31] =	ssyncadd.s32 $0xFFFFF000  }
0x3b: {  	[spmem:s2] =	stream.indirect.scatter.add.f32 [tilespmem:s16], [sflag:$0xA], $0x20, s11, s14, $0xb8;
	[tilespmem:$0x17000] =	vst v63  }
0x3c: {  	_ =	swait.ge [sflag:s1], $0x1000  }
0x3d: {  	[sflag:s1] =	ssyncset.done $0x0  }
0x3e: {  	s12 =	simm.s32 $0x5100;
	[sflag:s1] =	ssyncadd.s32 $0xFFFFF000  }
0x3f: {  	[spmem:s2] =	stream.indirect.scatter.add.f32 [tilespmem:s18], [sflag:$0xB], $0x20, s12, s14, $0xb8;
	[tilespmem:$0x17000] =	vst v63  }
0x40: {  	_ =	swait.ge [sflag:s0], $0x1000  }
0x41: {  	[sflag:s0] =	ssyncset.done $0x0  }
0x42: {  	s3 =	simm.s32 $0x5180;
	[sflag:s0] =	ssyncadd.s32 $0xFFFFF000  }
0x43: {  	[spmem:s2] =	stream.indirect.scatter.add.f32 [tilespmem:s20], [sflag:$0xC], $0x20, s3, s14, $0xb8;
	[tilespmem:$0x17000] =	vst v63  }
0x44: {  	_ =	swait.ge [sflag:s13], $0x1000  }
0x45: {  	[sflag:s13] =	ssyncset.done $0x0  }
0x46: {  	s11 =	simm.s32 $0x5200;
	[sflag:s13] =	ssyncadd.s32 $0xFFFFF000  }
0x47: {  	[spmem:s2] =	stream.indirect.scatter.add.f32 [tilespmem:s22], [sflag:$0xD], $0x20, s11, s14, $0xb8;
	[tilespmem:$0x17000] =	vst v63  }
0x48: {  	_ =	swait.ge [sflag:s17], $0x1000  }
0x49: {  	[sflag:s17] =	ssyncset.done $0x0  }
0x4a: {  	s12 =	simm.s32 $0x5280;
	[sflag:s17] =	ssyncadd.s32 $0xFFFFF000  }
0x4b: {  	[spmem:s2] =	stream.indirect.scatter.add.f32 [tilespmem:s24], [sflag:$0xE], $0x20, s12, s14, $0xb8;
	[tilespmem:$0x17000] =	vst v63  }
0x4c: {  	_ =	swait.ge [sflag:s19], $0x1000  }
0x4d: {  	[sflag:s19] =	ssyncset.done $0x0  }
0x4e: {  	s3 =	simm.s32 $0x5300;
	[sflag:s19] =	ssyncadd.s32 $0xFFFFF000  }
0x4f: {  	[spmem:s2] =	stream.indirect.scatter.add.f32 [tilespmem:s26], [sflag:$0xF], $0x20, s3, s14, $0xb8;
	[tilespmem:$0x17000] =	vst v63  }
0x50: {  	_ =	swait.ge [sflag:s21], $0x1000  }
0x51: {  	[sflag:s21] =	ssyncset.done $0x0  }
0x52: {  	s11 =	simm.s32 $0x5380;
	[sflag:s21] =	ssyncadd.s32 $0xFFFFF000  }
0x53: {  	[spmem:s2] =	stream.indirect.scatter.add.f32 [tilespmem:s29], [sflag:$0x10], $0x20, s11, s14, $0xb8;
	[tilespmem:$0x17000] =	vst v63  }
0x54: {  	_ =	swait.ge [sflag:s23], $0x1000  }
0x55: {  	[sflag:s23] =	ssyncset.done $0x0  }
0x56: {  	s12 =	simm.s32 $0x400;
	[sflag:s23] =	ssyncadd.s32 $0xFFFFF000  }
0x57: {  	[tilespmem:s15], [sflag:$0x1] =	stream.indirect.gather [hbm4b:s4+s14], $0x20, s12, s14, $0xb8;
	[tilespmem:$0x17000] =	vst v63  }
0x58: {  	_ =	swait.ge [sflag:s25], $0x1000  }
0x59: {  	[sflag:s25] =	ssyncset.done $0x0  }
0x5a: {  	s3 =	simm.s32 $0x480;
	[sflag:s25] =	ssyncadd.s32 $0xFFFFF000  }
0x5b: {  	[tilespmem:s16], [sflag:$0x2] =	stream.indirect.gather [hbm4b:s4+s14], $0x20, s3, s14, $0xb8;
	[tilespmem:$0x17000] =	vst v63  }
0x5c: {  	_ =	swait.ge [sflag:s28], $0x1000  }
0x5d: {  	[sflag:s28] =	ssyncset.done $0x0  }
0x5e: {  	s11 =	simm.s32 $0x500;
	[sflag:s28] =	ssyncadd.s32 $0xFFFFF000  }
0x5f: {  	[tilespmem:s18], [sflag:$0x3] =	stream.indirect.gather [hbm4b:s4+s14], $0x20, s11, s14, $0xb8;
	[tilespmem:$0x17000] =	vst v63  }
0x60: {  	_ =	swait.ge [sflag:s5], $0x1000  }
0x61: {  	[sflag:s5] =	ssyncset.done $0x0  }
0x62: {  	s12 =	simm.s32 $0x580;
	[sflag:s5] =	ssyncadd.s32 $0xFFFFF000  }
0x63: {  	[tilespmem:s20], [sflag:$0x4] =	stream.indirect.gather [hbm4b:s4+s14], $0x20, s12, s14, $0xb8;
	[tilespmem:$0x17000] =	vst v63  }
0x64: {  	_ =	swait.ge [sflag:s7], $0x1000  }
0x65: {  	[sflag:s7] =	ssyncset.done $0x0  }
0x66: {  	s3 =	simm.s32 $0x600;
	[sflag:s7] =	ssyncadd.s32 $0xFFFFF000  }
0x67: {  	[tilespmem:s22], [sflag:$0x5] =	stream.indirect.gather [hbm4b:s4+s14], $0x20, s3, s14, $0xb8;
	[tilespmem:$0x17000] =	vst v63  }
0x68: {  	_ =	swait.ge [sflag:s8], $0x1000  }
0x69: {  	[sflag:s8] =	ssyncset.done $0x0  }
0x6a: {  	s11 =	simm.s32 $0x680;
	[sflag:s8] =	ssyncadd.s32 $0xFFFFF000  }
0x6b: {  	[tilespmem:s24], [sflag:$0x6] =	stream.indirect.gather [hbm4b:s4+s14], $0x20, s11, s14, $0xb8;
	[tilespmem:$0x17000] =	vst v63  }
0x6c: {  	_ =	swait.ge [sflag:s9], $0x1000  }
0x6d: {  	[sflag:s9] =	ssyncset.done $0x0  }
0x6e: {  	s12 =	simm.s32 $0x700;
	[sflag:s9] =	ssyncadd.s32 $0xFFFFF000  }
0x6f: {  	[tilespmem:s26], [sflag:$0x7] =	stream.indirect.gather [hbm4b:s4+s14], $0x20, s12, s14, $0xb8;
	[tilespmem:$0x17000] =	vst v63  }
0x70: {  	_ =	swait.ge [sflag:s10], $0x1000  }
0x71: {  	[sflag:s10] =	ssyncset.done $0x0  }
0x72: {  	s6 =	simm.s32 $0x1000;
	s11 =	simm.s32 $0x780;
	[sflag:s10] =	ssyncadd.s32 $0xFFFFF000  }
.LBB2_2:
0x73: {  	[tilespmem:s29], [sflag:$0x8] =	stream.indirect.gather [hbm4b:s4+s14], $0x20, s11, s14, $0xb8;
	[tilespmem:$0x17000] =	vst v63  }
0x74: {  	s11 =	smov.u32 s6  }
0x75: {  	p0 =	sne.s32 s6, $0x12000;
	s6 =	sadd.s32 $0x1000, s6;
	_ =	swait.ge [sflag:s30], $0x1000  }
0x76: {  	s11 =	sshra.s32 s11, $0x2;
	[sflag:s30] =	ssyncset.done $0x0  }
0x77: {  	s12 =	sadd.s32 $0x5000, s11;
	[sflag:s30] =	ssyncadd.s32 $0xFFFFF000  }
0x78: {  	[spmem:s2] =	stream.indirect.scatter.add.f32 [tilespmem:s15], [sflag:$0x9], $0x20, s12, s14, $0xb8;
	[tilespmem:$0x17000] =	vst v63  }
0x79: {  	_ =	swait.ge [sflag:s31], $0x1000  }
0x7a: {  	[sflag:s31] =	ssyncset.done $0x0  }
0x7b: {  	s12 =	sadd.s32 $0x5080, s11;
	[sflag:s31] =	ssyncadd.s32 $0xFFFFF000  }
0x7c: {  	[spmem:s2] =	stream.indirect.scatter.add.f32 [tilespmem:s16], [sflag:$0xA], $0x20, s12, s14, $0xb8;
	[tilespmem:$0x17000] =	vst v63  }
0x7d: {  	_ =	swait.ge [sflag:s1], $0x1000  }
0x7e: {  	[sflag:s1] =	ssyncset.done $0x0  }
0x7f: {  	s12 =	sadd.s32 $0x5100, s11;
	[sflag:s1] =	ssyncadd.s32 $0xFFFFF000  }
0x80: {  	[spmem:s2] =	stream.indirect.scatter.add.f32 [tilespmem:s18], [sflag:$0xB], $0x20, s12, s14, $0xb8;
	[tilespmem:$0x17000] =	vst v63  }
0x81: {  	_ =	swait.ge [sflag:s0], $0x1000  }
0x82: {  	[sflag:s0] =	ssyncset.done $0x0  }
0x83: {  	s12 =	sadd.s32 $0x5180, s11;
	[sflag:s0] =	ssyncadd.s32 $0xFFFFF000  }
0x84: {  	[spmem:s2] =	stream.indirect.scatter.add.f32 [tilespmem:s20], [sflag:$0xC], $0x20, s12, s14, $0xb8;
	[tilespmem:$0x17000] =	vst v63  }
0x85: {  	_ =	swait.ge [sflag:s13], $0x1000  }
0x86: {  	[sflag:s13] =	ssyncset.done $0x0  }
0x87: {  	s12 =	sadd.s32 $0x5200, s11;
	[sflag:s13] =	ssyncadd.s32 $0xFFFFF000  }
0x88: {  	[spmem:s2] =	stream.indirect.scatter.add.f32 [tilespmem:s22], [sflag:$0xD], $0x20, s12, s14, $0xb8;
	[tilespmem:$0x17000] =	vst v63  }
0x89: {  	_ =	swait.ge [sflag:s17], $0x1000  }
0x8a: {  	[sflag:s17] =	ssyncset.done $0x0  }
0x8b: {  	s12 =	sadd.s32 $0x5280, s11;
	[sflag:s17] =	ssyncadd.s32 $0xFFFFF000  }
0x8c: {  	[spmem:s2] =	stream.indirect.scatter.add.f32 [tilespmem:s24], [sflag:$0xE], $0x20, s12, s14, $0xb8;
	[tilespmem:$0x17000] =	vst v63  }
0x8d: {  	_ =	swait.ge [sflag:s19], $0x1000  }
0x8e: {  	[sflag:s19] =	ssyncset.done $0x0  }
0x8f: {  	s12 =	sadd.s32 $0x5300, s11;
	[sflag:s19] =	ssyncadd.s32 $0xFFFFF000  }
0x90: {  	[spmem:s2] =	stream.indirect.scatter.add.f32 [tilespmem:s26], [sflag:$0xF], $0x20, s12, s14, $0xb8;
	[tilespmem:$0x17000] =	vst v63  }
0x91: {  	_ =	swait.ge [sflag:s21], $0x1000  }
0x92: {  	[sflag:s21] =	ssyncset.done $0x0  }
0x93: {  	s12 =	sadd.s32 $0x5380, s11;
	[sflag:s21] =	ssyncadd.s32 $0xFFFFF000  }
0x94: {  	[spmem:s2] =	stream.indirect.scatter.add.f32 [tilespmem:s29], [sflag:$0x10], $0x20, s12, s14, $0xb8;
	[tilespmem:$0x17000] =	vst v63  }
0x95: {  	_ =	swait.ge [sflag:s23], $0x1000  }
0x96: {  	[sflag:s23] =	ssyncset.done $0x0  }
0x97: {  	s12 =	sadd.s32 $0x400, s11;
	[sflag:s23] =	ssyncadd.s32 $0xFFFFF000  }
0x98: {  	[tilespmem:s15], [sflag:$0x1] =	stream.indirect.gather [hbm4b:s4+s14], $0x20, s12, s14, $0xb8;
	[tilespmem:$0x17000] =	vst v63  }
0x99: {  	_ =	swait.ge [sflag:s25], $0x1000  }
0x9a: {  	[sflag:s25] =	ssyncset.done $0x0  }
0x9b: {  	s12 =	sadd.s32 $0x480, s11;
	[sflag:s25] =	ssyncadd.s32 $0xFFFFF000  }
0x9c: {  	[tilespmem:s16], [sflag:$0x2] =	stream.indirect.gather [hbm4b:s4+s14], $0x20, s12, s14, $0xb8;
	[tilespmem:$0x17000] =	vst v63  }
0x9d: {  	_ =	swait.ge [sflag:s28], $0x1000  }
0x9e: {  	[sflag:s28] =	ssyncset.done $0x0  }
0x9f: {  	s12 =	sadd.s32 $0x500, s11;
	[sflag:s28] =	ssyncadd.s32 $0xFFFFF000  }
0xa0: {  	[tilespmem:s18], [sflag:$0x3] =	stream.indirect.gather [hbm4b:s4+s14], $0x20, s12, s14, $0xb8;
	[tilespmem:$0x17000] =	vst v63  }
0xa1: {  	_ =	swait.ge [sflag:s5], $0x1000  }
0xa2: {  	[sflag:s5] =	ssyncset.done $0x0  }
0xa3: {  	s12 =	sadd.s32 $0x580, s11;
	[sflag:s5] =	ssyncadd.s32 $0xFFFFF000  }
0xa4: {  	[tilespmem:s20], [sflag:$0x4] =	stream.indirect.gather [hbm4b:s4+s14], $0x20, s12, s14, $0xb8;
	[tilespmem:$0x17000] =	vst v63  }
0xa5: {  	_ =	swait.ge [sflag:s7], $0x1000  }
0xa6: {  	[sflag:s7] =	ssyncset.done $0x0  }
0xa7: {  	s12 =	sadd.s32 $0x600, s11;
	[sflag:s7] =	ssyncadd.s32 $0xFFFFF000  }
0xa8: {  	[tilespmem:s22], [sflag:$0x5] =	stream.indirect.gather [hbm4b:s4+s14], $0x20, s12, s14, $0xb8;
	[tilespmem:$0x17000] =	vst v63  }
0xa9: {  	_ =	swait.ge [sflag:s8], $0x1000  }
0xaa: {  	[sflag:s8] =	ssyncset.done $0x0  }
0xab: {  	s12 =	sadd.s32 $0x680, s11;
	[sflag:s8] =	ssyncadd.s32 $0xFFFFF000  }
0xac: {  	[tilespmem:s24], [sflag:$0x6] =	stream.indirect.gather [hbm4b:s4+s14], $0x20, s12, s14, $0xb8;
	[tilespmem:$0x17000] =	vst v63  }
0xad: {  	_ =	swait.ge [sflag:s9], $0x1000  }
0xae: {  	[sflag:s9] =	ssyncset.done $0x0  }
.Ltmp0:
0xaf: {  	s12 =	sadd.s32 $0x700, s11;
	[sflag:s9] =	ssyncadd.s32 $0xFFFFF000;
	(pc) =	sbr.rel @p0 .LBB2_2-.Ltmp0, $4  }
0xb0: {  	[tilespmem:s26], [sflag:$0x7] =	stream.indirect.gather [hbm4b:s4+s14], $0x20, s12, s14, $0xb8;
	[tilespmem:$0x17000] =	vst v63  }
0xb1: {  	_ =	swait.ge [sflag:s10], $0x1000  }
0xb2: {  	[sflag:s10] =	ssyncset.done $0x0  }
0xb3: {  	s11 =	sadd.s32 $0x780, s11;
	[sflag:s10] =	ssyncadd.s32 $0xFFFFF000  }
0xb4: {  	[tilespmem:s29], [sflag:$0x8] =	stream.indirect.gather [hbm4b:s4+s14], $0x20, s11, s14, $0xb8;
	[tilespmem:$0x17000] =	vst v63  }
0xb5: {  	_ =	swait.ge [sflag:s30], $0x1000  }
0xb6: {  	[sflag:s30] =	ssyncset.done $0x0  }
0xb7: {  	s3 =	simm.s32 $0x9C00;
	[sflag:s30] =	ssyncadd.s32 $0xFFFFF000  }
0xb8: {  	[spmem:s2] =	stream.indirect.scatter.add.f32 [tilespmem:s15], [sflag:$0x9], $0x20, s3, s14, $0xb8;
	[tilespmem:$0x17000] =	vst v63  }
0xb9: {  	_ =	swait.ge [sflag:s31], $0x1000  }
0xba: {  	[sflag:s31] =	ssyncset.done $0x0  }
0xbb: {  	s12 =	simm.s32 $0x9C80;
	[sflag:s31] =	ssyncadd.s32 $0xFFFFF000  }
0xbc: {  	[spmem:s2] =	stream.indirect.scatter.add.f32 [tilespmem:s16], [sflag:$0xA], $0x20, s12, s14, $0xb8;
	[tilespmem:$0x17000] =	vst v63  }
0xbd: {  	_ =	swait.ge [sflag:s1], $0x1000  }
0xbe: {  	[sflag:s1] =	ssyncset.done $0x0  }
0xbf: {  	s6 =	simm.s32 $0x9D00;
	[sflag:s1] =	ssyncadd.s32 $0xFFFFF000  }
0xc0: {  	[spmem:s2] =	stream.indirect.scatter.add.f32 [tilespmem:s18], [sflag:$0xB], $0x20, s6, s14, $0xb8;
	[tilespmem:$0x17000] =	vst v63  }
0xc1: {  	_ =	swait.ge [sflag:s0], $0x1000  }
0xc2: {  	[sflag:s0] =	ssyncset.done $0x0  }
0xc3: {  	s11 =	simm.s32 $0x9D80;
	[sflag:s0] =	ssyncadd.s32 $0xFFFFF000  }
0xc4: {  	[spmem:s2] =	stream.indirect.scatter.add.f32 [tilespmem:s20], [sflag:$0xC], $0x20, s11, s14, $0xb8;
	[tilespmem:$0x17000] =	vst v63  }
0xc5: {  	_ =	swait.ge [sflag:s13], $0x1000  }
0xc6: {  	[sflag:s13] =	ssyncset.done $0x0  }
0xc7: {  	s12 =	simm.s32 $0x9E00;
	[sflag:s13] =	ssyncadd.s32 $0xFFFFF000  }
0xc8: {  	[spmem:s2] =	stream.indirect.scatter.add.f32 [tilespmem:s22], [sflag:$0xD], $0x20, s12, s14, $0xb8;
	[tilespmem:$0x17000] =	vst v63  }
0xc9: {  	_ =	swait.ge [sflag:s17], $0x1000  }
0xca: {  	[sflag:s17] =	ssyncset.done $0x0  }
0xcb: {  	s6 =	simm.s32 $0x9E80;
	[sflag:s17] =	ssyncadd.s32 $0xFFFFF000  }
0xcc: {  	[spmem:s2] =	stream.indirect.scatter.add.f32 [tilespmem:s24], [sflag:$0xE], $0x20, s6, s14, $0xb8;
	[tilespmem:$0x17000] =	vst v63  }
0xcd: {  	_ =	swait.ge [sflag:s19], $0x1000  }
0xce: {  	[sflag:s19] =	ssyncset.done $0x0  }
0xcf: {  	s11 =	simm.s32 $0x9F00;
	[sflag:s19] =	ssyncadd.s32 $0xFFFFF000  }
0xd0: {  	[spmem:s2] =	stream.indirect.scatter.add.f32 [tilespmem:s26], [sflag:$0xF], $0x20, s11, s14, $0xb8;
	[tilespmem:$0x17000] =	vst v63  }
0xd1: {  	_ =	swait.ge [sflag:s21], $0x1000  }
0xd2: {  	[sflag:s21] =	ssyncset.done $0x0  }
0xd3: {  	s12 =	simm.s32 $0x9F80;
	[sflag:s21] =	ssyncadd.s32 $0xFFFFF000  }
0xd4: {  	[spmem:s2] =	stream.indirect.scatter.add.f32 [tilespmem:s29], [sflag:$0x10], $0x20, s12, s14, $0xb8;
	[tilespmem:$0x17000] =	vst v63  }
0xd5: {  	_ =	swait.ge [sflag:s23], $0x1000  }
0xd6: {  	[sflag:s23] =	ssyncset.done $0x0  }
0xd7: {  	[sflag:s23] =	ssyncadd.s32 $0xFFFFF000  }
0xd8: {  	_ =	swait.ge [sflag:s25], $0x1000  }
0xd9: {  	[sflag:s25] =	ssyncset.done $0x0  }
0xda: {  	[sflag:s25] =	ssyncadd.s32 $0xFFFFF000  }
0xdb: {  	_ =	swait.ge [sflag:s28], $0x1000  }
0xdc: {  	[sflag:s28] =	ssyncset.done $0x0  }
0xdd: {  	[sflag:s28] =	ssyncadd.s32 $0xFFFFF000  }
0xde: {  	_ =	swait.ge [sflag:s5], $0x1000  }
0xdf: {  	[sflag:s5] =	ssyncset.done $0x0  }
0xe0: {  	[sflag:s5] =	ssyncadd.s32 $0xFFFFF000  }
0xe1: {  	_ =	swait.ge [sflag:s7], $0x1000  }
0xe2: {  	[sflag:s7] =	ssyncset.done $0x0  }
0xe3: {  	[sflag:s7] =	ssyncadd.s32 $0xFFFFF000  }
0xe4: {  	_ =	swait.ge [sflag:s8], $0x1000  }
0xe5: {  	[sflag:s8] =	ssyncset.done $0x0  }
0xe6: {  	[sflag:s8] =	ssyncadd.s32 $0xFFFFF000  }
0xe7: {  	_ =	swait.ge [sflag:s9], $0x1000  }
0xe8: {  	[sflag:s9] =	ssyncset.done $0x0  }
0xe9: {  	[sflag:s9] =	ssyncadd.s32 $0xFFFFF000  }
0xea: {  	_ =	swait.ge [sflag:s10], $0x1000  }
0xeb: {  	[sflag:s10] =	ssyncset.done $0x0  }
0xec: {  	[sflag:s10] =	ssyncadd.s32 $0xFFFFF000  }
0xed: {  	[bflag:$0x0] =	sbarrier.arrive $0xFFFF  }
0xee: {  	s11 =	rddreg [dreg:$0x5]  }
0xef: {  	s6 =	rddreg [dreg:$0x8]  }
0xf0: {  	s12 =	rddreg [dreg:$0xa]  }
0xf1: {  	[hbm:s6], [sflag:s11] =	dma.local [spmem:s12], $0xA00  }
0xf2: {  	s6 =	simm.s32 $0x11  }
0xf3: {  	_ =	swait.ge [sflag:s6], $0xA00  }
0xf4: {  	s3 =	rddreg [dreg:$0xb]  }
0xf5: {  	[sflag:s6] =	ssyncset.done $0x0;
	s6 =	rddreg [dreg:$0x9];
	s3 =	sadd.s32 $0x1, s3  }
0xf6: {  	p0 =	sne.s32 s3, s6  }
.Ltmp1:
0xf7: {  	_ = 	snop;
	(pc) =	sbr.rel @p0 .LBB2_1-.Ltmp1, $3  }
0xf8: {  	_ =	sdelay $0x1  }
0xf9: {  	s6 =	simm.s32 $0x11  }
0xfa: {  	[dreg:$0xb] =	wrdreg s3;
	[sflag:s6] =	ssyncadd.s32 $0xFFFFF600  }
0xfb: {  	_ =	sfence.sel $0x180000  }
0xfc: {  	[bflag:$0x0] =	sbarrier.arrive $0xFFFF  }
0xfd: {  	_ =	strace $0x9000004D  }
0xfe: {  	s0 =	stileid.u32;
	[bflag:$0x2] =	sbarrier.arrive $0xFFFF  }
0xff: {  	p0 =	sne.s32 s0, $0x0;
	s0 =	rddreg [dreg:$0x3]  }
0x100: {  	s0 =	sadd.s32 @!p0 $0x100000, s0  }
0x101: {  	[sflag:s0] =	ssyncadd.tile.s32 @!p0 $0x1;
	_ =	shalt  }
.Lfunc_end2:
_tile_overlayer_lowered:
.L_overlay_start_2:
0x102: {  	(tag) =	ssettag $0x2  }
0x103: {  	s0 =	rddreg [dreg:$0x0];
	s2 =	stileid.u32  }
0x104: {  	s1 =	rddreg [dreg:$0x1];
	p0 =	sne.s32 s2, $0x0  }
0x105: {  	s3 =	rddreg [dreg:$0x2];
	[bflag:$0x3] =	sbarrier.arrive $0xFFFF;
	s2 =	simm.s32 @!p0 $0x1C11  }
0x106: {  	[timem:s3], [sflag:s2] =	dma.local @!p0 [hbm:s0], s1  }
0x107: {  	s0 =	simm.s32 @!p0 $0x11  }
0x108: {  	_ =	swait.ge @!p0 [sflag:s0], s1  }
0x109: {  	s1 =	ssub.s32 @!p0 $0x0, s1;
	[sflag:s0] =	ssyncset.done @!p0 $0x0  }
0x10a: {  	[sflag:s0] =	ssyncadd.s32 @!p0 s1  }
0x10b: {  	[bflag:$0x3] =	sbarrier.arrive $0xFFFF  }
0x10c: {  	_ =	shalt  }

// kernel: kernel.8.cloned.1.call-start
scs
__scs_entry_jumppad:
0x0: {  	(pc) =	sbr.rel $0x88, $3  }
0x1: {  	(tag) =	ssettag $0x0;
	lr =	simm.s32 $0x1  }
0x2: {  	[smem:$0x3F9B] =	sst lr;
	_ =	strace $0xD0000000  }
0x3: {  	_ = 	snop  }
0x4: {  	_ = 	snop  }
0x5: {  	_ = 	snop  }
0x6: {  	_ = 	snop  }
0x7: {  	_ = 	snop  }
__scs_overlays_trampoline_lowered:
0x8: {  	[smem:$0x3FAA] =	sst s0  }
0x9: {  	[smem:$0x3FAB] =	sst s1  }
0xa: {  	[smem:$0x3FAC] =	sst s2  }
0xb: {  	[smem:$0x3FAD] =	sst s3  }
0xc: {  	[smem:$0x3FAE] =	sst s4  }
0xd: {  	[smem:$0x3FAF] =	sst s5  }
0xe: {  	[smem:$0x3FB0] =	sst s6  }
0xf: {  	[smem:$0x3FB1] =	sst s7  }
0x10: {  	[smem:$0x3FB2] =	sst s8  }
0x11: {  	[smem:$0x3FB3] =	sst s9;
	s0 =	simm.s32 @!p0 $0x0  }
0x12: {  	s1 =	sld [smem:$0x3F99];
	s0 =	simm.s32 @p0 $0x1  }
0x13: {  	[smem:$0x3FB4] =	sst s0;
	s0 =	simm.s32 @!p1 $0x0  }
0x14: {  	s2 =	sld [smem:$0x3F98];
	s0 =	simm.s32 @p1 $0x1  }
0x15: {  	[smem:$0x3FB5] =	sst s0;
	s0 =	simm.s32 @!p2 $0x0  }
0x16: {  	s3 =	sld [smem:$0x3FDB];
	s0 =	simm.s32 @p2 $0x1  }
0x17: {  	s4 =	simm.s32 $0x1BF5;
	[smem:$0x3FB7] =	sst s0  }
0x18: {  	s0 =	sld [smem:$0x3F9A];
	_ =	swait.ge [sflag:s4], $0x0  }
0x19: {  	s7 =	sld [smem:$0x3F9B]  }
0x1a: {  	s8 =	sadd.s32 $0xFFFFE003, lr  }
0x1b: {  	s9 =	sadd.s32 $0xFFFFFEF7, lr;
	s5 =	simm.s32 $0xFFFFFFFF;
	p2 =	slt.u32 s8, $0xFFFFF086  }
0x1c: {  	p1 =	slt.u32 s9, $0xF7A;
	s5 =	simm.s32 @!p2 $0x0  }
0x1d: {  	s5 =	simm.s32 @p1 $0x1;
	p0 =	seq.s32 s7, s2  }
0x1e: {  	s7 =	smul.u32 @!p0 $0xF7A, s2;
	p2 =	seq.s32 @!p0 s5, $0x0  }
0x1f: {  	s9 =	smul.u32 $0xF7A, s1;
	s8 =	simm.s32 @!p0 $0x1BF5;
	p2 =	por !p2, p0  }
0x20: {  	[sflag:s8] =	ssyncset.s32 @!p0 $0xFFFFF086;
	s6 =	sadd.s32 @!p0 s3, s7;
	s7 =	simm.s32 @!p0 $0x108  }
0x21: {  	s3 =	sadd.s32 s3, s9;
	s6 =	sadd.s32 @!p0 $0x88, s6;
	s7 =	simm.s32 @p2 $0x1082  }
0x22: {  	[simem:s7], [sflag:s8] =	dma.local @!p0 [hbm:s6], $0xF7A  }
0x23: {  	s9 =	sor.u32 $0xD0000000, s2;
	s6 =	simm.s32 $0x108;
	_ =	swait.ge @!p0 [sflag:s8], $0x0  }
0x24: {  	s3 =	sadd.s32 $0x88, s3;
	s6 =	simm.s32 @!p1 $0x1082;
	[sflag:s4] =	ssyncset.s32 $0xFFFFF086  }
0x25: {  	[simem:s6], [sflag:s4] =	dma.local [hbm:s3], $0xF7A  }
0x26: {  	[smem:$0x3F9B] =	sst s1;
	(tag) =	ssettag s2;
	_ =	strace s9  }
0x27: {  	s1 =	sld [smem:$0x3FAB]  }
0x28: {  	s2 =	sld [smem:$0x3FAC]  }
0x29: {  	s4 =	sld [smem:$0x3FAE]  }
0x2a: {  	p0 =	seq.s32 s5, $0x0;
	s5 =	sld [smem:$0x3FAF]  }
0x2b: {  	s6 =	sld [smem:$0x3FB0]  }
0x2c: {  	s7 =	sld [smem:$0x3FB1]  }
0x2d: {  	s3 =	simm.s32 $0x108;
	s8 =	sld [smem:$0x3FB2]  }
0x2e: {  	s3 =	simm.s32 @!p0 $0x1082;
	s9 =	sld [smem:$0x3FB3]  }
0x2f: {  	lr =	sadd.s32 s0, s3;
	s0 =	sld [smem:$0x3FAA]  }
0x30: {  	s3 =	sld [smem:$0x3FAD]  }
0x31: {  	[smem:$0x3FB6] =	sst s10  }
0x32: {  	s10 =	sld [smem:$0x3FB4];
	_ =	sdelay $0x3  }
0x33: {  	p0 =	seq.s32 s10, $0x1;
	s10 =	sld [smem:$0x3FB6];
	_ =	sdelay $0x3  }
0x34: {  	[smem:$0x3FB6] =	sst s10  }
0x35: {  	s10 =	sld [smem:$0x3FB5];
	_ =	sdelay $0x3  }
0x36: {  	p1 =	seq.s32 s10, $0x1;
	s10 =	sld [smem:$0x3FB6];
	_ =	sdelay $0x3  }
0x37: {  	[smem:$0x3FB6] =	sst s10  }
0x38: {  	s10 =	sld [smem:$0x3FB7]  }
0x39: {  	_ = 	snop;
	(pc) =	sbr.ind lr, $3  }
0x3a: {  	_ = 	snop  }
0x3b: {  	_ = 	snop  }
0x3c: {  	p2 =	seq.s32 s10, $0x1;
	s10 =	sld [smem:$0x3FB6]  }
0x3d: {  	_ =	shalt  }
0x3e: {  	_ =	shalt  }
0x3f: {  	_ =	shalt  }
0x40: {  	_ =	shalt  }
0x41: {  	_ =	shalt  }
0x42: {  	_ =	shalt  }
0x43: {  	_ =	shalt  }
0x44: {  	_ =	shalt  }
0x45: {  	_ =	shalt  }
0x46: {  	_ =	shalt  }
0x47: {  	_ =	shalt  }
0x48: {  	_ =	shalt  }
0x49: {  	_ =	shalt  }
0x4a: {  	_ =	shalt  }
0x4b: {  	_ =	shalt  }
0x4c: {  	_ =	shalt  }
0x4d: {  	_ =	shalt  }
0x4e: {  	_ =	shalt  }
0x4f: {  	_ =	shalt  }
0x50: {  	_ =	shalt  }
0x51: {  	_ =	shalt  }
0x52: {  	_ =	shalt  }
0x53: {  	_ =	shalt  }
0x54: {  	_ =	shalt  }
0x55: {  	_ =	shalt  }
0x56: {  	_ =	shalt  }
0x57: {  	_ =	shalt  }
0x58: {  	_ =	shalt  }
0x59: {  	_ =	shalt  }
0x5a: {  	_ =	shalt  }
0x5b: {  	_ =	shalt  }
0x5c: {  	_ =	shalt  }
0x5d: {  	_ =	shalt  }
0x5e: {  	_ =	shalt  }
0x5f: {  	_ =	shalt  }
0x60: {  	_ =	shalt  }
0x61: {  	_ =	shalt  }
0x62: {  	_ =	shalt  }
0x63: {  	_ =	shalt  }
0x64: {  	_ =	shalt  }
0x65: {  	_ =	shalt  }
0x66: {  	_ =	shalt  }
0x67: {  	_ =	shalt  }
0x68: {  	_ =	shalt  }
0x69: {  	_ =	shalt  }
0x6a: {  	_ =	shalt  }
0x6b: {  	_ =	shalt  }
0x6c: {  	_ =	shalt  }
0x6d: {  	_ =	shalt  }
0x6e: {  	_ =	shalt  }
0x6f: {  	_ =	shalt  }
0x70: {  	_ =	shalt  }
0x71: {  	_ =	shalt  }
0x72: {  	_ =	shalt  }
0x73: {  	_ =	shalt  }
0x74: {  	_ =	shalt  }
0x75: {  	_ =	shalt  }
0x76: {  	_ =	shalt  }
0x77: {  	_ =	shalt  }
0x78: {  	_ =	shalt  }
0x79: {  	_ =	shalt  }
0x7a: {  	_ =	shalt  }
0x7b: {  	_ =	shalt  }
0x7c: {  	_ =	shalt  }
0x7d: {  	_ =	shalt  }
0x7e: {  	_ =	shalt  }
0x7f: {  	_ =	shalt  }
0x80: {  	_ =	shalt  }
0x81: {  	_ =	shalt  }
0x82: {  	_ =	shalt  }
0x83: {  	_ =	shalt  }
0x84: {  	_ =	shalt  }
0x85: {  	_ =	shalt  }
0x86: {  	_ =	shalt  }
0x87: {  	_ =	shalt  }
.Lfunc_end0:
.L_simem_size_0:
called_computation_lowered:
.L_overlay_start_0:
0x88: {  	s2 =	sld [smem:$0x3FD9]  }
0x89: {  	s3 =	sld [smem:$0x3FFE];
	_ =	sdelay $0x1  }
0x8a: {  	s1 =	srdreg.scid  }
0x8b: {  	s0 =	sand.u32 $0x1, s1  }
0x8c: {  	s17 =	sshll.u32 s0, $0xA;
	s2 =	sadd.s32 s3, s2  }
0x8d: {  	s2 =	sadd.s32 s2, s17  }
0x8e: {  	[smem:$0x3FC2] =	sst s2  }
0x8f: {  	_ = 	snop  }
0x90: {  	s2 =	sld [smem:$0x3FD0];
	(tm) =	ssettm $0x1  }
0x91: {  	s18 =	sld [smem:$0x3FFB];
	_ =	sdelay $0x3  }
0x92: {  	_ =	strace s18  }
0x93: {  	s3 =	sld [smem:$0x3FFC];
	_ =	sdelay $0x3  }
0x94: {  	_ =	strace s3  }
0x95: {  	s3 =	sld [smem:$0x3FFD];
	_ =	sdelay $0x3  }
0x96: {  	_ =	strace s3  }
0x97: {  	_ =	strace $0x8FFFFFFF  }
0x98: {  	s19 =	sld [smem:$0x3FDB];
	_ =	sdelay $0x1  }
0x99: {  	s4 =	simm.s32 $_scs_section_size  }
0x9a: {  	s5 =	simm.s32 $_size__tile_overlayer_lowered;
	s6 =	simm.s32 $_tile_overlayer_lowered  }
0x9b: {  	s22 =	simm.s32 $0x1BFF;
	s21 =	sshll.u32 s6, $0x1;
	s3 =	sadd.s32 s4, s19  }
0x9c: {  	s7 =	simm.s32 $0x0;
	s20 =	sshll.u32 s5, $0x1;
	s5 =	sadd.s32 s21, s3  }
0x9d: {  	[timem:s7], [sflag:s22] =	dma.local [hbm:s5], s20  }
0x9e: {  	_ =	swait.ge [sflag:s22], s20  }
0x9f: {  	s4 =	ssub.s32 $0x0, s20;
	[sflag:s22] =	ssyncset.done $0x0  }
0xa0: {  	[sflag:s22] =	ssyncadd.s32 s4;
	_ =	sdelay $0x1  }
0xa1: {  	s23 =	simm.s32 $0x1B8B  }
0xa2: {  	_ =	swait.ge [sflag:s23], $0x1  }
0xa3: {  	[sflag:s23] =	ssyncset.done $0x0  }
0xa4: {  	s25 =	simm.s32 $0x1B8E;
	s24 =	sld [smem:$0x3FFE];
	[sflag:s23] =	ssyncadd.s32 $0xFFFFFFFF  }
0xa5: {  	s26 =	simm.s32 $execute0_lowered;
	[smem:$0x3FD2] =	sst s25  }
0xa6: {  	s5 =	sshll.u32 s26, $0x1;
	_ =	strace $0x80000046;
	[dreg:$0x1] =	wrdreg $0xFFFFFFFF  }
0xa7: {  	s28 =	simm.s32 $_size_execute0_lowered;
	s3 =	sadd.s32 s3, s5;
	[dreg:$0x0] =	wrdreg $0x0  }
0xa8: {  	s5 =	sshll.u32 s28, $0x1;
	[dreg:$0x2] =	wrdreg s3  }
0xa9: {  	[dreg:$0x3] =	wrdreg s5  }
0xaa: {  	[dreg:$0x4] =	wrdreg $0xC0  }
0xab: {  	_ =	task [dreg:s7], $0x5FFFF  }
0xac: {  	[dreg:$0x1] =	wrdreg $0xFFFFFFFF  }
0xad: {  	[dreg:$0x0] =	wrdreg $0x60  }
0xae: {  	[dreg:$0x2] =	wrdreg s2  }
0xaf: {  	[dreg:$0x3] =	wrdreg s24  }
0xb0: {  	[dreg:$0x4] =	wrdreg $0x30000  }
0xb1: {  	[dreg:$0x5] =	wrdreg $0x9  }
0xb2: {  	_ =	task.clear_ibuf [dreg:s7], $0x6FFFF;
	_ =	strace $0x90000046  }
0xb3: {  	s29 =	simm.s32 $0x9;
	_ =	strace $0x80000048  }
0xb4: {  	_ =	swait.ge [sflag:s29], $0x1  }
0xb5: {  	[sflag:s29] =	ssyncadd.s32 $0xFFFFFFFF  }
0xb6: {  	_ =	strace $0x90000048  }
0xb7: {  	_ =	sfence  }
0xb8: {  	s30 =	sld [smem:$0x0];
	_ =	sdelay $0x2  }
0xb9: {  	s31 =	sshll.u32 s1, $0xD;
	s1 =	sshrl.u32 s1, $0x2  }
0xba: {  	s3 =	sand.u32 $0x4000, s31;
	s1 =	sadd.s32 s1, s30  }
0xbb: {  	s0 =	sor.u32 s3, s0;
	s1 =	sshll.u32 s1, $0x11  }
0xbc: {  	s0 =	sor.u32 s1, s0  }
0xbd: {  	s0 =	sadd.s32 $0x8F2B, s0  }
0xbe: {  	[sflag:s0] =	ssyncadd.remote.s32 $0x1  }
0xbf: {  	_ =	sfence.sel $0xFFFF  }
0xc0: {  	[dreg:$0x0] =	wrdreg $0xFFFFFFFF;
	(pc) =	sbr.abs _section_cstart, $3  }
0xc1: {  	[dreg:$0x1] =	wrdreg $0xFFFFFFFF  }
0xc2: {  	_ =	task.clear_ibuf [dreg:s7], $0x2FFFF;
	_ =	strace $0x9FFFFFFF  }
0xc3: {  	(tm) =	ssettm $0x7FFFFFFF  }
tec
execute0_lowered:
.L_overlay_start_1:
0x0: {  	(tag) =	ssettag $0x1  }
0x1: {  	s7 =	rddreg [dreg:$0x0]  }
0x2: {  	s6 =	rddreg [dreg:$0x1];
	s1 =	srdreg.scid  }
0x3: {  	s0 =	stileid.u32;
	s2 =	rddreg [dreg:$0x2]  }
0x4: {  	s3 =	simm.s32 $0x0;
	s14 =	simm.s32 $0x1;
	s15 =	simm.s32 $0x0  }
0x5: {  	s8 =	sand.u32 $0x1, s1;
	s9 =	smul.u32 $0x2800, s0;
	s1 =	rddreg [dreg:$0x3]  }
0x6: {  	[smem:$0x7FF] =	sst s3;
	s4 =	sadd.s32 $0x2C00, s6;
	s11 =	sshll.u32 s0, $0x1  }
0x7: {  	s12 =	sshll.u32 s0, $0x6;
	s5 =	smul.u32 $0x28000, s8;
	s30 =	ssub.s32 $0x2, s8  }
0x8: {  	_ =	strace $0x80000047;
	s8 =	sor.u32 s8, s11;
	s31 =	sshrl.u32 s30, $0x1  }
0x9: {  	s8 =	smul.u32 $0x500, s8;
	s13 =	sadd.s32 s9, s2;
	s10 =	sadd.s32 s9, s5  }
0xa: {  	s5 =	sadd.s32 $0x2600, s6;
	s11 =	ssub.s32 s30, s31;
	s10 =	sshrl.u32 s10, $0x3  }
0xb: {  	s7 =	sadd.s32 s7, s8;
	s9 =	smax.u32 s11, $0x1;
	s11 =	simm.s32 $0x2  }
0xc: {  	s10 =	sadd.s32 s10, s6;
	s6 =	sor.u32 $0x1C02, s12;
	s12 =	simm.s32 $0x2800  }
0xd: {  	s8 =	sadd.s32 $0x2E00, s10;
	s10 =	sshrl.u32 s13, $0x3;
	s13 =	simm.s32 $0x80  }
.LBB2_1:
0xe: {  	[spmem:s10], [sflag:s6] =	dma.local [hbm:s5], $0x500  }
0xf: {  	_ =	swait.ge [sflag:s11], $0x500  }
0x10: {  	[sflag:s11] =	ssyncset.done $0x0  }
0x11: {  	[sflag:s11] =	ssyncadd.s32 $0xFFFFFB00  }
0x12: {  	[tilespmem:s12], [sflag:$0x2] =	stream.linear.gather [hbm4b:s4+s3], $0x800, $0x38;
	[tilespmem:$0x5800] =	vst v63  }
0x13: {  	_ =	swait.ge [sflag:s11], $0x800  }
0x14: {  	[sflag:s11] =	ssyncset.done $0x0  }
0x15: {  	[sflag:s11] =	ssyncadd.s32 $0xFFFFF800  }
0x16: {  	[tilespmem:s3], [sflag:$0x2] =	stream.linear.gather [hbm4b:s7+s3], $0x2800, $0x38;
	[tilespmem:$0x5800] =	vst v63  }
0x17: {  	_ =	swait.ge [sflag:s11], $0x2800  }
0x18: {  	[sflag:s11] =	ssyncset.done $0x0  }
0x19: {  	[sflag:s11] =	ssyncadd.s32 $0xFFFFD800  }
0x1a: {  	s16 =	simm.s32 $0x0;
	[bflag:$0x0] =	sbarrier.arrive $0xFFFF  }
0x1b: {  	[spmem:s2] =	stream.indirect.scatter.add.f32 [tilespmem:s12], [sflag:$0x1], $0x10, s16, s13, $0xb8;
	[tilespmem:$0x5800] =	vst v63  }
0x1c: {  	s24 =	simm.s32 $0x80  }
0x1d: {  	[spmem:s2] =	stream.indirect.scatter.add.f32 [tilespmem:s12], [sflag:$0x1], $0x10, s24, s13, $0xb8;
	[tilespmem:$0x5800] =	vst v63  }
0x1e: {  	s25 =	simm.s32 $0x100  }
0x1f: {  	[spmem:s2] =	stream.indirect.scatter.add.f32 [tilespmem:s12], [sflag:$0x1], $0x10, s25, s13, $0xb8;
	[tilespmem:$0x5800] =	vst v63  }
0x20: {  	s26 =	simm.s32 $0x180  }
0x21: {  	[spmem:s2] =	stream.indirect.scatter.add.f32 [tilespmem:s12], [sflag:$0x1], $0x10, s26, s13, $0xb8;
	[tilespmem:$0x5800] =	vst v63  }
0x22: {  	s28 =	simm.s32 $0x200  }
0x23: {  	[spmem:s2] =	stream.indirect.scatter.add.f32 [tilespmem:s12], [sflag:$0x1], $0x10, s28, s13, $0xb8;
	[tilespmem:$0x5800] =	vst v63  }
0x24: {  	s29 =	simm.s32 $0x280  }
0x25: {  	[spmem:s2] =	stream.indirect.scatter.add.f32 [tilespmem:s12], [sflag:$0x1], $0x10, s29, s13, $0xb8;
	[tilespmem:$0x5800] =	vst v63  }
0x26: {  	s30 =	simm.s32 $0x300  }
0x27: {  	[spmem:s2] =	stream.indirect.scatter.add.f32 [tilespmem:s12], [sflag:$0x1], $0x10, s30, s13, $0xb8;
	[tilespmem:$0x5800] =	vst v63  }
0x28: {  	s31 =	simm.s32 $0x380  }
0x29: {  	[spmem:s2] =	stream.indirect.scatter.add.f32 [tilespmem:s12], [sflag:$0x1], $0x10, s31, s13, $0xb8;
	[tilespmem:$0x5800] =	vst v63  }
0x2a: {  	_ =	swait.ge [sflag:s14], $0x800  }
0x2b: {  	[sflag:s14] =	ssyncset.done $0x0  }
0x2c: {  	[sflag:s14] =	ssyncadd.s32 $0xFFFFF800  }
0x2d: {  	_ =	swait.ge [sflag:s14], $0x800  }
0x2e: {  	[sflag:s14] =	ssyncset.done $0x0  }
0x2f: {  	[sflag:s14] =	ssyncadd.s32 $0xFFFFF800  }
0x30: {  	_ =	swait.ge [sflag:s14], $0x800  }
0x31: {  	[sflag:s14] =	ssyncset.done $0x0  }
0x32: {  	[sflag:s14] =	ssyncadd.s32 $0xFFFFF800  }
0x33: {  	_ =	swait.ge [sflag:s14], $0x800  }
0x34: {  	[sflag:s14] =	ssyncset.done $0x0  }
0x35: {  	[sflag:s14] =	ssyncadd.s32 $0xFFFFF800  }
0x36: {  	_ =	swait.ge [sflag:s14], $0x800  }
0x37: {  	[sflag:s14] =	ssyncset.done $0x0  }
0x38: {  	[sflag:s14] =	ssyncadd.s32 $0xFFFFF800  }
0x39: {  	_ =	swait.ge [sflag:s14], $0x800  }
0x3a: {  	[sflag:s14] =	ssyncset.done $0x0  }
0x3b: {  	[sflag:s14] =	ssyncadd.s32 $0xFFFFF800  }
0x3c: {  	_ =	swait.ge [sflag:s14], $0x800  }
0x3d: {  	[sflag:s14] =	ssyncset.done $0x0  }
0x3e: {  	[sflag:s14] =	ssyncadd.s32 $0xFFFFF800  }
0x3f: {  	_ =	swait.ge [sflag:s14], $0x800  }
0x40: {  	s18 =	simm.s32 $0x2000;
	s16 =	simm.s32 $0x1000;
	[sflag:s14] =	ssyncset.done $0x0  }
.LBB2_2:
0x41: {  	s19 =	sshra.s32 s16, $0x2  }
0x42: {  	[sflag:s14] =	ssyncadd.s32 $0xFFFFF800;
	s16 =	smov.u32 s18;
	s17 =	sadd.s32 $0x1000, s18  }
0x43: {  	[spmem:s2] =	stream.indirect.scatter.add.f32 [tilespmem:s12], [sflag:$0x1], $0x10, s19, s13, $0xb8;
	[tilespmem:$0x5800] =	vst v63  }
0x44: {  	p0 =	sne.s32 s18, $0x9000;
	s18 =	sadd.s32 $0x80, s19  }
0x45: {  	[spmem:s2] =	stream.indirect.scatter.add.f32 [tilespmem:s12], [sflag:$0x1], $0x10, s18, s13, $0xb8;
	[tilespmem:$0x5800] =	vst v63  }
0x46: {  	s18 =	sadd.s32 $0x100, s19  }
0x47: {  	[spmem:s2] =	stream.indirect.scatter.add.f32 [tilespmem:s12], [sflag:$0x1], $0x10, s18, s13, $0xb8;
	[tilespmem:$0x5800] =	vst v63  }
0x48: {  	s18 =	sadd.s32 $0x180, s19  }
0x49: {  	[spmem:s2] =	stream.indirect.scatter.add.f32 [tilespmem:s12], [sflag:$0x1], $0x10, s18, s13, $0xb8;
	[tilespmem:$0x5800] =	vst v63  }
0x4a: {  	s18 =	sadd.s32 $0x200, s19  }
0x4b: {  	[spmem:s2] =	stream.indirect.scatter.add.f32 [tilespmem:s12], [sflag:$0x1], $0x10, s18, s13, $0xb8;
	[tilespmem:$0x5800] =	vst v63  }
0x4c: {  	s18 =	sadd.s32 $0x280, s19  }
0x4d: {  	[spmem:s2] =	stream.indirect.scatter.add.f32 [tilespmem:s12], [sflag:$0x1], $0x10, s18, s13, $0xb8;
	[tilespmem:$0x5800] =	vst v63  }
0x4e: {  	s18 =	sadd.s32 $0x300, s19  }
0x4f: {  	[spmem:s2] =	stream.indirect.scatter.add.f32 [tilespmem:s12], [sflag:$0x1], $0x10, s18, s13, $0xb8;
	[tilespmem:$0x5800] =	vst v63  }
0x50: {  	s18 =	sadd.s32 $0x380, s19  }
0x51: {  	[spmem:s2] =	stream.indirect.scatter.add.f32 [tilespmem:s12], [sflag:$0x1], $0x10, s18, s13, $0xb8;
	[tilespmem:$0x5800] =	vst v63  }
0x52: {  	_ =	swait.ge [sflag:s14], $0x800  }
0x53: {  	[sflag:s14] =	ssyncset.done $0x0  }
0x54: {  	[sflag:s14] =	ssyncadd.s32 $0xFFFFF800  }
0x55: {  	_ =	swait.ge [sflag:s14], $0x800  }
0x56: {  	[sflag:s14] =	ssyncset.done $0x0  }
0x57: {  	[sflag:s14] =	ssyncadd.s32 $0xFFFFF800  }
0x58: {  	_ =	swait.ge [sflag:s14], $0x800  }
0x59: {  	[sflag:s14] =	ssyncset.done $0x0  }
0x5a: {  	[sflag:s14] =	ssyncadd.s32 $0xFFFFF800  }
0x5b: {  	_ =	swait.ge [sflag:s14], $0x800  }
0x5c: {  	[sflag:s14] =	ssyncset.done $0x0  }
0x5d: {  	[sflag:s14] =	ssyncadd.s32 $0xFFFFF800  }
0x5e: {  	_ =	swait.ge [sflag:s14], $0x800  }
0x5f: {  	[sflag:s14] =	ssyncset.done $0x0  }
0x60: {  	[sflag:s14] =	ssyncadd.s32 $0xFFFFF800  }
0x61: {  	_ =	swait.ge [sflag:s14], $0x800  }
0x62: {  	[sflag:s14] =	ssyncset.done $0x0  }
0x63: {  	[sflag:s14] =	ssyncadd.s32 $0xFFFFF800  }
.Ltmp0:
0x64: {  	_ =	swait.ge [sflag:s14], $0x800;
	(pc) =	sbr.rel @p0 .LBB2_2-.Ltmp0, $4  }
0x65: {  	[sflag:s14] =	ssyncset.done $0x0  }
0x66: {  	[sflag:s14] =	ssyncadd.s32 $0xFFFFF800  }
0x67: {  	_ =	swait.ge [sflag:s14], $0x800  }
0x68: {  	s18 =	smov.u32 s17;
	[sflag:s14] =	ssyncset.done $0x0  }
0x69: {  	s16 =	sshra.s32 s16, $0x2;
	[sflag:s14] =	ssyncadd.s32 $0xFFFFF800  }
0x6a: {  	[spmem:s2] =	stream.indirect.scatter.add.f32 [tilespmem:s12], [sflag:$0x1], $0x10, s16, s13, $0xb8;
	[tilespmem:$0x5800] =	vst v63  }
0x6b: {  	s17 =	sadd.s32 $0x80, s16  }
0x6c: {  	[spmem:s2] =	stream.indirect.scatter.add.f32 [tilespmem:s12], [sflag:$0x1], $0x10, s17, s13, $0xb8;
	[tilespmem:$0x5800] =	vst v63  }
0x6d: {  	s26 =	sadd.s32 $0x100, s16  }
0x6e: {  	[spmem:s2] =	stream.indirect.scatter.add.f32 [tilespmem:s12], [sflag:$0x1], $0x10, s26, s13, $0xb8;
	[tilespmem:$0x5800] =	vst v63  }
0x6f: {  	s28 =	sadd.s32 $0x180, s16  }
0x70: {  	[spmem:s2] =	stream.indirect.scatter.add.f32 [tilespmem:s12], [sflag:$0x1], $0x10, s28, s13, $0xb8;
	[tilespmem:$0x5800] =	vst v63  }
0x71: {  	s29 =	sadd.s32 $0x200, s16  }
0x72: {  	[spmem:s2] =	stream.indirect.scatter.add.f32 [tilespmem:s12], [sflag:$0x1], $0x10, s29, s13, $0xb8;
	[tilespmem:$0x5800] =	vst v63  }
0x73: {  	s30 =	sadd.s32 $0x280, s16  }
0x74: {  	[spmem:s2] =	stream.indirect.scatter.add.f32 [tilespmem:s12], [sflag:$0x1], $0x10, s30, s13, $0xb8;
	[tilespmem:$0x5800] =	vst v63  }
0x75: {  	s31 =	sadd.s32 $0x300, s16  }
0x76: {  	[spmem:s2] =	stream.indirect.scatter.add.f32 [tilespmem:s12], [sflag:$0x1], $0x10, s31, s13, $0xb8;
	[tilespmem:$0x5800] =	vst v63  }
0x77: {  	s16 =	sadd.s32 $0x380, s16  }
0x78: {  	[spmem:s2] =	stream.indirect.scatter.add.f32 [tilespmem:s12], [sflag:$0x1], $0x10, s16, s13, $0xb8;
	[tilespmem:$0x5800] =	vst v63  }
0x79: {  	_ =	swait.ge [sflag:s14], $0x800  }
0x7a: {  	[sflag:s14] =	ssyncset.done $0x0  }
0x7b: {  	[sflag:s14] =	ssyncadd.s32 $0xFFFFF800  }
0x7c: {  	_ =	swait.ge [sflag:s14], $0x800  }
0x7d: {  	[sflag:s14] =	ssyncset.done $0x0  }
0x7e: {  	[sflag:s14] =	ssyncadd.s32 $0xFFFFF800  }
0x7f: {  	_ =	swait.ge [sflag:s14], $0x800  }
0x80: {  	[sflag:s14] =	ssyncset.done $0x0  }
0x81: {  	[sflag:s14] =	ssyncadd.s32 $0xFFFFF800  }
0x82: {  	_ =	swait.ge [sflag:s14], $0x800  }
0x83: {  	[sflag:s14] =	ssyncset.done $0x0  }
0x84: {  	[sflag:s14] =	ssyncadd.s32 $0xFFFFF800  }
0x85: {  	_ =	swait.ge [sflag:s14], $0x800  }
0x86: {  	[sflag:s14] =	ssyncset.done $0x0  }
0x87: {  	[sflag:s14] =	ssyncadd.s32 $0xFFFFF800  }
0x88: {  	_ =	swait.ge [sflag:s14], $0x800  }
0x89: {  	[sflag:s14] =	ssyncset.done $0x0  }
0x8a: {  	[sflag:s14] =	ssyncadd.s32 $0xFFFFF800  }
0x8b: {  	_ =	swait.ge [sflag:s14], $0x800  }
0x8c: {  	[sflag:s14] =	ssyncset.done $0x0  }
0x8d: {  	[sflag:s14] =	ssyncadd.s32 $0xFFFFF800  }
0x8e: {  	_ =	swait.ge [sflag:s14], $0x800  }
0x8f: {  	s15 =	sadd.s32 $0x1, s15;
	[sflag:s14] =	ssyncset.done $0x0  }
0x90: {  	p0 =	sne.s32 s15, s9;
	[sflag:s14] =	ssyncadd.s32 $0xFFFFF800  }
.Ltmp1:
0x91: {  	[bflag:$0x0] =	sbarrier.arrive $0xFFFF;
	(pc) =	sbr.rel @p0 .LBB2_1-.Ltmp1, $4  }
0x92: {  	[hbm:s8], [sflag:s6] =	dma.local [spmem:s10], $0x500  }
0x93: {  	_ =	swait.ge [sflag:s11], $0x500  }
0x94: {  	[sflag:s11] =	ssyncset.done $0x0  }
0x95: {  	[sflag:s11] =	ssyncadd.s32 $0xFFFFFB00  }
0x96: {  	_ =	sfence.sel $0x180000  }
0x97: {  	[bflag:$0x0] =	sbarrier.arrive $0xFFFF  }
0x98: {  	p0 =	sne.s32 s0, $0x0;
	_ =	strace $0x90000047  }
0x99: {  	s0 =	sadd.s32 @!p0 $0x100000, s1;
	[bflag:$0x2] =	sbarrier.arrive $0xFFFF  }
0x9a: {  	[sflag:s0] =	ssyncadd.tile.s32 @!p0 $0x1;
	_ =	shalt  }
.Lfunc_end2:
_tile_overlayer_lowered:
.L_overlay_start_2:
0x9b: {  	(tag) =	ssettag $0x2  }
0x9c: {  	s0 =	rddreg [dreg:$0x0];
	s2 =	stileid.u32  }
0x9d: {  	s1 =	rddreg [dreg:$0x1];
	p0 =	sne.s32 s2, $0x0  }
0x9e: {  	s3 =	rddreg [dreg:$0x2];
	[bflag:$0x3] =	sbarrier.arrive $0xFFFF;
	s2 =	simm.s32 @!p0 $0x1C02  }
0x9f: {  	[timem:s3], [sflag:s2] =	dma.local @!p0 [hbm:s0], s1  }
0xa0: {  	s0 =	simm.s32 @!p0 $0x2  }
0xa1: {  	_ =	swait.ge @!p0 [sflag:s0], s1  }
0xa2: {  	s1 =	ssub.s32 @!p0 $0x0, s1;
	[sflag:s0] =	ssyncset.done @!p0 $0x0  }
0xa3: {  	[sflag:s0] =	ssyncadd.s32 @!p0 s1  }
0xa4: {  	[bflag:$0x3] =	sbarrier.arrive $0xFFFF  }
0xa5: {  	_ =	shalt  }

</sc_bundles>
